<compile_context>
chip_gen: v7x
topology: tpu7x:2x2x1
jax: 0.10.2.dev20260603
libtpu: 0.0.44.dev20260713+nightly
codegen_flags: <defaults>
</compile_context>

<pallas_src>
import dataclasses
import functools

import jax
import jax.numpy as jnp
from jax import lax
from jax.experimental import pallas as pl
from jax.experimental.pallas import tpu as pltpu
from jax.experimental.pallas import tpu_sc as plsc

NC = 2
NS = 16
NW = NC * NS
LANES = 16
NBUF = 3


def _sc_compiler_params(tc_tiling=True):
    cp = pltpu.CompilerParams()
    if "needs_layout_passes" in pltpu.CompilerParams.__dataclass_fields__:
        cp = dataclasses.replace(cp, needs_layout_passes=False)
    if not tc_tiling:
        cp = dataclasses.replace(cp, use_tc_tiling_on_sc=False)
    return cp


def _sc_degree(ei_flat, zeros_hist, n_pad):
    e_per_tile = ei_flat.shape[2]
    mesh = plsc.VectorSubcoreMesh(core_axis_name="c", subcore_axis_name="s")

    @functools.partial(
        pl.kernel,
        out_type=jax.ShapeDtypeStruct((NW, n_pad), jnp.float32),
        mesh=mesh,
        scratch_types=[
            pltpu.VMEM((e_per_tile,), jnp.int32),
            pltpu.VMEM((n_pad,), jnp.float32),
        ],
        compiler_params=_sc_compiler_params(),
    )
    def deg_kernel(ei_hbm, zeros_hbm, out_hbm, dst_v, hist):
        c = lax.axis_index("c")
        s = lax.axis_index("s")
        wid = c * NS + s
        pltpu.sync_copy(ei_hbm.at[1, wid], dst_v)
        pltpu.sync_copy(zeros_hbm, hist)
        ones = jnp.ones((LANES,), jnp.float32)

        @pl.loop(0, e_per_tile // LANES)
        def _(i):
            d = dst_v[pl.ds(i * LANES, LANES)]
            plsc.addupdate_scatter(hist, [d], ones)

        pltpu.sync_copy(hist, out_hbm.at[wid])

    return deg_kernel(ei_flat, zeros_hist)


def _tc_transform(x_pad, W, deg_parts):
    n_pad, din = x_pad.shape
    dout = W.shape[1]
    blk = 1280
    grid = n_pad // blk

    def body(x_ref, w_ref, deg_ref, h2b_ref, dinv_ref):
        deg = jnp.sum(deg_ref[...], axis=0) + 1.0
        dinv = lax.rsqrt(deg)
        h = jnp.dot(x_ref[...], w_ref[...], preferred_element_type=jnp.float32)
        h2 = h * dinv[:, None]
        h2b_ref[...] = h2.astype(jnp.bfloat16)
        dinv_ref[...] = jnp.broadcast_to(
            dinv.astype(jnp.bfloat16)[:, None], (blk, 32))

    return pl.pallas_call(
        body,
        grid=(grid,),
        in_specs=[
            pl.BlockSpec((blk, din), lambda i: (i, 0)),
            pl.BlockSpec((din, dout), lambda i: (0, 0)),
            pl.BlockSpec((NW, blk), lambda i: (0, i)),
        ],
        out_specs=[
            pl.BlockSpec((blk, dout), lambda i: (i, 0)),
            pl.BlockSpec((blk, 32), lambda i: (i, 0)),
        ],
        out_shape=[
            jax.ShapeDtypeStruct((n_pad, dout), jnp.bfloat16),
            jax.ShapeDtypeStruct((n_pad, 32), jnp.bfloat16),
        ],
    )(x_pad, W, deg_parts)


def _sc_messages(ei_t, h2b, zeros_tile):
    _, _, ch, ck = ei_t.shape
    n_pad, dout = h2b.shape
    rows_per_tile = n_pad // NS
    n_zero_copies = rows_per_tile // ck
    rounds = ch // NBUF
    mesh = plsc.VectorSubcoreMesh(core_axis_name="c", subcore_axis_name="s")

    @functools.partial(
        pl.kernel,
        out_type=jax.ShapeDtypeStruct((NC, n_pad, dout), jnp.bfloat16),
        mesh=mesh,
        scratch_types=(
            [pltpu.VMEM((ch, ck), jnp.int32),
             pltpu.VMEM((ch, ck), jnp.int32),
             pltpu.VMEM_SHARED((n_pad, dout), jnp.bfloat16),
             pltpu.VMEM_SHARED((n_pad, dout), jnp.bfloat16)]
            + [pltpu.VMEM((ck, dout), jnp.bfloat16) for _ in range(NBUF)]
            + [pltpu.SemaphoreType.DMA for _ in range(2 * NBUF)]
        ),
        compiler_params=_sc_compiler_params(tc_tiling=False),
    )
    def msg_kernel(ei_hbm, h2_hbm, z_hbm, out_hbm,
                   src_v, dst_v, acc, table, *bufs_and_sems):
        bufs = bufs_and_sems[:NBUF]
        gsems = bufs_and_sems[NBUF:2 * NBUF]
        ssems = bufs_and_sems[2 * NBUF:3 * NBUF]
        c = lax.axis_index("c")
        s = lax.axis_index("s")
        wid = c * NS + s
        pltpu.sync_copy(ei_hbm.at[0, wid], src_v)
        pltpu.sync_copy(ei_hbm.at[1, wid], dst_v)
        pltpu.sync_copy(h2_hbm.at[pl.ds(s * rows_per_tile, rows_per_tile)],
                        table.at[pl.ds(s * rows_per_tile, rows_per_tile)])
        @pl.when(c == 0)
        def _():
            pltpu.sync_copy(
                h2_hbm.at[pl.ds(s * rows_per_tile, rows_per_tile)],
                acc.at[pl.ds(s * rows_per_tile, rows_per_tile)])

        @pl.when(c != 0)
        def _():
            pltpu.sync_copy(z_hbm, bufs[0])
            for k in range(n_zero_copies):
                pltpu.sync_copy(
                    bufs[0], acc.at[pl.ds(s * rows_per_tile + k * ck, ck)])
        plsc.subcore_barrier()

        def start_gather(j, b):
            pltpu.async_copy(table.at[src_v.at[j]], bufs[b], gsems[b])

        def wait_gather(j, b):
            pltpu.make_async_copy(table.at[src_v.at[j]], bufs[b],
                                  gsems[b]).wait()

        def start_scatter(j, b):
            pltpu.async_copy(bufs[b], acc.at[dst_v.at[j]], ssems[b], add=True)

        def wait_scatter(j, b):
            pltpu.make_async_copy(bufs[b], acc.at[dst_v.at[j]],
                                  ssems[b]).wait()

        for b in range(NBUF):
            start_gather(b, b)

        @pl.loop(0, rounds - 1)
        def _(jj):
            j0 = jj * NBUF
            for b in range(NBUF):
                wait_gather(j0 + b, b)
                start_scatter(j0 + b, b)
            for b in range(NBUF):
                wait_scatter(j0 + b, b)
                start_gather(j0 + NBUF + b, b)

        j0 = (rounds - 1) * NBUF
        for b in range(NBUF):
            wait_gather(j0 + b, b)
            start_scatter(j0 + b, b)
        for b in range(NBUF):
            wait_scatter(j0 + b, b)

        plsc.subcore_barrier()
        pltpu.sync_copy(acc.at[pl.ds(s * rows_per_tile, rows_per_tile)],
                        out_hbm.at[c, pl.ds(s * rows_per_tile, rows_per_tile)])

    return msg_kernel(ei_t, h2b, zeros_tile)


def _sc_epilogue(parts, dinv, b_bf, n_out):
    _, n_pad, dout = parts.shape
    rows_per_w = n_pad // NW
    full_w = n_out // rows_per_w
    rem = n_out - full_w * rows_per_w
    rb = 128
    groups = dout // 32
    mesh = plsc.VectorSubcoreMesh(core_axis_name="c", subcore_axis_name="s")

    def blocks_of(total):
        out = []
        o = 0
        while o < total:
            out.append((o, min(rb, total - o)))
            o += rb
        return out

    @functools.partial(
        pl.kernel,
        out_type=jax.ShapeDtypeStruct((n_out, dout), jnp.bfloat16),
        mesh=mesh,
        scratch_types=[
            pltpu.VMEM((rb, dout), jnp.bfloat16),
            pltpu.VMEM((rb, dout), jnp.bfloat16),
            pltpu.VMEM((rows_per_w, 32), jnp.bfloat16),
            pltpu.VMEM((dout,), jnp.bfloat16),
        ],
        compiler_params=_sc_compiler_params(tc_tiling=False),
    )
    def epi_kernel(p_hbm, dinv_hbm, b_hbm, out_hbm, p0v, p1v, dinv_v, bvec):
        c = lax.axis_index("c")
        s = lax.axis_index("s")
        wid = c * NS + s
        base = wid * rows_per_w
        pltpu.sync_copy(dinv_hbm.at[pl.ds(base, rows_per_w)], dinv_v)
        pltpu.sync_copy(b_hbm, bvec)
        bvals = [bvec[pl.ds(g * 32, 32)] for g in range(groups)]

        def do_block(off, nrows):
            pltpu.sync_copy(p_hbm.at[0, pl.ds(base + off, nrows)],
                            p0v.at[pl.ds(0, nrows)])
            pltpu.sync_copy(p_hbm.at[1, pl.ds(base + off, nrows)],
                            p1v.at[pl.ds(0, nrows)])

            @pl.loop(0, nrows)
            def _(r):
                dv = dinv_v.at[off + r][pl.ds(0, 32)]
                row0 = p0v.at[r]
                row1 = p1v.at[r]
                for g in range(groups):
                    sl = pl.ds(g * 32, 32)
                    v = row0[sl] + row1[sl]
                    row0[sl] = jnp.maximum(v * dv + bvals[g], 0)

            pltpu.sync_copy(p0v.at[pl.ds(0, nrows)],
                            out_hbm.at[pl.ds(base + off, nrows)])

        @pl.when(wid < full_w)
        def _():
            for off, nrows in blocks_of(rows_per_w):
                do_block(off, nrows)

        if rem:
            @pl.when(wid == full_w)
            def _():
                for off, nrows in blocks_of(rem):
                    do_block(off, nrows)

    return epi_kernel(parts, dinv, b_bf)


def kernel(x, edge_index, W, b):
    n, din = x.shape
    dout = W.shape[1]
    e = edge_index.shape[1]

    ck = 128
    n_pad = ((n + NS * ck - 1) // (NS * ck)) * (NS * ck)
    x_pad = jnp.concatenate(
        [x, jnp.zeros((n_pad - n, din), jnp.float32)], axis=0)

    e_pad = ((e + NW * ck * NBUF - 1) // (NW * ck * NBUF)) * (NW * ck * NBUF)
    ei = jnp.concatenate(
        [edge_index.astype(jnp.int32),
         jnp.full((2, e_pad - e), n, jnp.int32)], axis=1)
    ei_t = ei.reshape(2, NW, e_pad // (NW * ck), ck)
    ei_flat = ei.reshape(2, NW, e_pad // NW)

    zeros_hist = jnp.zeros((n_pad,), jnp.float32)
    deg_parts = _sc_degree(ei_flat, zeros_hist, n_pad)

    h2b, dinv = _tc_transform(x_pad, W, deg_parts)

    zeros_tile = jnp.zeros((ck, dout), jnp.bfloat16)
    parts = _sc_messages(ei_t, h2b, zeros_tile)

    out_bf = _sc_epilogue(parts, dinv, b.astype(jnp.bfloat16), n)
    return out_bf.astype(jnp.float32)

# --- scband reference (transcript-rebuilt; emitter-appended) ---
"""Pipeline reference for scband-message-passing-layer-27127013442152 (READ-ONLY COPY).

The authoritative reference and input builder live on the scoring server;
editing this copy changes nothing except your own understanding.
"""

import jax, jax.numpy as jnp
import numpy as np

N_NODES = 10000
N_EDGES = 320000
IN_DIM = 128
OUT_DIM = 128


def setup_inputs(seed: int = 0) -> dict:
    key = jax.random.key(seed)
    k1, k2, k3, k4 = jax.random.split(key, 4)
    x = jax.random.normal(k1, (N_NODES, IN_DIM), dtype=jnp.float32)
    edge_index = jax.random.randint(k2, (2, N_EDGES), 0, N_NODES, dtype=jnp.int64)
    # GCNConv linear weight (no bias inside lin in PyG; conv has a separate bias)
    W = jax.random.normal(k3, (IN_DIM, OUT_DIM), dtype=jnp.float32) * (1.0 / np.sqrt(IN_DIM))
    b = jax.random.normal(k4, (OUT_DIM,), dtype=jnp.float32) * 0.01
    return {"x": x, "edge_index": edge_index, "W": W, "b": b}


def reference(x, edge_index, W, b):
    # MessagePassingLayer(conv_type='gcn', activation='relu', dropout=0.0,
    #                     use_bn=False, skip_type='none').forward_full(x, edge_index)
    # GCNConv with normalize=True, add_self_loops=True (PyG defaults).
    N = x.shape[0]
    src = edge_index[0]
    dst = edge_index[1]
    loop = jnp.arange(N, dtype=edge_index.dtype)
    src_full = jnp.concatenate([src, loop])
    dst_full = jnp.concatenate([dst, loop])
    # symmetric normalization: deg over destination nodes (edge_weight = 1)
    deg = jnp.zeros((N,), dtype=x.dtype).at[dst_full].add(1.0)
    deg_inv_sqrt = jnp.where(deg > 0, 1.0 / jnp.sqrt(deg), 0.0)
    norm = deg_inv_sqrt[src_full] * deg_inv_sqrt[dst_full]
    # linear transform then propagate (gather -> scale -> scatter-add)
    h = x @ W
    msgs = h[src_full] * norm[:, None]
    out = jnp.zeros((N, h.shape[1]), dtype=x.dtype).at[dst_full].add(msgs)
    out = out + b
    # skip_type='none' -> no skip; use_bn=False -> identity; relu; dropout p=0 -> identity
    out = jax.nn.relu(out)
    return out

if __name__ == "__main__":
    import jax
    _d = setup_inputs()
    print(jax.jit(kernel)(*tuple(_d.values())))

</pallas_src>

<mosaic_0001>
#map = affine_map<(d0, d1) -> (0, 0, 0)>
#map1 = affine_map<(d0, d1) -> (0)>
#map2 = affine_map<(d0, d1) -> (0, 0)>
module attributes {stable_mosaic.version = 14 : i64} {
  func.func @deg_kernel(%arg0: i32, %arg1: i32, %arg2: memref<2x32x10368xi32, #tpu.memory_space<hbm>>, %arg3: memref<10240xf32, #tpu.memory_space<hbm>>, %arg4: memref<32x10240xf32, #tpu.memory_space<hbm>>, %arg5: memref<10368xi32, #tpu.memory_space<vmem>>, %arg6: memref<10240xf32, #tpu.memory_space<vmem>>) attributes {dimension_semantics = [#tpu.dimension_semantics<core_parallel>, #tpu.dimension_semantics<subcore_parallel>], iteration_bounds = array<i64: 2, 16>, scalar_prefetch = 0 : i64, scratch_operands = 2 : i64, tpu.core_type = #tpu.core_type<sc_vector_subcore>, window_params = [{transform_indices = #map}, {transform_indices = #map1}, {transform_indices = #map2}]} {
    %mul3A = arith.constant 16 : i32
    %mul3A_0 = arith.muli %arg0, %mul3A : i32
    %add3A = arith.addi %mul3A_0, %arg1 : i32
    %run_scoped3A = arith.constant 1 : i32
    "tpu.region"() ({
      %run_scoped3A_6 = tpu.sem_alloc : memref<!tpu.dma_semaphore, #tpu.memory_space<semaphore_mem>>
      %dma_start3A = arith.constant 0 : i32
      %dma_start3A_7 = tpu.memref_slice %arg2[%run_scoped3A, %add3A, %dma_start3A] : memref<2x32x10368xi32, #tpu.memory_space<hbm>> -> memref<1x1x10368xi32, #tpu.memory_space<hbm>>
      %dma_start3A_8 = tpu.memref_squeeze %dma_start3A_7 : memref<1x1x10368xi32, #tpu.memory_space<hbm>> -> memref<10368xi32, #tpu.memory_space<hbm>>
      %dma_start3A_9 = arith.constant 0 : i32
      %dma_start3A_10 = tpu.memref_slice %arg2[%run_scoped3A, %add3A, %dma_start3A_9] : memref<2x32x10368xi32, #tpu.memory_space<hbm>> -> memref<1x1x10368xi32, #tpu.memory_space<hbm>>
      %dma_start3A_11 = tpu.memref_squeeze %dma_start3A_10 : memref<1x1x10368xi32, #tpu.memory_space<hbm>> -> memref<10368xi32, #tpu.memory_space<hbm>>
      tpu.enqueue_dma source(%dma_start3A_11 : memref<10368xi32, #tpu.memory_space<hbm>>) target(%arg5 : memref<10368xi32, #tpu.memory_space<vmem>>) target_semaphore(%run_scoped3A_6 : memref<!tpu.dma_semaphore, #tpu.memory_space<semaphore_mem>>)
      %dma_wait3A = arith.constant 0 : i32
      %dma_wait3A_12 = tpu.memref_slice %arg2[%run_scoped3A, %add3A, %dma_wait3A] : memref<2x32x10368xi32, #tpu.memory_space<hbm>> -> memref<1x1x10368xi32, #tpu.memory_space<hbm>>
      %dma_wait3A_13 = tpu.memref_squeeze %dma_wait3A_12 : memref<1x1x10368xi32, #tpu.memory_space<hbm>> -> memref<10368xi32, #tpu.memory_space<hbm>>
      %dma_wait3A_14 = arith.constant 0 : i32
      %dma_wait3A_15 = tpu.memref_slice %arg2[%run_scoped3A, %add3A, %dma_wait3A_14] : memref<2x32x10368xi32, #tpu.memory_space<hbm>> -> memref<1x1x10368xi32, #tpu.memory_space<hbm>>
      %dma_wait3A_16 = tpu.memref_squeeze %dma_wait3A_15 : memref<1x1x10368xi32, #tpu.memory_space<hbm>> -> memref<10368xi32, #tpu.memory_space<hbm>>
      tpu.wait_dma2 semaphore(%run_scoped3A_6 : memref<!tpu.dma_semaphore, #tpu.memory_space<semaphore_mem>>) src(%dma_wait3A_16 : memref<10368xi32, #tpu.memory_space<hbm>>) dst(%arg5 : memref<10368xi32, #tpu.memory_space<vmem>>)
      tpu.yield
    }) : () -> ()
    "tpu.region"() ({
      %run_scoped3A_6 = tpu.sem_alloc : memref<!tpu.dma_semaphore, #tpu.memory_space<semaphore_mem>>
      tpu.enqueue_dma source(%arg3 : memref<10240xf32, #tpu.memory_space<hbm>>) target(%arg6 : memref<10240xf32, #tpu.memory_space<vmem>>) target_semaphore(%run_scoped3A_6 : memref<!tpu.dma_semaphore, #tpu.memory_space<semaphore_mem>>)
      tpu.wait_dma2 semaphore(%run_scoped3A_6 : memref<!tpu.dma_semaphore, #tpu.memory_space<semaphore_mem>>) src(%arg3 : memref<10240xf32, #tpu.memory_space<hbm>>) dst(%arg6 : memref<10240xf32, #tpu.memory_space<vmem>>)
      tpu.yield
    }) : () -> ()
    %broadcast_in_dim3A = arith.constant 1.000000e+00 : f32
    %broadcast_in_dim3A_1 = vector.broadcast %broadcast_in_dim3A : f32 to vector<16xf32>
    %scan3A = arith.constant 0 : i32
    %scan3A_2 = arith.constant 648 : i32
    %scan3A_3 = arith.addi %scan3A, %scan3A_2 : i32
    %scan3A_4 = arith.constant 1 : i32
    scf.for %scan3A_6 = %scan3A to %scan3A_3 step %scan3A_4  : i32 {
      %mul3A_7 = arith.constant 1 : i32
      %mul3A_8 = arith.muli %scan3A_6, %mul3A_7 : i32
      %add3A_9 = arith.constant 0 : i32
      %add3A_10 = arith.addi %add3A_9, %mul3A_8 : i32
      %mul3A_11 = arith.constant 16 : i32
      %mul3A_12 = arith.muli %add3A_10, %mul3A_11 : i32
      %get3A = arith.index_cast %mul3A_12 : i32 to index
      %get3A_13 = tpu.vector_load %arg5[%get3A] {strides = array<i32>} : memref<10368xi32, #tpu.memory_space<vmem>>, vector<16xi32>,
      tpu.vector_store_idx %arg6[%get3A_13], %broadcast_in_dim3A_1 {add = true} : memref<10240xf32, #tpu.memory_space<vmem>>[vector<16xi32>], vector<16xf32>,
    }
    %scan3A_5 = arith.constant 648 : i32
    "tpu.region"() ({
      %run_scoped3A_6 = tpu.sem_alloc : memref<!tpu.dma_semaphore, #tpu.memory_space<semaphore_mem>>
      %dma_start3A = arith.constant 0 : i32
      %dma_start3A_7 = tpu.memref_slice %arg4[%add3A, %dma_start3A] : memref<32x10240xf32, #tpu.memory_space<hbm>> -> memref<1x10240xf32, #tpu.memory_space<hbm>>
      %dma_start3A_8 = tpu.memref_squeeze %dma_start3A_7 : memref<1x10240xf32, #tpu.memory_space<hbm>> -> memref<10240xf32, #tpu.memory_space<hbm>>
      %dma_start3A_9 = arith.constant 0 : i32
      %dma_start3A_10 = tpu.memref_slice %arg4[%add3A, %dma_start3A_9] : memref<32x10240xf32, #tpu.memory_space<hbm>> -> memref<1x10240xf32, #tpu.memory_space<hbm>>
      %dma_start3A_11 = tpu.memref_squeeze %dma_start3A_10 : memref<1x10240xf32, #tpu.memory_space<hbm>> -> memref<10240xf32, #tpu.memory_space<hbm>>
      tpu.enqueue_dma source(%arg6 : memref<10240xf32, #tpu.memory_space<vmem>>) target(%dma_start3A_11 : memref<10240xf32, #tpu.memory_space<hbm>>) target_semaphore(%run_scoped3A_6 : memref<!tpu.dma_semaphore, #tpu.memory_space<semaphore_mem>>)
      %dma_wait3A = arith.constant 0 : i32
      %dma_wait3A_12 = tpu.memref_slice %arg4[%add3A, %dma_wait3A] : memref<32x10240xf32, #tpu.memory_space<hbm>> -> memref<1x10240xf32, #tpu.memory_space<hbm>>
      %dma_wait3A_13 = tpu.memref_squeeze %dma_wait3A_12 : memref<1x10240xf32, #tpu.memory_space<hbm>> -> memref<10240xf32, #tpu.memory_space<hbm>>
      %dma_wait3A_14 = arith.constant 0 : i32
      %dma_wait3A_15 = tpu.memref_slice %arg4[%add3A, %dma_wait3A_14] : memref<32x10240xf32, #tpu.memory_space<hbm>> -> memref<1x10240xf32, #tpu.memory_space<hbm>>
      %dma_wait3A_16 = tpu.memref_squeeze %dma_wait3A_15 : memref<1x10240xf32, #tpu.memory_space<hbm>> -> memref<10240xf32, #tpu.memory_space<hbm>>
      tpu.wait_dma2 semaphore(%run_scoped3A_6 : memref<!tpu.dma_semaphore, #tpu.memory_space<semaphore_mem>>) src(%arg6 : memref<10240xf32, #tpu.memory_space<vmem>>) dst(%dma_wait3A_16 : memref<10240xf32, #tpu.memory_space<hbm>>)
      tpu.yield
    }) : () -> ()
    return
  }
}

#map = affine_map<(d0, d1) -> (0, 0, 0, 0)>
#map1 = affine_map<(d0, d1) -> (0, 0)>
#map2 = affine_map<(d0, d1) -> (0, 0, 0)>
module attributes {stable_mosaic.version = 14 : i64} {
  func.func @msg_kernel(%arg0: i32, %arg1: i32, %arg2: memref<2x32x81x128xi32, #tpu.memory_space<hbm>>, %arg3: memref<10240x128xbf16, #tpu.memory_space<hbm>>, %arg4: memref<128x128xbf16, #tpu.memory_space<hbm>>, %arg5: memref<2x10240x128xbf16, #tpu.memory_space<hbm>>, %arg6: memref<81x128xi32, #tpu.memory_space<vmem>>, %arg7: memref<81x128xi32, #tpu.memory_space<vmem>>, %arg8: memref<10240x128xbf16, #tpu.memory_space<vmem_shared>>, %arg9: memref<10240x128xbf16, #tpu.memory_space<vmem_shared>>, %arg10: memref<128x128xbf16, #tpu.memory_space<vmem>>, %arg11: memref<128x128xbf16, #tpu.memory_space<vmem>>, %arg12: memref<128x128xbf16, #tpu.memory_space<vmem>>, %arg13: memref<!tpu.dma_semaphore, #tpu.memory_space<semaphore_mem>>, %arg14: memref<!tpu.dma_semaphore, #tpu.memory_space<semaphore_mem>>, %arg15: memref<!tpu.dma_semaphore, #tpu.memory_space<semaphore_mem>>, %arg16: memref<!tpu.dma_semaphore, #tpu.memory_space<semaphore_mem>>, %arg17: memref<!tpu.dma_semaphore, #tpu.memory_space<semaphore_mem>>, %arg18: memref<!tpu.dma_semaphore, #tpu.memory_space<semaphore_mem>>) attributes {dimension_semantics = [#tpu.dimension_semantics<core_parallel>, #tpu.dimension_semantics<subcore_parallel>], iteration_bounds = array<i64: 2, 16>, scalar_prefetch = 0 : i64, scratch_operands = 13 : i64, tpu.core_type = #tpu.core_type<sc_vector_subcore>, window_params = [{transform_indices = #map}, {transform_indices = #map1}, {transform_indices = #map1}, {transform_indices = #map2}]} {
    %mul3A = arith.constant 16 : i32
    %mul3A_0 = arith.muli %arg0, %mul3A : i32
    %add3A = arith.addi %mul3A_0, %arg1 : i32
    %run_scoped3A = arith.constant 0 : i32
    "tpu.region"() ({
      %run_scoped3A_103 = tpu.sem_alloc : memref<!tpu.dma_semaphore, #tpu.memory_space<semaphore_mem>>
      %dma_start3A_104 = arith.constant 0 : i32
      %dma_start3A_105 = arith.constant 0 : i32
      %dma_start3A_106 = tpu.memref_slice %arg2[%run_scoped3A, %add3A, %dma_start3A_104, %dma_start3A_105] : memref<2x32x81x128xi32, #tpu.memory_space<hbm>> -> memref<1x1x81x128xi32, #tpu.memory_space<hbm>>
      %dma_start3A_107 = tpu.memref_squeeze %dma_start3A_106 : memref<1x1x81x128xi32, #tpu.memory_space<hbm>> -> memref<81x128xi32, #tpu.memory_space<hbm>>
      %dma_start3A_108 = arith.constant 0 : i32
      %dma_start3A_109 = arith.constant 0 : i32
      %dma_start3A_110 = tpu.memref_slice %arg2[%run_scoped3A, %add3A, %dma_start3A_108, %dma_start3A_109] : memref<2x32x81x128xi32, #tpu.memory_space<hbm>> -> memref<1x1x81x128xi32, #tpu.memory_space<hbm>>
      %dma_start3A_111 = tpu.memref_squeeze %dma_start3A_110 : memref<1x1x81x128xi32, #tpu.memory_space<hbm>> -> memref<81x128xi32, #tpu.memory_space<hbm>>
      tpu.enqueue_dma source(%dma_start3A_111 : memref<81x128xi32, #tpu.memory_space<hbm>>) target(%arg6 : memref<81x128xi32, #tpu.memory_space<vmem>>) target_semaphore(%run_scoped3A_103 : memref<!tpu.dma_semaphore, #tpu.memory_space<semaphore_mem>>)
      %dma_wait3A_112 = arith.constant 0 : i32
      %dma_wait3A_113 = arith.constant 0 : i32
      %dma_wait3A_114 = tpu.memref_slice %arg2[%run_scoped3A, %add3A, %dma_wait3A_112, %dma_wait3A_113] : memref<2x32x81x128xi32, #tpu.memory_space<hbm>> -> memref<1x1x81x128xi32, #tpu.memory_space<hbm>>
      %dma_wait3A_115 = tpu.memref_squeeze %dma_wait3A_114 : memref<1x1x81x128xi32, #tpu.memory_space<hbm>> -> memref<81x128xi32, #tpu.memory_space<hbm>>
      %dma_wait3A_116 = arith.constant 0 : i32
      %dma_wait3A_117 = arith.constant 0 : i32
      %dma_wait3A_118 = tpu.memref_slice %arg2[%run_scoped3A, %add3A, %dma_wait3A_116, %dma_wait3A_117] : memref<2x32x81x128xi32, #tpu.memory_space<hbm>> -> memref<1x1x81x128xi32, #tpu.memory_space<hbm>>
      %dma_wait3A_119 = tpu.memref_squeeze %dma_wait3A_118 : memref<1x1x81x128xi32, #tpu.memory_space<hbm>> -> memref<81x128xi32, #tpu.memory_space<hbm>>
      tpu.wait_dma2 semaphore(%run_scoped3A_103 : memref<!tpu.dma_semaphore, #tpu.memory_space<semaphore_mem>>) src(%dma_wait3A_119 : memref<81x128xi32, #tpu.memory_space<hbm>>) dst(%arg6 : memref<81x128xi32, #tpu.memory_space<vmem>>)
      tpu.yield
    }) : () -> ()
    %run_scoped3A_1 = arith.constant 1 : i32
    "tpu.region"() ({
      %run_scoped3A_103 = tpu.sem_alloc : memref<!tpu.dma_semaphore, #tpu.memory_space<semaphore_mem>>
      %dma_start3A_104 = arith.constant 0 : i32
      %dma_start3A_105 = arith.constant 0 : i32
      %dma_start3A_106 = tpu.memref_slice %arg2[%run_scoped3A_1, %add3A, %dma_start3A_104, %dma_start3A_105] : memref<2x32x81x128xi32, #tpu.memory_space<hbm>> -> memref<1x1x81x128xi32, #tpu.memory_space<hbm>>
      %dma_start3A_107 = tpu.memref_squeeze %dma_start3A_106 : memref<1x1x81x128xi32, #tpu.memory_space<hbm>> -> memref<81x128xi32, #tpu.memory_space<hbm>>
      %dma_start3A_108 = arith.constant 0 : i32
      %dma_start3A_109 = arith.constant 0 : i32
      %dma_start3A_110 = tpu.memref_slice %arg2[%run_scoped3A_1, %add3A, %dma_start3A_108, %dma_start3A_109] : memref<2x32x81x128xi32, #tpu.memory_space<hbm>> -> memref<1x1x81x128xi32, #tpu.memory_space<hbm>>
      %dma_start3A_111 = tpu.memref_squeeze %dma_start3A_110 : memref<1x1x81x128xi32, #tpu.memory_space<hbm>> -> memref<81x128xi32, #tpu.memory_space<hbm>>
      tpu.enqueue_dma source(%dma_start3A_111 : memref<81x128xi32, #tpu.memory_space<hbm>>) target(%arg7 : memref<81x128xi32, #tpu.memory_space<vmem>>) target_semaphore(%run_scoped3A_103 : memref<!tpu.dma_semaphore, #tpu.memory_space<semaphore_mem>>)
      %dma_wait3A_112 = arith.constant 0 : i32
      %dma_wait3A_113 = arith.constant 0 : i32
      %dma_wait3A_114 = tpu.memref_slice %arg2[%run_scoped3A_1, %add3A, %dma_wait3A_112, %dma_wait3A_113] : memref<2x32x81x128xi32, #tpu.memory_space<hbm>> -> memref<1x1x81x128xi32, #tpu.memory_space<hbm>>
      %dma_wait3A_115 = tpu.memref_squeeze %dma_wait3A_114 : memref<1x1x81x128xi32, #tpu.memory_space<hbm>> -> memref<81x128xi32, #tpu.memory_space<hbm>>
      %dma_wait3A_116 = arith.constant 0 : i32
      %dma_wait3A_117 = arith.constant 0 : i32
      %dma_wait3A_118 = tpu.memref_slice %arg2[%run_scoped3A_1, %add3A, %dma_wait3A_116, %dma_wait3A_117] : memref<2x32x81x128xi32, #tpu.memory_space<hbm>> -> memref<1x1x81x128xi32, #tpu.memory_space<hbm>>
      %dma_wait3A_119 = tpu.memref_squeeze %dma_wait3A_118 : memref<1x1x81x128xi32, #tpu.memory_space<hbm>> -> memref<81x128xi32, #tpu.memory_space<hbm>>
      tpu.wait_dma2 semaphore(%run_scoped3A_103 : memref<!tpu.dma_semaphore, #tpu.memory_space<semaphore_mem>>) src(%dma_wait3A_119 : memref<81x128xi32, #tpu.memory_space<hbm>>) dst(%arg7 : memref<81x128xi32, #tpu.memory_space<vmem>>)
      tpu.yield
    }) : () -> ()
    %mul3A_2 = arith.constant 640 : i32
    %mul3A_3 = arith.muli %arg1, %mul3A_2 : i32
    %mul3A_4 = arith.constant 640 : i32
    %mul3A_5 = arith.muli %arg1, %mul3A_4 : i32
    "tpu.region"() ({
      %run_scoped3A_103 = tpu.sem_alloc : memref<!tpu.dma_semaphore, #tpu.memory_space<semaphore_mem>>
      %dma_start3A_104 = arith.constant 0 : i32
      %dma_start3A_105 = tpu.memref_slice %arg9[%mul3A_5, %dma_start3A_104] : memref<10240x128xbf16, #tpu.memory_space<vmem_shared>> -> memref<640x128xbf16, #tpu.memory_space<vmem_shared>>
      %dma_start3A_106 = arith.constant 0 : i32
      %dma_start3A_107 = tpu.memref_slice %arg3[%mul3A_3, %dma_start3A_106] : memref<10240x128xbf16, #tpu.memory_space<hbm>> -> memref<640x128xbf16, #tpu.memory_space<hbm>>
      tpu.enqueue_dma source(%dma_start3A_107 : memref<640x128xbf16, #tpu.memory_space<hbm>>) target(%dma_start3A_105 : memref<640x128xbf16, #tpu.memory_space<vmem_shared>>) target_semaphore(%run_scoped3A_103 : memref<!tpu.dma_semaphore, #tpu.memory_space<semaphore_mem>>)
      %dma_wait3A_108 = arith.constant 0 : i32
      %dma_wait3A_109 = tpu.memref_slice %arg9[%mul3A_5, %dma_wait3A_108] : memref<10240x128xbf16, #tpu.memory_space<vmem_shared>> -> memref<640x128xbf16, #tpu.memory_space<vmem_shared>>
      %dma_wait3A_110 = arith.constant 0 : i32
      %dma_wait3A_111 = tpu.memref_slice %arg3[%mul3A_3, %dma_wait3A_110] : memref<10240x128xbf16, #tpu.memory_space<hbm>> -> memref<640x128xbf16, #tpu.memory_space<hbm>>
      tpu.wait_dma2 semaphore(%run_scoped3A_103 : memref<!tpu.dma_semaphore, #tpu.memory_space<semaphore_mem>>) src(%dma_wait3A_111 : memref<640x128xbf16, #tpu.memory_space<hbm>>) dst(%dma_wait3A_109 : memref<640x128xbf16, #tpu.memory_space<vmem_shared>>)
      tpu.yield
    }) : () -> ()
    %eq3A = arith.constant 0 : i32
    %eq3A_6 = arith.cmpi eq, %arg0, %eq3A : i32
    %convert_element_type3A = arith.extui %eq3A_6 : i1 to i32
    %cond3A = arith.constant 0 : i32
    %cond3A_7 = arith.cmpi ne, %convert_element_type3A, %cond3A : i32
    scf.if %cond3A_7 {
      %mul3A_103 = arith.constant 640 : i32
      %mul3A_104 = arith.muli %arg1, %mul3A_103 : i32
      %mul3A_105 = arith.constant 640 : i32
      %mul3A_106 = arith.muli %arg1, %mul3A_105 : i32
      "tpu.region"() ({
        %run_scoped3A_107 = tpu.sem_alloc : memref<!tpu.dma_semaphore, #tpu.memory_space<semaphore_mem>>
        %dma_start3A_108 = arith.constant 0 : i32
        %dma_start3A_109 = tpu.memref_slice %arg8[%mul3A_106, %dma_start3A_108] : memref<10240x128xbf16, #tpu.memory_space<vmem_shared>> -> memref<640x128xbf16, #tpu.memory_space<vmem_shared>>
        %dma_start3A_110 = arith.constant 0 : i32
        %dma_start3A_111 = tpu.memref_slice %arg3[%mul3A_104, %dma_start3A_110] : memref<10240x128xbf16, #tpu.memory_space<hbm>> -> memref<640x128xbf16, #tpu.memory_space<hbm>>
        tpu.enqueue_dma source(%dma_start3A_111 : memref<640x128xbf16, #tpu.memory_space<hbm>>) target(%dma_start3A_109 : memref<640x128xbf16, #tpu.memory_space<vmem_shared>>) target_semaphore(%run_scoped3A_107 : memref<!tpu.dma_semaphore, #tpu.memory_space<semaphore_mem>>)
        %dma_wait3A_112 = arith.constant 0 : i32
        %dma_wait3A_113 = tpu.memref_slice %arg8[%mul3A_106, %dma_wait3A_112] : memref<10240x128xbf16, #tpu.memory_space<vmem_shared>> -> memref<640x128xbf16, #tpu.memory_space<vmem_shared>>
        %dma_wait3A_114 = arith.constant 0 : i32
        %dma_wait3A_115 = tpu.memref_slice %arg3[%mul3A_104, %dma_wait3A_114] : memref<10240x128xbf16, #tpu.memory_space<hbm>> -> memref<640x128xbf16, #tpu.memory_space<hbm>>
        tpu.wait_dma2 semaphore(%run_scoped3A_107 : memref<!tpu.dma_semaphore, #tpu.memory_space<semaphore_mem>>) src(%dma_wait3A_115 : memref<640x128xbf16, #tpu.memory_space<hbm>>) dst(%dma_wait3A_113 : memref<640x128xbf16, #tpu.memory_space<vmem_shared>>)
        tpu.yield
      }) : () -> ()
    } else {
    }
    %ne3A = arith.constant 0 : i32
    %ne3A_8 = arith.cmpi ne, %arg0, %ne3A : i32
    %convert_element_type3A_9 = arith.extui %ne3A_8 : i1 to i32
    %cond3A_10 = arith.constant 0 : i32
    %cond3A_11 = arith.cmpi ne, %convert_element_type3A_9, %cond3A_10 : i32
    scf.if %cond3A_11 {
      "tpu.region"() ({
        %run_scoped3A_123 = tpu.sem_alloc : memref<!tpu.dma_semaphore, #tpu.memory_space<semaphore_mem>>
        tpu.enqueue_dma source(%arg4 : memref<128x128xbf16, #tpu.memory_space<hbm>>) target(%arg10 : memref<128x128xbf16, #tpu.memory_space<vmem>>) target_semaphore(%run_scoped3A_123 : memref<!tpu.dma_semaphore, #tpu.memory_space<semaphore_mem>>)
        tpu.wait_dma2 semaphore(%run_scoped3A_123 : memref<!tpu.dma_semaphore, #tpu.memory_space<semaphore_mem>>) src(%arg4 : memref<128x128xbf16, #tpu.memory_space<hbm>>) dst(%arg10 : memref<128x128xbf16, #tpu.memory_space<vmem>>)
        tpu.yield
      }) : () -> ()
      %mul3A_103 = arith.constant 640 : i32
      %mul3A_104 = arith.muli %arg1, %mul3A_103 : i32
      %add3A_105 = arith.constant 0 : i32
      %add3A_106 = arith.addi %mul3A_104, %add3A_105 : i32
      "tpu.region"() ({
        %run_scoped3A_123 = tpu.sem_alloc : memref<!tpu.dma_semaphore, #tpu.memory_space<semaphore_mem>>
        %dma_start3A_124 = arith.constant 0 : i32
        %dma_start3A_125 = tpu.memref_slice %arg8[%add3A_106, %dma_start3A_124] : memref<10240x128xbf16, #tpu.memory_space<vmem_shared>> -> memref<128x128xbf16, #tpu.memory_space<vmem_shared>>
        %dma_start3A_126 = arith.constant 0 : i32
        %dma_start3A_127 = tpu.memref_slice %arg8[%add3A_106, %dma_start3A_126] : memref<10240x128xbf16, #tpu.memory_space<vmem_shared>> -> memref<128x128xbf16, #tpu.memory_space<vmem_shared>>
        tpu.enqueue_dma source(%arg10 : memref<128x128xbf16, #tpu.memory_space<vmem>>) target(%dma_start3A_127 : memref<128x128xbf16, #tpu.memory_space<vmem_shared>>) target_semaphore(%run_scoped3A_123 : memref<!tpu.dma_semaphore, #tpu.memory_space<semaphore_mem>>)
        %dma_wait3A_128 = arith.constant 0 : i32
        %dma_wait3A_129 = tpu.memref_slice %arg8[%add3A_106, %dma_wait3A_128] : memref<10240x128xbf16, #tpu.memory_space<vmem_shared>> -> memref<128x128xbf16, #tpu.memory_space<vmem_shared>>
        %dma_wait3A_130 = arith.constant 0 : i32
        %dma_wait3A_131 = tpu.memref_slice %arg8[%add3A_106, %dma_wait3A_130] : memref<10240x128xbf16, #tpu.memory_space<vmem_shared>> -> memref<128x128xbf16, #tpu.memory_space<vmem_shared>>
        tpu.wait_dma2 semaphore(%run_scoped3A_123 : memref<!tpu.dma_semaphore, #tpu.memory_space<semaphore_mem>>) src(%arg10 : memref<128x128xbf16, #tpu.memory_space<vmem>>) dst(%dma_wait3A_131 : memref<128x128xbf16, #tpu.memory_space<vmem_shared>>)
        tpu.yield
      }) : () -> ()
      %mul3A_107 = arith.constant 640 : i32
      %mul3A_108 = arith.muli %arg1, %mul3A_107 : i32
      %add3A_109 = arith.constant 128 : i32
      %add3A_110 = arith.addi %mul3A_108, %add3A_109 : i32
      "tpu.region"() ({
        %run_scoped3A_123 = tpu.sem_alloc : memref<!tpu.dma_semaphore, #tpu.memory_space<semaphore_mem>>
        %dma_start3A_124 = arith.constant 0 : i32
        %dma_start3A_125 = tpu.memref_slice %arg8[%add3A_110, %dma_start3A_124] : memref<10240x128xbf16, #tpu.memory_space<vmem_shared>> -> memref<128x128xbf16, #tpu.memory_space<vmem_shared>>
        %dma_start3A_126 = arith.constant 0 : i32
        %dma_start3A_127 = tpu.memref_slice %arg8[%add3A_110, %dma_start3A_126] : memref<10240x128xbf16, #tpu.memory_space<vmem_shared>> -> memref<128x128xbf16, #tpu.memory_space<vmem_shared>>
        tpu.enqueue_dma source(%arg10 : memref<128x128xbf16, #tpu.memory_space<vmem>>) target(%dma_start3A_127 : memref<128x128xbf16, #tpu.memory_space<vmem_shared>>) target_semaphore(%run_scoped3A_123 : memref<!tpu.dma_semaphore, #tpu.memory_space<semaphore_mem>>)
        %dma_wait3A_128 = arith.constant 0 : i32
        %dma_wait3A_129 = tpu.memref_slice %arg8[%add3A_110, %dma_wait3A_128] : memref<10240x128xbf16, #tpu.memory_space<vmem_shared>> -> memref<128x128xbf16, #tpu.memory_space<vmem_shared>>
        %dma_wait3A_130 = arith.constant 0 : i32
        %dma_wait3A_131 = tpu.memref_slice %arg8[%add3A_110, %dma_wait3A_130] : memref<10240x128xbf16, #tpu.memory_space<vmem_shared>> -> memref<128x128xbf16, #tpu.memory_space<vmem_shared>>
        tpu.wait_dma2 semaphore(%run_scoped3A_123 : memref<!tpu.dma_semaphore, #tpu.memory_space<semaphore_mem>>) src(%arg10 : memref<128x128xbf16, #tpu.memory_space<vmem>>) dst(%dma_wait3A_131 : memref<128x128xbf16, #tpu.memory_space<vmem_shared>>)
        tpu.yield
      }) : () -> ()
      %mul3A_111 = arith.constant 640 : i32
      %mul3A_112 = arith.muli %arg1, %mul3A_111 : i32
      %add3A_113 = arith.constant 256 : i32
      %add3A_114 = arith.addi %mul3A_112, %add3A_113 : i32
      "tpu.region"() ({
        %run_scoped3A_123 = tpu.sem_alloc : memref<!tpu.dma_semaphore, #tpu.memory_space<semaphore_mem>>
        %dma_start3A_124 = arith.constant 0 : i32
        %dma_start3A_125 = tpu.memref_slice %arg8[%add3A_114, %dma_start3A_124] : memref<10240x128xbf16, #tpu.memory_space<vmem_shared>> -> memref<128x128xbf16, #tpu.memory_space<vmem_shared>>
        %dma_start3A_126 = arith.constant 0 : i32
        %dma_start3A_127 = tpu.memref_slice %arg8[%add3A_114, %dma_start3A_126] : memref<10240x128xbf16, #tpu.memory_space<vmem_shared>> -> memref<128x128xbf16, #tpu.memory_space<vmem_shared>>
        tpu.enqueue_dma source(%arg10 : memref<128x128xbf16, #tpu.memory_space<vmem>>) target(%dma_start3A_127 : memref<128x128xbf16, #tpu.memory_space<vmem_shared>>) target_semaphore(%run_scoped3A_123 : memref<!tpu.dma_semaphore, #tpu.memory_space<semaphore_mem>>)
        %dma_wait3A_128 = arith.constant 0 : i32
        %dma_wait3A_129 = tpu.memref_slice %arg8[%add3A_114, %dma_wait3A_128] : memref<10240x128xbf16, #tpu.memory_space<vmem_shared>> -> memref<128x128xbf16, #tpu.memory_space<vmem_shared>>
        %dma_wait3A_130 = arith.constant 0 : i32
        %dma_wait3A_131 = tpu.memref_slice %arg8[%add3A_114, %dma_wait3A_130] : memref<10240x128xbf16, #tpu.memory_space<vmem_shared>> -> memref<128x128xbf16, #tpu.memory_space<vmem_shared>>
        tpu.wait_dma2 semaphore(%run_scoped3A_123 : memref<!tpu.dma_semaphore, #tpu.memory_space<semaphore_mem>>) src(%arg10 : memref<128x128xbf16, #tpu.memory_space<vmem>>) dst(%dma_wait3A_131 : memref<128x128xbf16, #tpu.memory_space<vmem_shared>>)
        tpu.yield
      }) : () -> ()
      %mul3A_115 = arith.constant 640 : i32
      %mul3A_116 = arith.muli %arg1, %mul3A_115 : i32
      %add3A_117 = arith.constant 384 : i32
      %add3A_118 = arith.addi %mul3A_116, %add3A_117 : i32
      "tpu.region"() ({
        %run_scoped3A_123 = tpu.sem_alloc : memref<!tpu.dma_semaphore, #tpu.memory_space<semaphore_mem>>
        %dma_start3A_124 = arith.constant 0 : i32
        %dma_start3A_125 = tpu.memref_slice %arg8[%add3A_118, %dma_start3A_124] : memref<10240x128xbf16, #tpu.memory_space<vmem_shared>> -> memref<128x128xbf16, #tpu.memory_space<vmem_shared>>
        %dma_start3A_126 = arith.constant 0 : i32
        %dma_start3A_127 = tpu.memref_slice %arg8[%add3A_118, %dma_start3A_126] : memref<10240x128xbf16, #tpu.memory_space<vmem_shared>> -> memref<128x128xbf16, #tpu.memory_space<vmem_shared>>
        tpu.enqueue_dma source(%arg10 : memref<128x128xbf16, #tpu.memory_space<vmem>>) target(%dma_start3A_127 : memref<128x128xbf16, #tpu.memory_space<vmem_shared>>) target_semaphore(%run_scoped3A_123 : memref<!tpu.dma_semaphore, #tpu.memory_space<semaphore_mem>>)
        %dma_wait3A_128 = arith.constant 0 : i32
        %dma_wait3A_129 = tpu.memref_slice %arg8[%add3A_118, %dma_wait3A_128] : memref<10240x128xbf16, #tpu.memory_space<vmem_shared>> -> memref<128x128xbf16, #tpu.memory_space<vmem_shared>>
        %dma_wait3A_130 = arith.constant 0 : i32
        %dma_wait3A_131 = tpu.memref_slice %arg8[%add3A_118, %dma_wait3A_130] : memref<10240x128xbf16, #tpu.memory_space<vmem_shared>> -> memref<128x128xbf16, #tpu.memory_space<vmem_shared>>
        tpu.wait_dma2 semaphore(%run_scoped3A_123 : memref<!tpu.dma_semaphore, #tpu.memory_space<semaphore_mem>>) src(%arg10 : memref<128x128xbf16, #tpu.memory_space<vmem>>) dst(%dma_wait3A_131 : memref<128x128xbf16, #tpu.memory_space<vmem_shared>>)
        tpu.yield
      }) : () -> ()
      %mul3A_119 = arith.constant 640 : i32
      %mul3A_120 = arith.muli %arg1, %mul3A_119 : i32
      %add3A_121 = arith.constant 512 : i32
      %add3A_122 = arith.addi %mul3A_120, %add3A_121 : i32
      "tpu.region"() ({
        %run_scoped3A_123 = tpu.sem_alloc : memref<!tpu.dma_semaphore, #tpu.memory_space<semaphore_mem>>
        %dma_start3A_124 = arith.constant 0 : i32
        %dma_start3A_125 = tpu.memref_slice %arg8[%add3A_122, %dma_start3A_124] : memref<10240x128xbf16, #tpu.memory_space<vmem_shared>> -> memref<128x128xbf16, #tpu.memory_space<vmem_shared>>
        %dma_start3A_126 = arith.constant 0 : i32
        %dma_start3A_127 = tpu.memref_slice %arg8[%add3A_122, %dma_start3A_126] : memref<10240x128xbf16, #tpu.memory_space<vmem_shared>> -> memref<128x128xbf16, #tpu.memory_space<vmem_shared>>
        tpu.enqueue_dma source(%arg10 : memref<128x128xbf16, #tpu.memory_space<vmem>>) target(%dma_start3A_127 : memref<128x128xbf16, #tpu.memory_space<vmem_shared>>) target_semaphore(%run_scoped3A_123 : memref<!tpu.dma_semaphore, #tpu.memory_space<semaphore_mem>>)
        %dma_wait3A_128 = arith.constant 0 : i32
        %dma_wait3A_129 = tpu.memref_slice %arg8[%add3A_122, %dma_wait3A_128] : memref<10240x128xbf16, #tpu.memory_space<vmem_shared>> -> memref<128x128xbf16, #tpu.memory_space<vmem_shared>>
        %dma_wait3A_130 = arith.constant 0 : i32
        %dma_wait3A_131 = tpu.memref_slice %arg8[%add3A_122, %dma_wait3A_130] : memref<10240x128xbf16, #tpu.memory_space<vmem_shared>> -> memref<128x128xbf16, #tpu.memory_space<vmem_shared>>
        tpu.wait_dma2 semaphore(%run_scoped3A_123 : memref<!tpu.dma_semaphore, #tpu.memory_space<semaphore_mem>>) src(%arg10 : memref<128x128xbf16, #tpu.memory_space<vmem>>) dst(%dma_wait3A_131 : memref<128x128xbf16, #tpu.memory_space<vmem_shared>>)
        tpu.yield
      }) : () -> ()
    } else {
    }
    %barrier3A = arith.constant 0 : index
    tpu.barrier barrier_id(%barrier3A)
    %dma_start3A = arith.constant 0 : i32
    %dma_start3A_12 = arith.constant 0 : i32
    %dma_start3A_13 = tpu.memref_slice %arg6[%dma_start3A, %dma_start3A_12] : memref<81x128xi32, #tpu.memory_space<vmem>> -> memref<1x128xi32, #tpu.memory_space<vmem>>
    %dma_start3A_14 = tpu.memref_squeeze %dma_start3A_13 : memref<1x128xi32, #tpu.memory_space<vmem>> -> memref<128xi32, #tpu.memory_space<vmem>>
    %dma_start3A_15 = arith.constant 0 : i32
    %dma_start3A_16 = arith.constant 0 : i32
    %dma_start3A_17 = tpu.memref_slice %arg9[%dma_start3A_15, %dma_start3A_16] : memref<10240x128xbf16, #tpu.memory_space<vmem_shared>> -> memref<10240x128xbf16, #tpu.memory_space<vmem_shared>>
    tpu.enqueue_indirect_dma source(%dma_start3A_17 : memref<10240x128xbf16, #tpu.memory_space<vmem_shared>>) target(%arg10 : memref<128x128xbf16, #tpu.memory_space<vmem>>) offsets(%dma_start3A_14 : memref<128xi32, #tpu.memory_space<vmem>>) semaphore(%arg13 : memref<!tpu.dma_semaphore, #tpu.memory_space<semaphore_mem>>)
    %dma_start3A_18 = arith.constant 1 : i32
    %dma_start3A_19 = arith.constant 0 : i32
    %dma_start3A_20 = tpu.memref_slice %arg6[%dma_start3A_18, %dma_start3A_19] : memref<81x128xi32, #tpu.memory_space<vmem>> -> memref<1x128xi32, #tpu.memory_space<vmem>>
    %dma_start3A_21 = tpu.memref_squeeze %dma_start3A_20 : memref<1x128xi32, #tpu.memory_space<vmem>> -> memref<128xi32, #tpu.memory_space<vmem>>
    %dma_start3A_22 = arith.constant 0 : i32
    %dma_start3A_23 = arith.constant 0 : i32
    %dma_start3A_24 = tpu.memref_slice %arg9[%dma_start3A_22, %dma_start3A_23] : memref<10240x128xbf16, #tpu.memory_space<vmem_shared>> -> memref<10240x128xbf16, #tpu.memory_space<vmem_shared>>
    tpu.enqueue_indirect_dma source(%dma_start3A_24 : memref<10240x128xbf16, #tpu.memory_space<vmem_shared>>) target(%arg11 : memref<128x128xbf16, #tpu.memory_space<vmem>>) offsets(%dma_start3A_21 : memref<128xi32, #tpu.memory_space<vmem>>) semaphore(%arg14 : memref<!tpu.dma_semaphore, #tpu.memory_space<semaphore_mem>>)
    %dma_start3A_25 = arith.constant 2 : i32
    %dma_start3A_26 = arith.constant 0 : i32
    %dma_start3A_27 = tpu.memref_slice %arg6[%dma_start3A_25, %dma_start3A_26] : memref<81x128xi32, #tpu.memory_space<vmem>> -> memref<1x128xi32, #tpu.memory_space<vmem>>
    %dma_start3A_28 = tpu.memref_squeeze %dma_start3A_27 : memref<1x128xi32, #tpu.memory_space<vmem>> -> memref<128xi32, #tpu.memory_space<vmem>>
    %dma_start3A_29 = arith.constant 0 : i32
    %dma_start3A_30 = arith.constant 0 : i32
    %dma_start3A_31 = tpu.memref_slice %arg9[%dma_start3A_29, %dma_start3A_30] : memref<10240x128xbf16, #tpu.memory_space<vmem_shared>> -> memref<10240x128xbf16, #tpu.memory_space<vmem_shared>>
    tpu.enqueue_indirect_dma source(%dma_start3A_31 : memref<10240x128xbf16, #tpu.memory_space<vmem_shared>>) target(%arg12 : memref<128x128xbf16, #tpu.memory_space<vmem>>) offsets(%dma_start3A_28 : memref<128xi32, #tpu.memory_space<vmem>>) semaphore(%arg15 : memref<!tpu.dma_semaphore, #tpu.memory_space<semaphore_mem>>)
    %scan3A = arith.constant 0 : i32
    %scan3A_32 = arith.constant 26 : i32
    %scan3A_33 = arith.addi %scan3A, %scan3A_32 : i32
    %scan3A_34 = arith.constant 1 : i32
    scf.for %scan3A_103 = %scan3A to %scan3A_33 step %scan3A_34  : i32 {
      %mul3A_104 = arith.constant 1 : i32
      %mul3A_105 = arith.muli %scan3A_103, %mul3A_104 : i32
      %add3A_106 = arith.constant 0 : i32
      %add3A_107 = arith.addi %add3A_106, %mul3A_105 : i32
      %mul3A_108 = arith.constant 3 : i32
      %mul3A_109 = arith.muli %add3A_107, %mul3A_108 : i32
      %add3A_110 = arith.constant 0 : i32
      %add3A_111 = arith.addi %mul3A_109, %add3A_110 : i32
      %dma_wait3A_112 = arith.constant 0 : i32
      %dma_wait3A_113 = tpu.memref_slice %arg6[%add3A_111, %dma_wait3A_112] : memref<81x128xi32, #tpu.memory_space<vmem>> -> memref<1x128xi32, #tpu.memory_space<vmem>>
      %dma_wait3A_114 = tpu.memref_squeeze %dma_wait3A_113 : memref<1x128xi32, #tpu.memory_space<vmem>> -> memref<128xi32, #tpu.memory_space<vmem>>
      %dma_wait3A_115 = arith.constant 0 : i32
      %dma_wait3A_116 = arith.constant 0 : i32
      %dma_wait3A_117 = tpu.memref_slice %arg9[%dma_wait3A_115, %dma_wait3A_116] : memref<10240x128xbf16, #tpu.memory_space<vmem_shared>> -> memref<10240x128xbf16, #tpu.memory_space<vmem_shared>>
      tpu.wait_indirect_dma semaphore(%arg13 : memref<!tpu.dma_semaphore, #tpu.memory_space<semaphore_mem>>) src(%dma_wait3A_117 : memref<10240x128xbf16, #tpu.memory_space<vmem_shared>>) dst(%arg10 : memref<128x128xbf16, #tpu.memory_space<vmem>>)
      %add3A_118 = arith.constant 0 : i32
      %add3A_119 = arith.addi %mul3A_109, %add3A_118 : i32
      %dma_start3A_120 = arith.constant 0 : i32
      %dma_start3A_121 = tpu.memref_slice %arg7[%add3A_119, %dma_start3A_120] : memref<81x128xi32, #tpu.memory_space<vmem>> -> memref<1x128xi32, #tpu.memory_space<vmem>>
      %dma_start3A_122 = tpu.memref_squeeze %dma_start3A_121 : memref<1x128xi32, #tpu.memory_space<vmem>> -> memref<128xi32, #tpu.memory_space<vmem>>
      %dma_start3A_123 = arith.constant 0 : i32
      %dma_start3A_124 = arith.constant 0 : i32
      %dma_start3A_125 = tpu.memref_slice %arg8[%dma_start3A_123, %dma_start3A_124] : memref<10240x128xbf16, #tpu.memory_space<vmem_shared>> -> memref<10240x128xbf16, #tpu.memory_space<vmem_shared>>
      tpu.enqueue_indirect_dma source(%arg10 : memref<128x128xbf16, #tpu.memory_space<vmem>>) target(%dma_start3A_125 : memref<10240x128xbf16, #tpu.memory_space<vmem_shared>>) offsets(%dma_start3A_122 : memref<128xi32, #tpu.memory_space<vmem>>) semaphore(%arg16 : memref<!tpu.dma_semaphore, #tpu.memory_space<semaphore_mem>>) {add = true}
      %add3A_126 = arith.constant 1 : i32
      %add3A_127 = arith.addi %mul3A_109, %add3A_126 : i32
      %dma_wait3A_128 = arith.constant 0 : i32
      %dma_wait3A_129 = tpu.memref_slice %arg6[%add3A_127, %dma_wait3A_128] : memref<81x128xi32, #tpu.memory_space<vmem>> -> memref<1x128xi32, #tpu.memory_space<vmem>>
      %dma_wait3A_130 = tpu.memref_squeeze %dma_wait3A_129 : memref<1x128xi32, #tpu.memory_space<vmem>> -> memref<128xi32, #tpu.memory_space<vmem>>
      %dma_wait3A_131 = arith.constant 0 : i32
      %dma_wait3A_132 = arith.constant 0 : i32
      %dma_wait3A_133 = tpu.memref_slice %arg9[%dma_wait3A_131, %dma_wait3A_132] : memref<10240x128xbf16, #tpu.memory_space<vmem_shared>> -> memref<10240x128xbf16, #tpu.memory_space<vmem_shared>>
      tpu.wait_indirect_dma semaphore(%arg14 : memref<!tpu.dma_semaphore, #tpu.memory_space<semaphore_mem>>) src(%dma_wait3A_133 : memref<10240x128xbf16, #tpu.memory_space<vmem_shared>>) dst(%arg11 : memref<128x128xbf16, #tpu.memory_space<vmem>>)
      %add3A_134 = arith.constant 1 : i32
      %add3A_135 = arith.addi %mul3A_109, %add3A_134 : i32
      %dma_start3A_136 = arith.constant 0 : i32
      %dma_start3A_137 = tpu.memref_slice %arg7[%add3A_135, %dma_start3A_136] : memref<81x128xi32, #tpu.memory_space<vmem>> -> memref<1x128xi32, #tpu.memory_space<vmem>>
      %dma_start3A_138 = tpu.memref_squeeze %dma_start3A_137 : memref<1x128xi32, #tpu.memory_space<vmem>> -> memref<128xi32, #tpu.memory_space<vmem>>
      %dma_start3A_139 = arith.constant 0 : i32
      %dma_start3A_140 = arith.constant 0 : i32
      %dma_start3A_141 = tpu.memref_slice %arg8[%dma_start3A_139, %dma_start3A_140] : memref<10240x128xbf16, #tpu.memory_space<vmem_shared>> -> memref<10240x128xbf16, #tpu.memory_space<vmem_shared>>
      tpu.enqueue_indirect_dma source(%arg11 : memref<128x128xbf16, #tpu.memory_space<vmem>>) target(%dma_start3A_141 : memref<10240x128xbf16, #tpu.memory_space<vmem_shared>>) offsets(%dma_start3A_138 : memref<128xi32, #tpu.memory_space<vmem>>) semaphore(%arg17 : memref<!tpu.dma_semaphore, #tpu.memory_space<semaphore_mem>>) {add = true}
      %add3A_142 = arith.constant 2 : i32
      %add3A_143 = arith.addi %mul3A_109, %add3A_142 : i32
      %dma_wait3A_144 = arith.constant 0 : i32
      %dma_wait3A_145 = tpu.memref_slice %arg6[%add3A_143, %dma_wait3A_144] : memref<81x128xi32, #tpu.memory_space<vmem>> -> memref<1x128xi32, #tpu.memory_space<vmem>>
      %dma_wait3A_146 = tpu.memref_squeeze %dma_wait3A_145 : memref<1x128xi32, #tpu.memory_space<vmem>> -> memref<128xi32, #tpu.memory_space<vmem>>
      %dma_wait3A_147 = arith.constant 0 : i32
      %dma_wait3A_148 = arith.constant 0 : i32
      %dma_wait3A_149 = tpu.memref_slice %arg9[%dma_wait3A_147, %dma_wait3A_148] : memref<10240x128xbf16, #tpu.memory_space<vmem_shared>> -> memref<10240x128xbf16, #tpu.memory_space<vmem_shared>>
      tpu.wait_indirect_dma semaphore(%arg15 : memref<!tpu.dma_semaphore, #tpu.memory_space<semaphore_mem>>) src(%dma_wait3A_149 : memref<10240x128xbf16, #tpu.memory_space<vmem_shared>>) dst(%arg12 : memref<128x128xbf16, #tpu.memory_space<vmem>>)
      %add3A_150 = arith.constant 2 : i32
      %add3A_151 = arith.addi %mul3A_109, %add3A_150 : i32
      %dma_start3A_152 = arith.constant 0 : i32
      %dma_start3A_153 = tpu.memref_slice %arg7[%add3A_151, %dma_start3A_152] : memref<81x128xi32, #tpu.memory_space<vmem>> -> memref<1x128xi32, #tpu.memory_space<vmem>>
      %dma_start3A_154 = tpu.memref_squeeze %dma_start3A_153 : memref<1x128xi32, #tpu.memory_space<vmem>> -> memref<128xi32, #tpu.memory_space<vmem>>
      %dma_start3A_155 = arith.constant 0 : i32
      %dma_start3A_156 = arith.constant 0 : i32
      %dma_start3A_157 = tpu.memref_slice %arg8[%dma_start3A_155, %dma_start3A_156] : memref<10240x128xbf16, #tpu.memory_space<vmem_shared>> -> memref<10240x128xbf16, #tpu.memory_space<vmem_shared>>
      tpu.enqueue_indirect_dma source(%arg12 : memref<128x128xbf16, #tpu.memory_space<vmem>>) target(%dma_start3A_157 : memref<10240x128xbf16, #tpu.memory_space<vmem_shared>>) offsets(%dma_start3A_154 : memref<128xi32, #tpu.memory_space<vmem>>) semaphore(%arg18 : memref<!tpu.dma_semaphore, #tpu.memory_space<semaphore_mem>>) {add = true}
      %add3A_158 = arith.constant 0 : i32
      %add3A_159 = arith.addi %mul3A_109, %add3A_158 : i32
      %dma_wait3A_160 = arith.constant 0 : i32
      %dma_wait3A_161 = tpu.memref_slice %arg7[%add3A_159, %dma_wait3A_160] : memref<81x128xi32, #tpu.memory_space<vmem>> -> memref<1x128xi32, #tpu.memory_space<vmem>>
      %dma_wait3A_162 = tpu.memref_squeeze %dma_wait3A_161 : memref<1x128xi32, #tpu.memory_space<vmem>> -> memref<128xi32, #tpu.memory_space<vmem>>
      %dma_wait3A_163 = arith.constant 0 : i32
      %dma_wait3A_164 = arith.constant 0 : i32
      %dma_wait3A_165 = tpu.memref_slice %arg8[%dma_wait3A_163, %dma_wait3A_164] : memref<10240x128xbf16, #tpu.memory_space<vmem_shared>> -> memref<10240x128xbf16, #tpu.memory_space<vmem_shared>>
      tpu.wait_indirect_dma semaphore(%arg16 : memref<!tpu.dma_semaphore, #tpu.memory_space<semaphore_mem>>) src(%arg10 : memref<128x128xbf16, #tpu.memory_space<vmem>>) dst(%dma_wait3A_165 : memref<10240x128xbf16, #tpu.memory_space<vmem_shared>>)
      %add3A_166 = arith.constant 3 : i32
      %add3A_167 = arith.addi %mul3A_109, %add3A_166 : i32
      %add3A_168 = arith.constant 0 : i32
      %add3A_169 = arith.addi %add3A_167, %add3A_168 : i32
      %dma_start3A_170 = arith.constant 0 : i32
      %dma_start3A_171 = tpu.memref_slice %arg6[%add3A_169, %dma_start3A_170] : memref<81x128xi32, #tpu.memory_space<vmem>> -> memref<1x128xi32, #tpu.memory_space<vmem>>
      %dma_start3A_172 = tpu.memref_squeeze %dma_start3A_171 : memref<1x128xi32, #tpu.memory_space<vmem>> -> memref<128xi32, #tpu.memory_space<vmem>>
      %dma_start3A_173 = arith.constant 0 : i32
      %dma_start3A_174 = arith.constant 0 : i32
      %dma_start3A_175 = tpu.memref_slice %arg9[%dma_start3A_173, %dma_start3A_174] : memref<10240x128xbf16, #tpu.memory_space<vmem_shared>> -> memref<10240x128xbf16, #tpu.memory_space<vmem_shared>>
      tpu.enqueue_indirect_dma source(%dma_start3A_175 : memref<10240x128xbf16, #tpu.memory_space<vmem_shared>>) target(%arg10 : memref<128x128xbf16, #tpu.memory_space<vmem>>) offsets(%dma_start3A_172 : memref<128xi32, #tpu.memory_space<vmem>>) semaphore(%arg13 : memref<!tpu.dma_semaphore, #tpu.memory_space<semaphore_mem>>)
      %add3A_176 = arith.constant 1 : i32
      %add3A_177 = arith.addi %mul3A_109, %add3A_176 : i32
      %dma_wait3A_178 = arith.constant 0 : i32
      %dma_wait3A_179 = tpu.memref_slice %arg7[%add3A_177, %dma_wait3A_178] : memref<81x128xi32, #tpu.memory_space<vmem>> -> memref<1x128xi32, #tpu.memory_space<vmem>>
      %dma_wait3A_180 = tpu.memref_squeeze %dma_wait3A_179 : memref<1x128xi32, #tpu.memory_space<vmem>> -> memref<128xi32, #tpu.memory_space<vmem>>
      %dma_wait3A_181 = arith.constant 0 : i32
      %dma_wait3A_182 = arith.constant 0 : i32
      %dma_wait3A_183 = tpu.memref_slice %arg8[%dma_wait3A_181, %dma_wait3A_182] : memref<10240x128xbf16, #tpu.memory_space<vmem_shared>> -> memref<10240x128xbf16, #tpu.memory_space<vmem_shared>>
      tpu.wait_indirect_dma semaphore(%arg17 : memref<!tpu.dma_semaphore, #tpu.memory_space<semaphore_mem>>) src(%arg11 : memref<128x128xbf16, #tpu.memory_space<vmem>>) dst(%dma_wait3A_183 : memref<10240x128xbf16, #tpu.memory_space<vmem_shared>>)
      %add3A_184 = arith.constant 3 : i32
      %add3A_185 = arith.addi %mul3A_109, %add3A_184 : i32
      %add3A_186 = arith.constant 1 : i32
      %add3A_187 = arith.addi %add3A_185, %add3A_186 : i32
      %dma_start3A_188 = arith.constant 0 : i32
      %dma_start3A_189 = tpu.memref_slice %arg6[%add3A_187, %dma_start3A_188] : memref<81x128xi32, #tpu.memory_space<vmem>> -> memref<1x128xi32, #tpu.memory_space<vmem>>
      %dma_start3A_190 = tpu.memref_squeeze %dma_start3A_189 : memref<1x128xi32, #tpu.memory_space<vmem>> -> memref<128xi32, #tpu.memory_space<vmem>>
      %dma_start3A_191 = arith.constant 0 : i32
      %dma_start3A_192 = arith.constant 0 : i32
      %dma_start3A_193 = tpu.memref_slice %arg9[%dma_start3A_191, %dma_start3A_192] : memref<10240x128xbf16, #tpu.memory_space<vmem_shared>> -> memref<10240x128xbf16, #tpu.memory_space<vmem_shared>>
      tpu.enqueue_indirect_dma source(%dma_start3A_193 : memref<10240x128xbf16, #tpu.memory_space<vmem_shared>>) target(%arg11 : memref<128x128xbf16, #tpu.memory_space<vmem>>) offsets(%dma_start3A_190 : memref<128xi32, #tpu.memory_space<vmem>>) semaphore(%arg14 : memref<!tpu.dma_semaphore, #tpu.memory_space<semaphore_mem>>)
      %add3A_194 = arith.constant 2 : i32
      %add3A_195 = arith.addi %mul3A_109, %add3A_194 : i32
      %dma_wait3A_196 = arith.constant 0 : i32
      %dma_wait3A_197 = tpu.memref_slice %arg7[%add3A_195, %dma_wait3A_196] : memref<81x128xi32, #tpu.memory_space<vmem>> -> memref<1x128xi32, #tpu.memory_space<vmem>>
      %dma_wait3A_198 = tpu.memref_squeeze %dma_wait3A_197 : memref<1x128xi32, #tpu.memory_space<vmem>> -> memref<128xi32, #tpu.memory_space<vmem>>
      %dma_wait3A_199 = arith.constant 0 : i32
      %dma_wait3A_200 = arith.constant 0 : i32
      %dma_wait3A_201 = tpu.memref_slice %arg8[%dma_wait3A_199, %dma_wait3A_200] : memref<10240x128xbf16, #tpu.memory_space<vmem_shared>> -> memref<10240x128xbf16, #tpu.memory_space<vmem_shared>>
      tpu.wait_indirect_dma semaphore(%arg18 : memref<!tpu.dma_semaphore, #tpu.memory_space<semaphore_mem>>) src(%arg12 : memref<128x128xbf16, #tpu.memory_space<vmem>>) dst(%dma_wait3A_201 : memref<10240x128xbf16, #tpu.memory_space<vmem_shared>>)
      %add3A_202 = arith.constant 3 : i32
      %add3A_203 = arith.addi %mul3A_109, %add3A_202 : i32
      %add3A_204 = arith.constant 2 : i32
      %add3A_205 = arith.addi %add3A_203, %add3A_204 : i32
      %dma_start3A_206 = arith.constant 0 : i32
      %dma_start3A_207 = tpu.memref_slice %arg6[%add3A_205, %dma_start3A_206] : memref<81x128xi32, #tpu.memory_space<vmem>> -> memref<1x128xi32, #tpu.memory_space<vmem>>
      %dma_start3A_208 = tpu.memref_squeeze %dma_start3A_207 : memref<1x128xi32, #tpu.memory_space<vmem>> -> memref<128xi32, #tpu.memory_space<vmem>>
      %dma_start3A_209 = arith.constant 0 : i32
      %dma_start3A_210 = arith.constant 0 : i32
      %dma_start3A_211 = tpu.memref_slice %arg9[%dma_start3A_209, %dma_start3A_210] : memref<10240x128xbf16, #tpu.memory_space<vmem_shared>> -> memref<10240x128xbf16, #tpu.memory_space<vmem_shared>>
      tpu.enqueue_indirect_dma source(%dma_start3A_211 : memref<10240x128xbf16, #tpu.memory_space<vmem_shared>>) target(%arg12 : memref<128x128xbf16, #tpu.memory_space<vmem>>) offsets(%dma_start3A_208 : memref<128xi32, #tpu.memory_space<vmem>>) semaphore(%arg15 : memref<!tpu.dma_semaphore, #tpu.memory_space<semaphore_mem>>)
    }
    %scan3A_35 = arith.constant 26 : i32
    %dma_wait3A = arith.constant 78 : i32
    %dma_wait3A_36 = arith.constant 0 : i32
    %dma_wait3A_37 = tpu.memref_slice %arg6[%dma_wait3A, %dma_wait3A_36] : memref<81x128xi32, #tpu.memory_space<vmem>> -> memref<1x128xi32, #tpu.memory_space<vmem>>
    %dma_wait3A_38 = tpu.memref_squeeze %dma_wait3A_37 : memref<1x128xi32, #tpu.memory_space<vmem>> -> memref<128xi32, #tpu.memory_space<vmem>>
    %dma_wait3A_39 = arith.constant 0 : i32
    %dma_wait3A_40 = arith.constant 0 : i32
    %dma_wait3A_41 = tpu.memref_slice %arg9[%dma_wait3A_39, %dma_wait3A_40] : memref<10240x128xbf16, #tpu.memory_space<vmem_shared>> -> memref<10240x128xbf16, #tpu.memory_space<vmem_shared>>
    tpu.wait_indirect_dma semaphore(%arg13 : memref<!tpu.dma_semaphore, #tpu.memory_space<semaphore_mem>>) src(%dma_wait3A_41 : memref<10240x128xbf16, #tpu.memory_space<vmem_shared>>) dst(%arg10 : memref<128x128xbf16, #tpu.memory_space<vmem>>)
    %dma_start3A_42 = arith.constant 78 : i32
    %dma_start3A_43 = arith.constant 0 : i32
    %dma_start3A_44 = tpu.memref_slice %arg7[%dma_start3A_42, %dma_start3A_43] : memref<81x128xi32, #tpu.memory_space<vmem>> -> memref<1x128xi32, #tpu.memory_space<vmem>>
    %dma_start3A_45 = tpu.memref_squeeze %dma_start3A_44 : memref<1x128xi32, #tpu.memory_space<vmem>> -> memref<128xi32, #tpu.memory_space<vmem>>
    %dma_start3A_46 = arith.constant 0 : i32
    %dma_start3A_47 = arith.constant 0 : i32
    %dma_start3A_48 = tpu.memref_slice %arg8[%dma_start3A_46, %dma_start3A_47] : memref<10240x128xbf16, #tpu.memory_space<vmem_shared>> -> memref<10240x128xbf16, #tpu.memory_space<vmem_shared>>
    tpu.enqueue_indirect_dma source(%arg10 : memref<128x128xbf16, #tpu.memory_space<vmem>>) target(%dma_start3A_48 : memref<10240x128xbf16, #tpu.memory_space<vmem_shared>>) offsets(%dma_start3A_45 : memref<128xi32, #tpu.memory_space<vmem>>) semaphore(%arg16 : memref<!tpu.dma_semaphore, #tpu.memory_space<semaphore_mem>>) {add = true}
    %dma_wait3A_49 = arith.constant 79 : i32
    %dma_wait3A_50 = arith.constant 0 : i32
    %dma_wait3A_51 = tpu.memref_slice %arg6[%dma_wait3A_49, %dma_wait3A_50] : memref<81x128xi32, #tpu.memory_space<vmem>> -> memref<1x128xi32, #tpu.memory_space<vmem>>
    %dma_wait3A_52 = tpu.memref_squeeze %dma_wait3A_51 : memref<1x128xi32, #tpu.memory_space<vmem>> -> memref<128xi32, #tpu.memory_space<vmem>>
    %dma_wait3A_53 = arith.constant 0 : i32
    %dma_wait3A_54 = arith.constant 0 : i32
    %dma_wait3A_55 = tpu.memref_slice %arg9[%dma_wait3A_53, %dma_wait3A_54] : memref<10240x128xbf16, #tpu.memory_space<vmem_shared>> -> memref<10240x128xbf16, #tpu.memory_space<vmem_shared>>
    tpu.wait_indirect_dma semaphore(%arg14 : memref<!tpu.dma_semaphore, #tpu.memory_space<semaphore_mem>>) src(%dma_wait3A_55 : memref<10240x128xbf16, #tpu.memory_space<vmem_shared>>) dst(%arg11 : memref<128x128xbf16, #tpu.memory_space<vmem>>)
    %dma_start3A_56 = arith.constant 79 : i32
    %dma_start3A_57 = arith.constant 0 : i32
    %dma_start3A_58 = tpu.memref_slice %arg7[%dma_start3A_56, %dma_start3A_57] : memref<81x128xi32, #tpu.memory_space<vmem>> -> memref<1x128xi32, #tpu.memory_space<vmem>>
    %dma_start3A_59 = tpu.memref_squeeze %dma_start3A_58 : memref<1x128xi32, #tpu.memory_space<vmem>> -> memref<128xi32, #tpu.memory_space<vmem>>
    %dma_start3A_60 = arith.constant 0 : i32
    %dma_start3A_61 = arith.constant 0 : i32
    %dma_start3A_62 = tpu.memref_slice %arg8[%dma_start3A_60, %dma_start3A_61] : memref<10240x128xbf16, #tpu.memory_space<vmem_shared>> -> memref<10240x128xbf16, #tpu.memory_space<vmem_shared>>
    tpu.enqueue_indirect_dma source(%arg11 : memref<128x128xbf16, #tpu.memory_space<vmem>>) target(%dma_start3A_62 : memref<10240x128xbf16, #tpu.memory_space<vmem_shared>>) offsets(%dma_start3A_59 : memref<128xi32, #tpu.memory_space<vmem>>) semaphore(%arg17 : memref<!tpu.dma_semaphore, #tpu.memory_space<semaphore_mem>>) {add = true}
    %dma_wait3A_63 = arith.constant 80 : i32
    %dma_wait3A_64 = arith.constant 0 : i32
    %dma_wait3A_65 = tpu.memref_slice %arg6[%dma_wait3A_63, %dma_wait3A_64] : memref<81x128xi32, #tpu.memory_space<vmem>> -> memref<1x128xi32, #tpu.memory_space<vmem>>
    %dma_wait3A_66 = tpu.memref_squeeze %dma_wait3A_65 : memref<1x128xi32, #tpu.memory_space<vmem>> -> memref<128xi32, #tpu.memory_space<vmem>>
    %dma_wait3A_67 = arith.constant 0 : i32
    %dma_wait3A_68 = arith.constant 0 : i32
    %dma_wait3A_69 = tpu.memref_slice %arg9[%dma_wait3A_67, %dma_wait3A_68] : memref<10240x128xbf16, #tpu.memory_space<vmem_shared>> -> memref<10240x128xbf16, #tpu.memory_space<vmem_shared>>
    tpu.wait_indirect_dma semaphore(%arg15 : memref<!tpu.dma_semaphore, #tpu.memory_space<semaphore_mem>>) src(%dma_wait3A_69 : memref<10240x128xbf16, #tpu.memory_space<vmem_shared>>) dst(%arg12 : memref<128x128xbf16, #tpu.memory_space<vmem>>)
    %dma_start3A_70 = arith.constant 80 : i32
    %dma_start3A_71 = arith.constant 0 : i32
    %dma_start3A_72 = tpu.memref_slice %arg7[%dma_start3A_70, %dma_start3A_71] : memref<81x128xi32, #tpu.memory_space<vmem>> -> memref<1x128xi32, #tpu.memory_space<vmem>>
    %dma_start3A_73 = tpu.memref_squeeze %dma_start3A_72 : memref<1x128xi32, #tpu.memory_space<vmem>> -> memref<128xi32, #tpu.memory_space<vmem>>
    %dma_start3A_74 = arith.constant 0 : i32
    %dma_start3A_75 = arith.constant 0 : i32
    %dma_start3A_76 = tpu.memref_slice %arg8[%dma_start3A_74, %dma_start3A_75] : memref<10240x128xbf16, #tpu.memory_space<vmem_shared>> -> memref<10240x128xbf16, #tpu.memory_space<vmem_shared>>
    tpu.enqueue_indirect_dma source(%arg12 : memref<128x128xbf16, #tpu.memory_space<vmem>>) target(%dma_start3A_76 : memref<10240x128xbf16, #tpu.memory_space<vmem_shared>>) offsets(%dma_start3A_73 : memref<128xi32, #tpu.memory_space<vmem>>) semaphore(%arg18 : memref<!tpu.dma_semaphore, #tpu.memory_space<semaphore_mem>>) {add = true}
    %dma_wait3A_77 = arith.constant 78 : i32
    %dma_wait3A_78 = arith.constant 0 : i32
    %dma_wait3A_79 = tpu.memref_slice %arg7[%dma_wait3A_77, %dma_wait3A_78] : memref<81x128xi32, #tpu.memory_space<vmem>> -> memref<1x128xi32, #tpu.memory_space<vmem>>
    %dma_wait3A_80 = tpu.memref_squeeze %dma_wait3A_79 : memref<1x128xi32, #tpu.memory_space<vmem>> -> memref<128xi32, #tpu.memory_space<vmem>>
    %dma_wait3A_81 = arith.constant 0 : i32
    %dma_wait3A_82 = arith.constant 0 : i32
    %dma_wait3A_83 = tpu.memref_slice %arg8[%dma_wait3A_81, %dma_wait3A_82] : memref<10240x128xbf16, #tpu.memory_space<vmem_shared>> -> memref<10240x128xbf16, #tpu.memory_space<vmem_shared>>
    tpu.wait_indirect_dma semaphore(%arg16 : memref<!tpu.dma_semaphore, #tpu.memory_space<semaphore_mem>>) src(%arg10 : memref<128x128xbf16, #tpu.memory_space<vmem>>) dst(%dma_wait3A_83 : memref<10240x128xbf16, #tpu.memory_space<vmem_shared>>)
    %dma_wait3A_84 = arith.constant 79 : i32
    %dma_wait3A_85 = arith.constant 0 : i32
    %dma_wait3A_86 = tpu.memref_slice %arg7[%dma_wait3A_84, %dma_wait3A_85] : memref<81x128xi32, #tpu.memory_space<vmem>> -> memref<1x128xi32, #tpu.memory_space<vmem>>
    %dma_wait3A_87 = tpu.memref_squeeze %dma_wait3A_86 : memref<1x128xi32, #tpu.memory_space<vmem>> -> memref<128xi32, #tpu.memory_space<vmem>>
    %dma_wait3A_88 = arith.constant 0 : i32
    %dma_wait3A_89 = arith.constant 0 : i32
    %dma_wait3A_90 = tpu.memref_slice %arg8[%dma_wait3A_88, %dma_wait3A_89] : memref<10240x128xbf16, #tpu.memory_space<vmem_shared>> -> memref<10240x128xbf16, #tpu.memory_space<vmem_shared>>
    tpu.wait_indirect_dma semaphore(%arg17 : memref<!tpu.dma_semaphore, #tpu.memory_space<semaphore_mem>>) src(%arg11 : memref<128x128xbf16, #tpu.memory_space<vmem>>) dst(%dma_wait3A_90 : memref<10240x128xbf16, #tpu.memory_space<vmem_shared>>)
    %dma_wait3A_91 = arith.constant 80 : i32
    %dma_wait3A_92 = arith.constant 0 : i32
    %dma_wait3A_93 = tpu.memref_slice %arg7[%dma_wait3A_91, %dma_wait3A_92] : memref<81x128xi32, #tpu.memory_space<vmem>> -> memref<1x128xi32, #tpu.memory_space<vmem>>
    %dma_wait3A_94 = tpu.memref_squeeze %dma_wait3A_93 : memref<1x128xi32, #tpu.memory_space<vmem>> -> memref<128xi32, #tpu.memory_space<vmem>>
    %dma_wait3A_95 = arith.constant 0 : i32
    %dma_wait3A_96 = arith.constant 0 : i32
    %dma_wait3A_97 = tpu.memref_slice %arg8[%dma_wait3A_95, %dma_wait3A_96] : memref<10240x128xbf16, #tpu.memory_space<vmem_shared>> -> memref<10240x128xbf16, #tpu.memory_space<vmem_shared>>
    tpu.wait_indirect_dma semaphore(%arg18 : memref<!tpu.dma_semaphore, #tpu.memory_space<semaphore_mem>>) src(%arg12 : memref<128x128xbf16, #tpu.memory_space<vmem>>) dst(%dma_wait3A_97 : memref<10240x128xbf16, #tpu.memory_space<vmem_shared>>)
    %barrier3A_98 = arith.constant 0 : index
    tpu.barrier barrier_id(%barrier3A_98)
    %mul3A_99 = arith.constant 640 : i32
    %mul3A_100 = arith.muli %arg1, %mul3A_99 : i32
    %mul3A_101 = arith.constant 640 : i32
    %mul3A_102 = arith.muli %arg1, %mul3A_101 : i32
    "tpu.region"() ({
      %run_scoped3A_103 = tpu.sem_alloc : memref<!tpu.dma_semaphore, #tpu.memory_space<semaphore_mem>>
      %dma_start3A_104 = arith.constant 0 : i32
      %dma_start3A_105 = tpu.memref_slice %arg5[%arg0, %mul3A_102, %dma_start3A_104] : memref<2x10240x128xbf16, #tpu.memory_space<hbm>> -> memref<1x640x128xbf16, #tpu.memory_space<hbm>>
      %dma_start3A_106 = tpu.memref_squeeze %dma_start3A_105 : memref<1x640x128xbf16, #tpu.memory_space<hbm>> -> memref<640x128xbf16, #tpu.memory_space<hbm>>
      %dma_start3A_107 = arith.constant 0 : i32
      %dma_start3A_108 = tpu.memref_slice %arg8[%mul3A_100, %dma_start3A_107] : memref<10240x128xbf16, #tpu.memory_space<vmem_shared>> -> memref<640x128xbf16, #tpu.memory_space<vmem_shared>>
      tpu.enqueue_dma source(%dma_start3A_108 : memref<640x128xbf16, #tpu.memory_space<vmem_shared>>) target(%dma_start3A_106 : memref<640x128xbf16, #tpu.memory_space<hbm>>) target_semaphore(%run_scoped3A_103 : memref<!tpu.dma_semaphore, #tpu.memory_space<semaphore_mem>>)
      %dma_wait3A_109 = arith.constant 0 : i32
      %dma_wait3A_110 = tpu.memref_slice %arg5[%arg0, %mul3A_102, %dma_wait3A_109] : memref<2x10240x128xbf16, #tpu.memory_space<hbm>> -> memref<1x640x128xbf16, #tpu.memory_space<hbm>>
      %dma_wait3A_111 = tpu.memref_squeeze %dma_wait3A_110 : memref<1x640x128xbf16, #tpu.memory_space<hbm>> -> memref<640x128xbf16, #tpu.memory_space<hbm>>
      %dma_wait3A_112 = arith.constant 0 : i32
      %dma_wait3A_113 = tpu.memref_slice %arg8[%mul3A_100, %dma_wait3A_112] : memref<10240x128xbf16, #tpu.memory_space<vmem_shared>> -> memref<640x128xbf16, #tpu.memory_space<vmem_shared>>
      tpu.wait_dma2 semaphore(%run_scoped3A_103 : memref<!tpu.dma_semaphore, #tpu.memory_space<semaphore_mem>>) src(%dma_wait3A_113 : memref<640x128xbf16, #tpu.memory_space<vmem_shared>>) dst(%dma_wait3A_111 : memref<640x128xbf16, #tpu.memory_space<hbm>>)
      tpu.yield
    }) : () -> ()
    return
  }
}

#map = affine_map<(d0, d1) -> (0, 0, 0)>
#map1 = affine_map<(d0, d1) -> (0, 0)>
#map2 = affine_map<(d0, d1) -> (0)>
module attributes {stable_mosaic.version = 14 : i64} {
  func.func @epi_kernel(%arg0: i32, %arg1: i32, %arg2: memref<2x10240x128xbf16, #tpu.memory_space<hbm>>, %arg3: memref<10240x32xbf16, #tpu.memory_space<hbm>>, %arg4: memref<128xbf16, #tpu.memory_space<hbm>>, %arg5: memref<10000x128xbf16, #tpu.memory_space<hbm>>, %arg6: memref<128x128xbf16, #tpu.memory_space<vmem>>, %arg7: memref<128x128xbf16, #tpu.memory_space<vmem>>, %arg8: memref<320x32xbf16, #tpu.memory_space<vmem>>, %arg9: memref<128xbf16, #tpu.memory_space<vmem>>) attributes {dimension_semantics = [#tpu.dimension_semantics<core_parallel>, #tpu.dimension_semantics<subcore_parallel>], iteration_bounds = array<i64: 2, 16>, scalar_prefetch = 0 : i64, scratch_operands = 4 : i64, tpu.core_type = #tpu.core_type<sc_vector_subcore>, window_params = [{transform_indices = #map}, {transform_indices = #map1}, {transform_indices = #map2}, {transform_indices = #map1}]} {
    %mul3A = arith.constant 16 : i32
    %mul3A_0 = arith.muli %arg0, %mul3A : i32
    %add3A = arith.addi %mul3A_0, %arg1 : i32
    %mul3A_1 = arith.constant 320 : i32
    %mul3A_2 = arith.muli %add3A, %mul3A_1 : i32
    "tpu.region"() ({
      %run_scoped3A = tpu.sem_alloc : memref<!tpu.dma_semaphore, #tpu.memory_space<semaphore_mem>>
      %dma_start3A = arith.constant 0 : i32
      %dma_start3A_16 = tpu.memref_slice %arg3[%mul3A_2, %dma_start3A] : memref<10240x32xbf16, #tpu.memory_space<hbm>> -> memref<320x32xbf16, #tpu.memory_space<hbm>>
      %dma_start3A_17 = arith.constant 0 : i32
      %dma_start3A_18 = tpu.memref_slice %arg3[%mul3A_2, %dma_start3A_17] : memref<10240x32xbf16, #tpu.memory_space<hbm>> -> memref<320x32xbf16, #tpu.memory_space<hbm>>
      tpu.enqueue_dma source(%dma_start3A_18 : memref<320x32xbf16, #tpu.memory_space<hbm>>) target(%arg8 : memref<320x32xbf16, #tpu.memory_space<vmem>>) target_semaphore(%run_scoped3A : memref<!tpu.dma_semaphore, #tpu.memory_space<semaphore_mem>>)
      %dma_wait3A = arith.constant 0 : i32
      %dma_wait3A_19 = tpu.memref_slice %arg3[%mul3A_2, %dma_wait3A] : memref<10240x32xbf16, #tpu.memory_space<hbm>> -> memref<320x32xbf16, #tpu.memory_space<hbm>>
      %dma_wait3A_20 = arith.constant 0 : i32
      %dma_wait3A_21 = tpu.memref_slice %arg3[%mul3A_2, %dma_wait3A_20] : memref<10240x32xbf16, #tpu.memory_space<hbm>> -> memref<320x32xbf16, #tpu.memory_space<hbm>>
      tpu.wait_dma2 semaphore(%run_scoped3A : memref<!tpu.dma_semaphore, #tpu.memory_space<semaphore_mem>>) src(%dma_wait3A_21 : memref<320x32xbf16, #tpu.memory_space<hbm>>) dst(%arg8 : memref<320x32xbf16, #tpu.memory_space<vmem>>)
      tpu.yield
    }) : () -> ()
    "tpu.region"() ({
      %run_scoped3A = tpu.sem_alloc : memref<!tpu.dma_semaphore, #tpu.memory_space<semaphore_mem>>
      tpu.enqueue_dma source(%arg4 : memref<128xbf16, #tpu.memory_space<hbm>>) target(%arg9 : memref<128xbf16, #tpu.memory_space<vmem>>) target_semaphore(%run_scoped3A : memref<!tpu.dma_semaphore, #tpu.memory_space<semaphore_mem>>)
      tpu.wait_dma2 semaphore(%run_scoped3A : memref<!tpu.dma_semaphore, #tpu.memory_space<semaphore_mem>>) src(%arg4 : memref<128xbf16, #tpu.memory_space<hbm>>) dst(%arg9 : memref<128xbf16, #tpu.memory_space<vmem>>)
      tpu.yield
    }) : () -> ()
    %get3A = arith.constant 0 : index
    %get3A_3 = tpu.vector_load %arg9[%get3A] {strides = array<i32>} : memref<128xbf16, #tpu.memory_space<vmem>>, vector<32xbf16>,
    %get3A_4 = arith.constant 32 : index
    %get3A_5 = tpu.vector_load %arg9[%get3A_4] {strides = array<i32>} : memref<128xbf16, #tpu.memory_space<vmem>>, vector<32xbf16>,
    %get3A_6 = arith.constant 64 : index
    %get3A_7 = tpu.vector_load %arg9[%get3A_6] {strides = array<i32>} : memref<128xbf16, #tpu.memory_space<vmem>>, vector<32xbf16>,
    %get3A_8 = arith.constant 96 : index
    %get3A_9 = tpu.vector_load %arg9[%get3A_8] {strides = array<i32>} : memref<128xbf16, #tpu.memory_space<vmem>>, vector<32xbf16>,
    %lt3A = arith.constant 31 : i32
    %lt3A_10 = arith.cmpi slt, %add3A, %lt3A : i32
    %convert_element_type3A = arith.extui %lt3A_10 : i1 to i32
    %cond3A = arith.constant 0 : i32
    %cond3A_11 = arith.cmpi ne, %convert_element_type3A, %cond3A : i32
    scf.if %cond3A_11 {
      %add3A_16 = arith.constant 0 : i32
      %add3A_17 = arith.addi %mul3A_2, %add3A_16 : i32
      %run_scoped3A = arith.constant 0 : i32
      "tpu.region"() ({
        %run_scoped3A_53 = tpu.sem_alloc : memref<!tpu.dma_semaphore, #tpu.memory_space<semaphore_mem>>
        %dma_start3A = arith.constant 0 : i32
        %dma_start3A_54 = arith.constant 0 : i32
        %dma_start3A_55 = tpu.memref_slice %arg6[%dma_start3A, %dma_start3A_54] : memref<128x128xbf16, #tpu.memory_space<vmem>> -> memref<128x128xbf16, #tpu.memory_space<vmem>>
        %dma_start3A_56 = arith.constant 0 : i32
        %dma_start3A_57 = tpu.memref_slice %arg2[%run_scoped3A, %add3A_17, %dma_start3A_56] : memref<2x10240x128xbf16, #tpu.memory_space<hbm>> -> memref<1x128x128xbf16, #tpu.memory_space<hbm>>
        %dma_start3A_58 = tpu.memref_squeeze %dma_start3A_57 : memref<1x128x128xbf16, #tpu.memory_space<hbm>> -> memref<128x128xbf16, #tpu.memory_space<hbm>>
        %dma_start3A_59 = arith.constant 0 : i32
        %dma_start3A_60 = arith.constant 0 : i32
        %dma_start3A_61 = tpu.memref_slice %arg6[%dma_start3A_59, %dma_start3A_60] : memref<128x128xbf16, #tpu.memory_space<vmem>> -> memref<128x128xbf16, #tpu.memory_space<vmem>>
        %dma_start3A_62 = arith.constant 0 : i32
        %dma_start3A_63 = tpu.memref_slice %arg2[%run_scoped3A, %add3A_17, %dma_start3A_62] : memref<2x10240x128xbf16, #tpu.memory_space<hbm>> -> memref<1x128x128xbf16, #tpu.memory_space<hbm>>
        %dma_start3A_64 = tpu.memref_squeeze %dma_start3A_63 : memref<1x128x128xbf16, #tpu.memory_space<hbm>> -> memref<128x128xbf16, #tpu.memory_space<hbm>>
        tpu.enqueue_dma source(%dma_start3A_64 : memref<128x128xbf16, #tpu.memory_space<hbm>>) target(%dma_start3A_61 : memref<128x128xbf16, #tpu.memory_space<vmem>>) target_semaphore(%run_scoped3A_53 : memref<!tpu.dma_semaphore, #tpu.memory_space<semaphore_mem>>)
        %dma_wait3A = arith.constant 0 : i32
        %dma_wait3A_65 = arith.constant 0 : i32
        %dma_wait3A_66 = tpu.memref_slice %arg6[%dma_wait3A, %dma_wait3A_65] : memref<128x128xbf16, #tpu.memory_space<vmem>> -> memref<128x128xbf16, #tpu.memory_space<vmem>>
        %dma_wait3A_67 = arith.constant 0 : i32
        %dma_wait3A_68 = tpu.memref_slice %arg2[%run_scoped3A, %add3A_17, %dma_wait3A_67] : memref<2x10240x128xbf16, #tpu.memory_space<hbm>> -> memref<1x128x128xbf16, #tpu.memory_space<hbm>>
        %dma_wait3A_69 = tpu.memref_squeeze %dma_wait3A_68 : memref<1x128x128xbf16, #tpu.memory_space<hbm>> -> memref<128x128xbf16, #tpu.memory_space<hbm>>
        %dma_wait3A_70 = arith.constant 0 : i32
        %dma_wait3A_71 = arith.constant 0 : i32
        %dma_wait3A_72 = tpu.memref_slice %arg6[%dma_wait3A_70, %dma_wait3A_71] : memref<128x128xbf16, #tpu.memory_space<vmem>> -> memref<128x128xbf16, #tpu.memory_space<vmem>>
        %dma_wait3A_73 = arith.constant 0 : i32
        %dma_wait3A_74 = tpu.memref_slice %arg2[%run_scoped3A, %add3A_17, %dma_wait3A_73] : memref<2x10240x128xbf16, #tpu.memory_space<hbm>> -> memref<1x128x128xbf16, #tpu.memory_space<hbm>>
        %dma_wait3A_75 = tpu.memref_squeeze %dma_wait3A_74 : memref<1x128x128xbf16, #tpu.memory_space<hbm>> -> memref<128x128xbf16, #tpu.memory_space<hbm>>
        tpu.wait_dma2 semaphore(%run_scoped3A_53 : memref<!tpu.dma_semaphore, #tpu.memory_space<semaphore_mem>>) src(%dma_wait3A_75 : memref<128x128xbf16, #tpu.memory_space<hbm>>) dst(%dma_wait3A_72 : memref<128x128xbf16, #tpu.memory_space<vmem>>)
        tpu.yield
      }) : () -> ()
      %add3A_18 = arith.constant 0 : i32
      %add3A_19 = arith.addi %mul3A_2, %add3A_18 : i32
      %run_scoped3A_20 = arith.constant 1 : i32
      "tpu.region"() ({
        %run_scoped3A_53 = tpu.sem_alloc : memref<!tpu.dma_semaphore, #tpu.memory_space<semaphore_mem>>
        %dma_start3A = arith.constant 0 : i32
        %dma_start3A_54 = arith.constant 0 : i32
        %dma_start3A_55 = tpu.memref_slice %arg7[%dma_start3A, %dma_start3A_54] : memref<128x128xbf16, #tpu.memory_space<vmem>> -> memref<128x128xbf16, #tpu.memory_space<vmem>>
        %dma_start3A_56 = arith.constant 0 : i32
        %dma_start3A_57 = tpu.memref_slice %arg2[%run_scoped3A_20, %add3A_19, %dma_start3A_56] : memref<2x10240x128xbf16, #tpu.memory_space<hbm>> -> memref<1x128x128xbf16, #tpu.memory_space<hbm>>
        %dma_start3A_58 = tpu.memref_squeeze %dma_start3A_57 : memref<1x128x128xbf16, #tpu.memory_space<hbm>> -> memref<128x128xbf16, #tpu.memory_space<hbm>>
        %dma_start3A_59 = arith.constant 0 : i32
        %dma_start3A_60 = arith.constant 0 : i32
        %dma_start3A_61 = tpu.memref_slice %arg7[%dma_start3A_59, %dma_start3A_60] : memref<128x128xbf16, #tpu.memory_space<vmem>> -> memref<128x128xbf16, #tpu.memory_space<vmem>>
        %dma_start3A_62 = arith.constant 0 : i32
        %dma_start3A_63 = tpu.memref_slice %arg2[%run_scoped3A_20, %add3A_19, %dma_start3A_62] : memref<2x10240x128xbf16, #tpu.memory_space<hbm>> -> memref<1x128x128xbf16, #tpu.memory_space<hbm>>
        %dma_start3A_64 = tpu.memref_squeeze %dma_start3A_63 : memref<1x128x128xbf16, #tpu.memory_space<hbm>> -> memref<128x128xbf16, #tpu.memory_space<hbm>>
        tpu.enqueue_dma source(%dma_start3A_64 : memref<128x128xbf16, #tpu.memory_space<hbm>>) target(%dma_start3A_61 : memref<128x128xbf16, #tpu.memory_space<vmem>>) target_semaphore(%run_scoped3A_53 : memref<!tpu.dma_semaphore, #tpu.memory_space<semaphore_mem>>)
        %dma_wait3A = arith.constant 0 : i32
        %dma_wait3A_65 = arith.constant 0 : i32
        %dma_wait3A_66 = tpu.memref_slice %arg7[%dma_wait3A, %dma_wait3A_65] : memref<128x128xbf16, #tpu.memory_space<vmem>> -> memref<128x128xbf16, #tpu.memory_space<vmem>>
        %dma_wait3A_67 = arith.constant 0 : i32
        %dma_wait3A_68 = tpu.memref_slice %arg2[%run_scoped3A_20, %add3A_19, %dma_wait3A_67] : memref<2x10240x128xbf16, #tpu.memory_space<hbm>> -> memref<1x128x128xbf16, #tpu.memory_space<hbm>>
        %dma_wait3A_69 = tpu.memref_squeeze %dma_wait3A_68 : memref<1x128x128xbf16, #tpu.memory_space<hbm>> -> memref<128x128xbf16, #tpu.memory_space<hbm>>
        %dma_wait3A_70 = arith.constant 0 : i32
        %dma_wait3A_71 = arith.constant 0 : i32
        %dma_wait3A_72 = tpu.memref_slice %arg7[%dma_wait3A_70, %dma_wait3A_71] : memref<128x128xbf16, #tpu.memory_space<vmem>> -> memref<128x128xbf16, #tpu.memory_space<vmem>>
        %dma_wait3A_73 = arith.constant 0 : i32
        %dma_wait3A_74 = tpu.memref_slice %arg2[%run_scoped3A_20, %add3A_19, %dma_wait3A_73] : memref<2x10240x128xbf16, #tpu.memory_space<hbm>> -> memref<1x128x128xbf16, #tpu.memory_space<hbm>>
        %dma_wait3A_75 = tpu.memref_squeeze %dma_wait3A_74 : memref<1x128x128xbf16, #tpu.memory_space<hbm>> -> memref<128x128xbf16, #tpu.memory_space<hbm>>
        tpu.wait_dma2 semaphore(%run_scoped3A_53 : memref<!tpu.dma_semaphore, #tpu.memory_space<semaphore_mem>>) src(%dma_wait3A_75 : memref<128x128xbf16, #tpu.memory_space<hbm>>) dst(%dma_wait3A_72 : memref<128x128xbf16, #tpu.memory_space<vmem>>)
        tpu.yield
      }) : () -> ()
      %scan3A = arith.constant 0 : i32
      %scan3A_21 = arith.constant 128 : i32
      %scan3A_22 = arith.addi %scan3A, %scan3A_21 : i32
      %scan3A_23 = arith.constant 1 : i32
      scf.for %scan3A_53 = %scan3A to %scan3A_22 step %scan3A_23  : i32 {
        %mul3A_54 = arith.constant 1 : i32
        %mul3A_55 = arith.muli %scan3A_53, %mul3A_54 : i32
        %add3A_56 = arith.constant 0 : i32
        %add3A_57 = arith.addi %add3A_56, %mul3A_55 : i32
        %add3A_58 = arith.constant 0 : i32
        %add3A_59 = arith.addi %add3A_58, %add3A_57 : i32
        %get3A_60 = arith.constant 0 : i32
        %get3A_61 = tpu.memref_slice %arg8[%add3A_59, %get3A_60] : memref<320x32xbf16, #tpu.memory_space<vmem>> -> memref<1x32xbf16, #tpu.memory_space<vmem>>
        %get3A_62 = tpu.memref_squeeze %get3A_61 : memref<1x32xbf16, #tpu.memory_space<vmem>> -> memref<32xbf16, #tpu.memory_space<vmem>>
        %get3A_63 = arith.constant 0 : index
        %get3A_64 = tpu.vector_load %get3A_62[%get3A_63] {strides = array<i32>} : memref<32xbf16, #tpu.memory_space<vmem>>, vector<32xbf16>,
        %get3A_65 = arith.constant 0 : i32
        %get3A_66 = tpu.memref_slice %arg6[%add3A_57, %get3A_65] : memref<128x128xbf16, #tpu.memory_space<vmem>> -> memref<1x128xbf16, #tpu.memory_space<vmem>>
        %get3A_67 = tpu.memref_squeeze %get3A_66 : memref<1x128xbf16, #tpu.memory_space<vmem>> -> memref<128xbf16, #tpu.memory_space<vmem>>
        %get3A_68 = arith.constant 0 : index
        %get3A_69 = tpu.vector_load %get3A_67[%get3A_68] {strides = array<i32>} : memref<128xbf16, #tpu.memory_space<vmem>>, vector<32xbf16>,
        %get3A_70 = arith.constant 0 : i32
        %get3A_71 = tpu.memref_slice %arg7[%add3A_57, %get3A_70] : memref<128x128xbf16, #tpu.memory_space<vmem>> -> memref<1x128xbf16, #tpu.memory_space<vmem>>
        %get3A_72 = tpu.memref_squeeze %get3A_71 : memref<1x128xbf16, #tpu.memory_space<vmem>> -> memref<128xbf16, #tpu.memory_space<vmem>>
        %get3A_73 = arith.constant 0 : index
        %get3A_74 = tpu.vector_load %get3A_72[%get3A_73] {strides = array<i32>} : memref<128xbf16, #tpu.memory_space<vmem>>, vector<32xbf16>,
        %add3A_75 = arith.addf %get3A_69, %get3A_74 : vector<32xbf16>
        %mul3A_76 = arith.mulf %add3A_75, %get3A_64 : vector<32xbf16>
        %add3A_77 = arith.addf %mul3A_76, %get3A_3 : vector<32xbf16>
        %max3A = arith.constant 0.000000e+00 : bf16
        %max3A_78 = vector.broadcast %max3A : bf16 to vector<32xbf16>
        %max3A_79 = arith.maximumf %add3A_77, %max3A_78 : vector<32xbf16>
        %swap3A = arith.constant 0 : i32
        %swap3A_80 = tpu.memref_slice %arg6[%add3A_57, %swap3A] : memref<128x128xbf16, #tpu.memory_space<vmem>> -> memref<1x128xbf16, #tpu.memory_space<vmem>>
        %swap3A_81 = tpu.memref_squeeze %swap3A_80 : memref<1x128xbf16, #tpu.memory_space<vmem>> -> memref<128xbf16, #tpu.memory_space<vmem>>
        %swap3A_82 = arith.constant 0 : index
        %swap3A_83 = tpu.vector_load %swap3A_81[%swap3A_82] {strides = array<i32>} : memref<128xbf16, #tpu.memory_space<vmem>>, vector<32xbf16>,
        tpu.vector_store %swap3A_81[%swap3A_82], %max3A_79 {strides = array<i32>} : memref<128xbf16, #tpu.memory_space<vmem>>, vector<32xbf16>,
        %get3A_84 = arith.constant 0 : i32
        %get3A_85 = tpu.memref_slice %arg6[%add3A_57, %get3A_84] : memref<128x128xbf16, #tpu.memory_space<vmem>> -> memref<1x128xbf16, #tpu.memory_space<vmem>>
        %get3A_86 = tpu.memref_squeeze %get3A_85 : memref<1x128xbf16, #tpu.memory_space<vmem>> -> memref<128xbf16, #tpu.memory_space<vmem>>
        %get3A_87 = arith.constant 32 : index
        %get3A_88 = tpu.vector_load %get3A_86[%get3A_87] {strides = array<i32>} : memref<128xbf16, #tpu.memory_space<vmem>>, vector<32xbf16>,
        %get3A_89 = arith.constant 0 : i32
        %get3A_90 = tpu.memref_slice %arg7[%add3A_57, %get3A_89] : memref<128x128xbf16, #tpu.memory_space<vmem>> -> memref<1x128xbf16, #tpu.memory_space<vmem>>
        %get3A_91 = tpu.memref_squeeze %get3A_90 : memref<1x128xbf16, #tpu.memory_space<vmem>> -> memref<128xbf16, #tpu.memory_space<vmem>>
        %get3A_92 = arith.constant 32 : index
        %get3A_93 = tpu.vector_load %get3A_91[%get3A_92] {strides = array<i32>} : memref<128xbf16, #tpu.memory_space<vmem>>, vector<32xbf16>,
        %add3A_94 = arith.addf %get3A_88, %get3A_93 : vector<32xbf16>
        %mul3A_95 = arith.mulf %add3A_94, %get3A_64 : vector<32xbf16>
        %add3A_96 = arith.addf %mul3A_95, %get3A_5 : vector<32xbf16>
        %max3A_97 = arith.constant 0.000000e+00 : bf16
        %max3A_98 = vector.broadcast %max3A_97 : bf16 to vector<32xbf16>
        %max3A_99 = arith.maximumf %add3A_96, %max3A_98 : vector<32xbf16>
        %swap3A_100 = arith.constant 0 : i32
        %swap3A_101 = tpu.memref_slice %arg6[%add3A_57, %swap3A_100] : memref<128x128xbf16, #tpu.memory_space<vmem>> -> memref<1x128xbf16, #tpu.memory_space<vmem>>
        %swap3A_102 = tpu.memref_squeeze %swap3A_101 : memref<1x128xbf16, #tpu.memory_space<vmem>> -> memref<128xbf16, #tpu.memory_space<vmem>>
        %swap3A_103 = arith.constant 32 : index
        %swap3A_104 = tpu.vector_load %swap3A_102[%swap3A_103] {strides = array<i32>} : memref<128xbf16, #tpu.memory_space<vmem>>, vector<32xbf16>,
        tpu.vector_store %swap3A_102[%swap3A_103], %max3A_99 {strides = array<i32>} : memref<128xbf16, #tpu.memory_space<vmem>>, vector<32xbf16>,
        %get3A_105 = arith.constant 0 : i32
        %get3A_106 = tpu.memref_slice %arg6[%add3A_57, %get3A_105] : memref<128x128xbf16, #tpu.memory_space<vmem>> -> memref<1x128xbf16, #tpu.memory_space<vmem>>
        %get3A_107 = tpu.memref_squeeze %get3A_106 : memref<1x128xbf16, #tpu.memory_space<vmem>> -> memref<128xbf16, #tpu.memory_space<vmem>>
        %get3A_108 = arith.constant 64 : index
        %get3A_109 = tpu.vector_load %get3A_107[%get3A_108] {strides = array<i32>} : memref<128xbf16, #tpu.memory_space<vmem>>, vector<32xbf16>,
        %get3A_110 = arith.constant 0 : i32
        %get3A_111 = tpu.memref_slice %arg7[%add3A_57, %get3A_110] : memref<128x128xbf16, #tpu.memory_space<vmem>> -> memref<1x128xbf16, #tpu.memory_space<vmem>>
        %get3A_112 = tpu.memref_squeeze %get3A_111 : memref<1x128xbf16, #tpu.memory_space<vmem>> -> memref<128xbf16, #tpu.memory_space<vmem>>
        %get3A_113 = arith.constant 64 : index
        %get3A_114 = tpu.vector_load %get3A_112[%get3A_113] {strides = array<i32>} : memref<128xbf16, #tpu.memory_space<vmem>>, vector<32xbf16>,
        %add3A_115 = arith.addf %get3A_109, %get3A_114 : vector<32xbf16>
        %mul3A_116 = arith.mulf %add3A_115, %get3A_64 : vector<32xbf16>
        %add3A_117 = arith.addf %mul3A_116, %get3A_7 : vector<32xbf16>
        %max3A_118 = arith.constant 0.000000e+00 : bf16
        %max3A_119 = vector.broadcast %max3A_118 : bf16 to vector<32xbf16>
        %max3A_120 = arith.maximumf %add3A_117, %max3A_119 : vector<32xbf16>
        %swap3A_121 = arith.constant 0 : i32
        %swap3A_122 = tpu.memref_slice %arg6[%add3A_57, %swap3A_121] : memref<128x128xbf16, #tpu.memory_space<vmem>> -> memref<1x128xbf16, #tpu.memory_space<vmem>>
        %swap3A_123 = tpu.memref_squeeze %swap3A_122 : memref<1x128xbf16, #tpu.memory_space<vmem>> -> memref<128xbf16, #tpu.memory_space<vmem>>
        %swap3A_124 = arith.constant 64 : index
        %swap3A_125 = tpu.vector_load %swap3A_123[%swap3A_124] {strides = array<i32>} : memref<128xbf16, #tpu.memory_space<vmem>>, vector<32xbf16>,
        tpu.vector_store %swap3A_123[%swap3A_124], %max3A_120 {strides = array<i32>} : memref<128xbf16, #tpu.memory_space<vmem>>, vector<32xbf16>,
        %get3A_126 = arith.constant 0 : i32
        %get3A_127 = tpu.memref_slice %arg6[%add3A_57, %get3A_126] : memref<128x128xbf16, #tpu.memory_space<vmem>> -> memref<1x128xbf16, #tpu.memory_space<vmem>>
        %get3A_128 = tpu.memref_squeeze %get3A_127 : memref<1x128xbf16, #tpu.memory_space<vmem>> -> memref<128xbf16, #tpu.memory_space<vmem>>
        %get3A_129 = arith.constant 96 : index
        %get3A_130 = tpu.vector_load %get3A_128[%get3A_129] {strides = array<i32>} : memref<128xbf16, #tpu.memory_space<vmem>>, vector<32xbf16>,
        %get3A_131 = arith.constant 0 : i32
        %get3A_132 = tpu.memref_slice %arg7[%add3A_57, %get3A_131] : memref<128x128xbf16, #tpu.memory_space<vmem>> -> memref<1x128xbf16, #tpu.memory_space<vmem>>
        %get3A_133 = tpu.memref_squeeze %get3A_132 : memref<1x128xbf16, #tpu.memory_space<vmem>> -> memref<128xbf16, #tpu.memory_space<vmem>>
        %get3A_134 = arith.constant 96 : index
        %get3A_135 = tpu.vector_load %get3A_133[%get3A_134] {strides = array<i32>} : memref<128xbf16, #tpu.memory_space<vmem>>, vector<32xbf16>,
        %add3A_136 = arith.addf %get3A_130, %get3A_135 : vector<32xbf16>
        %mul3A_137 = arith.mulf %add3A_136, %get3A_64 : vector<32xbf16>
        %add3A_138 = arith.addf %mul3A_137, %get3A_9 : vector<32xbf16>
        %max3A_139 = arith.constant 0.000000e+00 : bf16
        %max3A_140 = vector.broadcast %max3A_139 : bf16 to vector<32xbf16>
        %max3A_141 = arith.maximumf %add3A_138, %max3A_140 : vector<32xbf16>
        %swap3A_142 = arith.constant 0 : i32
        %swap3A_143 = tpu.memref_slice %arg6[%add3A_57, %swap3A_142] : memref<128x128xbf16, #tpu.memory_space<vmem>> -> memref<1x128xbf16, #tpu.memory_space<vmem>>
        %swap3A_144 = tpu.memref_squeeze %swap3A_143 : memref<1x128xbf16, #tpu.memory_space<vmem>> -> memref<128xbf16, #tpu.memory_space<vmem>>
        %swap3A_145 = arith.constant 96 : index
        %swap3A_146 = tpu.vector_load %swap3A_144[%swap3A_145] {strides = array<i32>} : memref<128xbf16, #tpu.memory_space<vmem>>, vector<32xbf16>,
        tpu.vector_store %swap3A_144[%swap3A_145], %max3A_141 {strides = array<i32>} : memref<128xbf16, #tpu.memory_space<vmem>>, vector<32xbf16>,
      }
      %scan3A_24 = arith.constant 128 : i32
      %add3A_25 = arith.constant 0 : i32
      %add3A_26 = arith.addi %mul3A_2, %add3A_25 : i32
      "tpu.region"() ({
        %run_scoped3A_53 = tpu.sem_alloc : memref<!tpu.dma_semaphore, #tpu.memory_space<semaphore_mem>>
        %dma_start3A = arith.constant 0 : i32
        %dma_start3A_54 = arith.constant 0 : i32
        %dma_start3A_55 = tpu.memref_slice %arg6[%dma_start3A, %dma_start3A_54] : memref<128x128xbf16, #tpu.memory_space<vmem>> -> memref<128x128xbf16, #tpu.memory_space<vmem>>
        %dma_start3A_56 = arith.constant 0 : i32
        %dma_start3A_57 = tpu.memref_slice %arg5[%add3A_26, %dma_start3A_56] : memref<10000x128xbf16, #tpu.memory_space<hbm>> -> memref<128x128xbf16, #tpu.memory_space<hbm>>
        %dma_start3A_58 = arith.constant 0 : i32
        %dma_start3A_59 = tpu.memref_slice %arg5[%add3A_26, %dma_start3A_58] : memref<10000x128xbf16, #tpu.memory_space<hbm>> -> memref<128x128xbf16, #tpu.memory_space<hbm>>
        %dma_start3A_60 = arith.constant 0 : i32
        %dma_start3A_61 = arith.constant 0 : i32
        %dma_start3A_62 = tpu.memref_slice %arg6[%dma_start3A_60, %dma_start3A_61] : memref<128x128xbf16, #tpu.memory_space<vmem>> -> memref<128x128xbf16, #tpu.memory_space<vmem>>
        tpu.enqueue_dma source(%dma_start3A_62 : memref<128x128xbf16, #tpu.memory_space<vmem>>) target(%dma_start3A_59 : memref<128x128xbf16, #tpu.memory_space<hbm>>) target_semaphore(%run_scoped3A_53 : memref<!tpu.dma_semaphore, #tpu.memory_space<semaphore_mem>>)
        %dma_wait3A = arith.constant 0 : i32
        %dma_wait3A_63 = arith.constant 0 : i32
        %dma_wait3A_64 = tpu.memref_slice %arg6[%dma_wait3A, %dma_wait3A_63] : memref<128x128xbf16, #tpu.memory_space<vmem>> -> memref<128x128xbf16, #tpu.memory_space<vmem>>
        %dma_wait3A_65 = arith.constant 0 : i32
        %dma_wait3A_66 = tpu.memref_slice %arg5[%add3A_26, %dma_wait3A_65] : memref<10000x128xbf16, #tpu.memory_space<hbm>> -> memref<128x128xbf16, #tpu.memory_space<hbm>>
        %dma_wait3A_67 = arith.constant 0 : i32
        %dma_wait3A_68 = tpu.memref_slice %arg5[%add3A_26, %dma_wait3A_67] : memref<10000x128xbf16, #tpu.memory_space<hbm>> -> memref<128x128xbf16, #tpu.memory_space<hbm>>
        %dma_wait3A_69 = arith.constant 0 : i32
        %dma_wait3A_70 = arith.constant 0 : i32
        %dma_wait3A_71 = tpu.memref_slice %arg6[%dma_wait3A_69, %dma_wait3A_70] : memref<128x128xbf16, #tpu.memory_space<vmem>> -> memref<128x128xbf16, #tpu.memory_space<vmem>>
        tpu.wait_dma2 semaphore(%run_scoped3A_53 : memref<!tpu.dma_semaphore, #tpu.memory_space<semaphore_mem>>) src(%dma_wait3A_71 : memref<128x128xbf16, #tpu.memory_space<vmem>>) dst(%dma_wait3A_68 : memref<128x128xbf16, #tpu.memory_space<hbm>>)
        tpu.yield
      }) : () -> ()
      %add3A_27 = arith.constant 128 : i32
      %add3A_28 = arith.addi %mul3A_2, %add3A_27 : i32
      %run_scoped3A_29 = arith.constant 0 : i32
      "tpu.region"() ({
        %run_scoped3A_53 = tpu.sem_alloc : memref<!tpu.dma_semaphore, #tpu.memory_space<semaphore_mem>>
        %dma_start3A = arith.constant 0 : i32
        %dma_start3A_54 = arith.constant 0 : i32
        %dma_start3A_55 = tpu.memref_slice %arg6[%dma_start3A, %dma_start3A_54] : memref<128x128xbf16, #tpu.memory_space<vmem>> -> memref<128x128xbf16, #tpu.memory_space<vmem>>
        %dma_start3A_56 = arith.constant 0 : i32
        %dma_start3A_57 = tpu.memref_slice %arg2[%run_scoped3A_29, %add3A_28, %dma_start3A_56] : memref<2x10240x128xbf16, #tpu.memory_space<hbm>> -> memref<1x128x128xbf16, #tpu.memory_space<hbm>>
        %dma_start3A_58 = tpu.memref_squeeze %dma_start3A_57 : memref<1x128x128xbf16, #tpu.memory_space<hbm>> -> memref<128x128xbf16, #tpu.memory_space<hbm>>
        %dma_start3A_59 = arith.constant 0 : i32
        %dma_start3A_60 = arith.constant 0 : i32
        %dma_start3A_61 = tpu.memref_slice %arg6[%dma_start3A_59, %dma_start3A_60] : memref<128x128xbf16, #tpu.memory_space<vmem>> -> memref<128x128xbf16, #tpu.memory_space<vmem>>
        %dma_start3A_62 = arith.constant 0 : i32
        %dma_start3A_63 = tpu.memref_slice %arg2[%run_scoped3A_29, %add3A_28, %dma_start3A_62] : memref<2x10240x128xbf16, #tpu.memory_space<hbm>> -> memref<1x128x128xbf16, #tpu.memory_space<hbm>>
        %dma_start3A_64 = tpu.memref_squeeze %dma_start3A_63 : memref<1x128x128xbf16, #tpu.memory_space<hbm>> -> memref<128x128xbf16, #tpu.memory_space<hbm>>
        tpu.enqueue_dma source(%dma_start3A_64 : memref<128x128xbf16, #tpu.memory_space<hbm>>) target(%dma_start3A_61 : memref<128x128xbf16, #tpu.memory_space<vmem>>) target_semaphore(%run_scoped3A_53 : memref<!tpu.dma_semaphore, #tpu.memory_space<semaphore_mem>>)
        %dma_wait3A = arith.constant 0 : i32
        %dma_wait3A_65 = arith.constant 0 : i32
        %dma_wait3A_66 = tpu.memref_slice %arg6[%dma_wait3A, %dma_wait3A_65] : memref<128x128xbf16, #tpu.memory_space<vmem>> -> memref<128x128xbf16, #tpu.memory_space<vmem>>
        %dma_wait3A_67 = arith.constant 0 : i32
        %dma_wait3A_68 = tpu.memref_slice %arg2[%run_scoped3A_29, %add3A_28, %dma_wait3A_67] : memref<2x10240x128xbf16, #tpu.memory_space<hbm>> -> memref<1x128x128xbf16, #tpu.memory_space<hbm>>
        %dma_wait3A_69 = tpu.memref_squeeze %dma_wait3A_68 : memref<1x128x128xbf16, #tpu.memory_space<hbm>> -> memref<128x128xbf16, #tpu.memory_space<hbm>>
        %dma_wait3A_70 = arith.constant 0 : i32
        %dma_wait3A_71 = arith.constant 0 : i32
        %dma_wait3A_72 = tpu.memref_slice %arg6[%dma_wait3A_70, %dma_wait3A_71] : memref<128x128xbf16, #tpu.memory_space<vmem>> -> memref<128x128xbf16, #tpu.memory_space<vmem>>
        %dma_wait3A_73 = arith.constant 0 : i32
        %dma_wait3A_74 = tpu.memref_slice %arg2[%run_scoped3A_29, %add3A_28, %dma_wait3A_73] : memref<2x10240x128xbf16, #tpu.memory_space<hbm>> -> memref<1x128x128xbf16, #tpu.memory_space<hbm>>
        %dma_wait3A_75 = tpu.memref_squeeze %dma_wait3A_74 : memref<1x128x128xbf16, #tpu.memory_space<hbm>> -> memref<128x128xbf16, #tpu.memory_space<hbm>>
        tpu.wait_dma2 semaphore(%run_scoped3A_53 : memref<!tpu.dma_semaphore, #tpu.memory_space<semaphore_mem>>) src(%dma_wait3A_75 : memref<128x128xbf16, #tpu.memory_space<hbm>>) dst(%dma_wait3A_72 : memref<128x128xbf16, #tpu.memory_space<vmem>>)
        tpu.yield
      }) : () -> ()
      %add3A_30 = arith.constant 128 : i32
      %add3A_31 = arith.addi %mul3A_2, %add3A_30 : i32
      %run_scoped3A_32 = arith.constant 1 : i32
      "tpu.region"() ({
        %run_scoped3A_53 = tpu.sem_alloc : memref<!tpu.dma_semaphore, #tpu.memory_space<semaphore_mem>>
        %dma_start3A = arith.constant 0 : i32
        %dma_start3A_54 = arith.constant 0 : i32
        %dma_start3A_55 = tpu.memref_slice %arg7[%dma_start3A, %dma_start3A_54] : memref<128x128xbf16, #tpu.memory_space<vmem>> -> memref<128x128xbf16, #tpu.memory_space<vmem>>
        %dma_start3A_56 = arith.constant 0 : i32
        %dma_start3A_57 = tpu.memref_slice %arg2[%run_scoped3A_32, %add3A_31, %dma_start3A_56] : memref<2x10240x128xbf16, #tpu.memory_space<hbm>> -> memref<1x128x128xbf16, #tpu.memory_space<hbm>>
        %dma_start3A_58 = tpu.memref_squeeze %dma_start3A_57 : memref<1x128x128xbf16, #tpu.memory_space<hbm>> -> memref<128x128xbf16, #tpu.memory_space<hbm>>
        %dma_start3A_59 = arith.constant 0 : i32
        %dma_start3A_60 = arith.constant 0 : i32
        %dma_start3A_61 = tpu.memref_slice %arg7[%dma_start3A_59, %dma_start3A_60] : memref<128x128xbf16, #tpu.memory_space<vmem>> -> memref<128x128xbf16, #tpu.memory_space<vmem>>
        %dma_start3A_62 = arith.constant 0 : i32
        %dma_start3A_63 = tpu.memref_slice %arg2[%run_scoped3A_32, %add3A_31, %dma_start3A_62] : memref<2x10240x128xbf16, #tpu.memory_space<hbm>> -> memref<1x128x128xbf16, #tpu.memory_space<hbm>>
        %dma_start3A_64 = tpu.memref_squeeze %dma_start3A_63 : memref<1x128x128xbf16, #tpu.memory_space<hbm>> -> memref<128x128xbf16, #tpu.memory_space<hbm>>
        tpu.enqueue_dma source(%dma_start3A_64 : memref<128x128xbf16, #tpu.memory_space<hbm>>) target(%dma_start3A_61 : memref<128x128xbf16, #tpu.memory_space<vmem>>) target_semaphore(%run_scoped3A_53 : memref<!tpu.dma_semaphore, #tpu.memory_space<semaphore_mem>>)
        %dma_wait3A = arith.constant 0 : i32
        %dma_wait3A_65 = arith.constant 0 : i32
        %dma_wait3A_66 = tpu.memref_slice %arg7[%dma_wait3A, %dma_wait3A_65] : memref<128x128xbf16, #tpu.memory_space<vmem>> -> memref<128x128xbf16, #tpu.memory_space<vmem>>
        %dma_wait3A_67 = arith.constant 0 : i32
        %dma_wait3A_68 = tpu.memref_slice %arg2[%run_scoped3A_32, %add3A_31, %dma_wait3A_67] : memref<2x10240x128xbf16, #tpu.memory_space<hbm>> -> memref<1x128x128xbf16, #tpu.memory_space<hbm>>
        %dma_wait3A_69 = tpu.memref_squeeze %dma_wait3A_68 : memref<1x128x128xbf16, #tpu.memory_space<hbm>> -> memref<128x128xbf16, #tpu.memory_space<hbm>>
        %dma_wait3A_70 = arith.constant 0 : i32
        %dma_wait3A_71 = arith.constant 0 : i32
        %dma_wait3A_72 = tpu.memref_slice %arg7[%dma_wait3A_70, %dma_wait3A_71] : memref<128x128xbf16, #tpu.memory_space<vmem>> -> memref<128x128xbf16, #tpu.memory_space<vmem>>
        %dma_wait3A_73 = arith.constant 0 : i32
        %dma_wait3A_74 = tpu.memref_slice %arg2[%run_scoped3A_32, %add3A_31, %dma_wait3A_73] : memref<2x10240x128xbf16, #tpu.memory_space<hbm>> -> memref<1x128x128xbf16, #tpu.memory_space<hbm>>
        %dma_wait3A_75 = tpu.memref_squeeze %dma_wait3A_74 : memref<1x128x128xbf16, #tpu.memory_space<hbm>> -> memref<128x128xbf16, #tpu.memory_space<hbm>>
        tpu.wait_dma2 semaphore(%run_scoped3A_53 : memref<!tpu.dma_semaphore, #tpu.memory_space<semaphore_mem>>) src(%dma_wait3A_75 : memref<128x128xbf16, #tpu.memory_space<hbm>>) dst(%dma_wait3A_72 : memref<128x128xbf16, #tpu.memory_space<vmem>>)
        tpu.yield
      }) : () -> ()
      %scan3A_33 = arith.constant 0 : i32
      %scan3A_34 = arith.constant 128 : i32
      %scan3A_35 = arith.addi %scan3A_33, %scan3A_34 : i32
      %scan3A_36 = arith.constant 1 : i32
      scf.for %scan3A_53 = %scan3A_33 to %scan3A_35 step %scan3A_36  : i32 {
        %mul3A_54 = arith.constant 1 : i32
        %mul3A_55 = arith.muli %scan3A_53, %mul3A_54 : i32
        %add3A_56 = arith.constant 0 : i32
        %add3A_57 = arith.addi %add3A_56, %mul3A_55 : i32
        %add3A_58 = arith.constant 128 : i32
        %add3A_59 = arith.addi %add3A_58, %add3A_57 : i32
        %get3A_60 = arith.constant 0 : i32
        %get3A_61 = tpu.memref_slice %arg8[%add3A_59, %get3A_60] : memref<320x32xbf16, #tpu.memory_space<vmem>> -> memref<1x32xbf16, #tpu.memory_space<vmem>>
        %get3A_62 = tpu.memref_squeeze %get3A_61 : memref<1x32xbf16, #tpu.memory_space<vmem>> -> memref<32xbf16, #tpu.memory_space<vmem>>
        %get3A_63 = arith.constant 0 : index
        %get3A_64 = tpu.vector_load %get3A_62[%get3A_63] {strides = array<i32>} : memref<32xbf16, #tpu.memory_space<vmem>>, vector<32xbf16>,
        %get3A_65 = arith.constant 0 : i32
        %get3A_66 = tpu.memref_slice %arg6[%add3A_57, %get3A_65] : memref<128x128xbf16, #tpu.memory_space<vmem>> -> memref<1x128xbf16, #tpu.memory_space<vmem>>
        %get3A_67 = tpu.memref_squeeze %get3A_66 : memref<1x128xbf16, #tpu.memory_space<vmem>> -> memref<128xbf16, #tpu.memory_space<vmem>>
        %get3A_68 = arith.constant 0 : index
        %get3A_69 = tpu.vector_load %get3A_67[%get3A_68] {strides = array<i32>} : memref<128xbf16, #tpu.memory_space<vmem>>, vector<32xbf16>,
        %get3A_70 = arith.constant 0 : i32
        %get3A_71 = tpu.memref_slice %arg7[%add3A_57, %get3A_70] : memref<128x128xbf16, #tpu.memory_space<vmem>> -> memref<1x128xbf16, #tpu.memory_space<vmem>>
        %get3A_72 = tpu.memref_squeeze %get3A_71 : memref<1x128xbf16, #tpu.memory_space<vmem>> -> memref<128xbf16, #tpu.memory_space<vmem>>
        %get3A_73 = arith.constant 0 : index
        %get3A_74 = tpu.vector_load %get3A_72[%get3A_73] {strides = array<i32>} : memref<128xbf16, #tpu.memory_space<vmem>>, vector<32xbf16>,
        %add3A_75 = arith.addf %get3A_69, %get3A_74 : vector<32xbf16>
        %mul3A_76 = arith.mulf %add3A_75, %get3A_64 : vector<32xbf16>
        %add3A_77 = arith.addf %mul3A_76, %get3A_3 : vector<32xbf16>
        %max3A = arith.constant 0.000000e+00 : bf16
        %max3A_78 = vector.broadcast %max3A : bf16 to vector<32xbf16>
        %max3A_79 = arith.maximumf %add3A_77, %max3A_78 : vector<32xbf16>
        %swap3A = arith.constant 0 : i32
        %swap3A_80 = tpu.memref_slice %arg6[%add3A_57, %swap3A] : memref<128x128xbf16, #tpu.memory_space<vmem>> -> memref<1x128xbf16, #tpu.memory_space<vmem>>
        %swap3A_81 = tpu.memref_squeeze %swap3A_80 : memref<1x128xbf16, #tpu.memory_space<vmem>> -> memref<128xbf16, #tpu.memory_space<vmem>>
        %swap3A_82 = arith.constant 0 : index
        %swap3A_83 = tpu.vector_load %swap3A_81[%swap3A_82] {strides = array<i32>} : memref<128xbf16, #tpu.memory_space<vmem>>, vector<32xbf16>,
        tpu.vector_store %swap3A_81[%swap3A_82], %max3A_79 {strides = array<i32>} : memref<128xbf16, #tpu.memory_space<vmem>>, vector<32xbf16>,
        %get3A_84 = arith.constant 0 : i32
        %get3A_85 = tpu.memref_slice %arg6[%add3A_57, %get3A_84] : memref<128x128xbf16, #tpu.memory_space<vmem>> -> memref<1x128xbf16, #tpu.memory_space<vmem>>
        %get3A_86 = tpu.memref_squeeze %get3A_85 : memref<1x128xbf16, #tpu.memory_space<vmem>> -> memref<128xbf16, #tpu.memory_space<vmem>>
        %get3A_87 = arith.constant 32 : index
        %get3A_88 = tpu.vector_load %get3A_86[%get3A_87] {strides = array<i32>} : memref<128xbf16, #tpu.memory_space<vmem>>, vector<32xbf16>,
        %get3A_89 = arith.constant 0 : i32
        %get3A_90 = tpu.memref_slice %arg7[%add3A_57, %get3A_89] : memref<128x128xbf16, #tpu.memory_space<vmem>> -> memref<1x128xbf16, #tpu.memory_space<vmem>>
        %get3A_91 = tpu.memref_squeeze %get3A_90 : memref<1x128xbf16, #tpu.memory_space<vmem>> -> memref<128xbf16, #tpu.memory_space<vmem>>
        %get3A_92 = arith.constant 32 : index
        %get3A_93 = tpu.vector_load %get3A_91[%get3A_92] {strides = array<i32>} : memref<128xbf16, #tpu.memory_space<vmem>>, vector<32xbf16>,
        %add3A_94 = arith.addf %get3A_88, %get3A_93 : vector<32xbf16>
        %mul3A_95 = arith.mulf %add3A_94, %get3A_64 : vector<32xbf16>
        %add3A_96 = arith.addf %mul3A_95, %get3A_5 : vector<32xbf16>
        %max3A_97 = arith.constant 0.000000e+00 : bf16
        %max3A_98 = vector.broadcast %max3A_97 : bf16 to vector<32xbf16>
        %max3A_99 = arith.maximumf %add3A_96, %max3A_98 : vector<32xbf16>
        %swap3A_100 = arith.constant 0 : i32
        %swap3A_101 = tpu.memref_slice %arg6[%add3A_57, %swap3A_100] : memref<128x128xbf16, #tpu.memory_space<vmem>> -> memref<1x128xbf16, #tpu.memory_space<vmem>>
        %swap3A_102 = tpu.memref_squeeze %swap3A_101 : memref<1x128xbf16, #tpu.memory_space<vmem>> -> memref<128xbf16, #tpu.memory_space<vmem>>
        %swap3A_103 = arith.constant 32 : index
        %swap3A_104 = tpu.vector_load %swap3A_102[%swap3A_103] {strides = array<i32>} : memref<128xbf16, #tpu.memory_space<vmem>>, vector<32xbf16>,
        tpu.vector_store %swap3A_102[%swap3A_103], %max3A_99 {strides = array<i32>} : memref<128xbf16, #tpu.memory_space<vmem>>, vector<32xbf16>,
        %get3A_105 = arith.constant 0 : i32
        %get3A_106 = tpu.memref_slice %arg6[%add3A_57, %get3A_105] : memref<128x128xbf16, #tpu.memory_space<vmem>> -> memref<1x128xbf16, #tpu.memory_space<vmem>>
        %get3A_107 = tpu.memref_squeeze %get3A_106 : memref<1x128xbf16, #tpu.memory_space<vmem>> -> memref<128xbf16, #tpu.memory_space<vmem>>
        %get3A_108 = arith.constant 64 : index
        %get3A_109 = tpu.vector_load %get3A_107[%get3A_108] {strides = array<i32>} : memref<128xbf16, #tpu.memory_space<vmem>>, vector<32xbf16>,
        %get3A_110 = arith.constant 0 : i32
        %get3A_111 = tpu.memref_slice %arg7[%add3A_57, %get3A_110] : memref<128x128xbf16, #tpu.memory_space<vmem>> -> memref<1x128xbf16, #tpu.memory_space<vmem>>
        %get3A_112 = tpu.memref_squeeze %get3A_111 : memref<1x128xbf16, #tpu.memory_space<vmem>> -> memref<128xbf16, #tpu.memory_space<vmem>>
        %get3A_113 = arith.constant 64 : index
        %get3A_114 = tpu.vector_load %get3A_112[%get3A_113] {strides = array<i32>} : memref<128xbf16, #tpu.memory_space<vmem>>, vector<32xbf16>,
        %add3A_115 = arith.addf %get3A_109, %get3A_114 : vector<32xbf16>
        %mul3A_116 = arith.mulf %add3A_115, %get3A_64 : vector<32xbf16>
        %add3A_117 = arith.addf %mul3A_116, %get3A_7 : vector<32xbf16>
        %max3A_118 = arith.constant 0.000000e+00 : bf16
        %max3A_119 = vector.broadcast %max3A_118 : bf16 to vector<32xbf16>
        %max3A_120 = arith.maximumf %add3A_117, %max3A_119 : vector<32xbf16>
        %swap3A_121 = arith.constant 0 : i32
        %swap3A_122 = tpu.memref_slice %arg6[%add3A_57, %swap3A_121] : memref<128x128xbf16, #tpu.memory_space<vmem>> -> memref<1x128xbf16, #tpu.memory_space<vmem>>
        %swap3A_123 = tpu.memref_squeeze %swap3A_122 : memref<1x128xbf16, #tpu.memory_space<vmem>> -> memref<128xbf16, #tpu.memory_space<vmem>>
        %swap3A_124 = arith.constant 64 : index
        %swap3A_125 = tpu.vector_load %swap3A_123[%swap3A_124] {strides = array<i32>} : memref<128xbf16, #tpu.memory_space<vmem>>, vector<32xbf16>,
        tpu.vector_store %swap3A_123[%swap3A_124], %max3A_120 {strides = array<i32>} : memref<128xbf16, #tpu.memory_space<vmem>>, vector<32xbf16>,
        %get3A_126 = arith.constant 0 : i32
        %get3A_127 = tpu.memref_slice %arg6[%add3A_57, %get3A_126] : memref<128x128xbf16, #tpu.memory_space<vmem>> -> memref<1x128xbf16, #tpu.memory_space<vmem>>
        %get3A_128 = tpu.memref_squeeze %get3A_127 : memref<1x128xbf16, #tpu.memory_space<vmem>> -> memref<128xbf16, #tpu.memory_space<vmem>>
        %get3A_129 = arith.constant 96 : index
        %get3A_130 = tpu.vector_load %get3A_128[%get3A_129] {strides = array<i32>} : memref<128xbf16, #tpu.memory_space<vmem>>, vector<32xbf16>,
        %get3A_131 = arith.constant 0 : i32
        %get3A_132 = tpu.memref_slice %arg7[%add3A_57, %get3A_131] : memref<128x128xbf16, #tpu.memory_space<vmem>> -> memref<1x128xbf16, #tpu.memory_space<vmem>>
        %get3A_133 = tpu.memref_squeeze %get3A_132 : memref<1x128xbf16, #tpu.memory_space<vmem>> -> memref<128xbf16, #tpu.memory_space<vmem>>
        %get3A_134 = arith.constant 96 : index
        %get3A_135 = tpu.vector_load %get3A_133[%get3A_134] {strides = array<i32>} : memref<128xbf16, #tpu.memory_space<vmem>>, vector<32xbf16>,
        %add3A_136 = arith.addf %get3A_130, %get3A_135 : vector<32xbf16>
        %mul3A_137 = arith.mulf %add3A_136, %get3A_64 : vector<32xbf16>
        %add3A_138 = arith.addf %mul3A_137, %get3A_9 : vector<32xbf16>
        %max3A_139 = arith.constant 0.000000e+00 : bf16
        %max3A_140 = vector.broadcast %max3A_139 : bf16 to vector<32xbf16>
        %max3A_141 = arith.maximumf %add3A_138, %max3A_140 : vector<32xbf16>
        %swap3A_142 = arith.constant 0 : i32
        %swap3A_143 = tpu.memref_slice %arg6[%add3A_57, %swap3A_142] : memref<128x128xbf16, #tpu.memory_space<vmem>> -> memref<1x128xbf16, #tpu.memory_space<vmem>>
        %swap3A_144 = tpu.memref_squeeze %swap3A_143 : memref<1x128xbf16, #tpu.memory_space<vmem>> -> memref<128xbf16, #tpu.memory_space<vmem>>
        %swap3A_145 = arith.constant 96 : index
        %swap3A_146 = tpu.vector_load %swap3A_144[%swap3A_145] {strides = array<i32>} : memref<128xbf16, #tpu.memory_space<vmem>>, vector<32xbf16>,
        tpu.vector_store %swap3A_144[%swap3A_145], %max3A_141 {strides = array<i32>} : memref<128xbf16, #tpu.memory_space<vmem>>, vector<32xbf16>,
      }
      %scan3A_37 = arith.constant 128 : i32
      %add3A_38 = arith.constant 128 : i32
      %add3A_39 = arith.addi %mul3A_2, %add3A_38 : i32
      "tpu.region"() ({
        %run_scoped3A_53 = tpu.sem_alloc : memref<!tpu.dma_semaphore, #tpu.memory_space<semaphore_mem>>
        %dma_start3A = arith.constant 0 : i32
        %dma_start3A_54 = arith.constant 0 : i32
        %dma_start3A_55 = tpu.memref_slice %arg6[%dma_start3A, %dma_start3A_54] : memref<128x128xbf16, #tpu.memory_space<vmem>> -> memref<128x128xbf16, #tpu.memory_space<vmem>>
        %dma_start3A_56 = arith.constant 0 : i32
        %dma_start3A_57 = tpu.memref_slice %arg5[%add3A_39, %dma_start3A_56] : memref<10000x128xbf16, #tpu.memory_space<hbm>> -> memref<128x128xbf16, #tpu.memory_space<hbm>>
        %dma_start3A_58 = arith.constant 0 : i32
        %dma_start3A_59 = tpu.memref_slice %arg5[%add3A_39, %dma_start3A_58] : memref<10000x128xbf16, #tpu.memory_space<hbm>> -> memref<128x128xbf16, #tpu.memory_space<hbm>>
        %dma_start3A_60 = arith.constant 0 : i32
        %dma_start3A_61 = arith.constant 0 : i32
        %dma_start3A_62 = tpu.memref_slice %arg6[%dma_start3A_60, %dma_start3A_61] : memref<128x128xbf16, #tpu.memory_space<vmem>> -> memref<128x128xbf16, #tpu.memory_space<vmem>>
        tpu.enqueue_dma source(%dma_start3A_62 : memref<128x128xbf16, #tpu.memory_space<vmem>>) target(%dma_start3A_59 : memref<128x128xbf16, #tpu.memory_space<hbm>>) target_semaphore(%run_scoped3A_53 : memref<!tpu.dma_semaphore, #tpu.memory_space<semaphore_mem>>)
        %dma_wait3A = arith.constant 0 : i32
        %dma_wait3A_63 = arith.constant 0 : i32
        %dma_wait3A_64 = tpu.memref_slice %arg6[%dma_wait3A, %dma_wait3A_63] : memref<128x128xbf16, #tpu.memory_space<vmem>> -> memref<128x128xbf16, #tpu.memory_space<vmem>>
        %dma_wait3A_65 = arith.constant 0 : i32
        %dma_wait3A_66 = tpu.memref_slice %arg5[%add3A_39, %dma_wait3A_65] : memref<10000x128xbf16, #tpu.memory_space<hbm>> -> memref<128x128xbf16, #tpu.memory_space<hbm>>
        %dma_wait3A_67 = arith.constant 0 : i32
        %dma_wait3A_68 = tpu.memref_slice %arg5[%add3A_39, %dma_wait3A_67] : memref<10000x128xbf16, #tpu.memory_space<hbm>> -> memref<128x128xbf16, #tpu.memory_space<hbm>>
        %dma_wait3A_69 = arith.constant 0 : i32
        %dma_wait3A_70 = arith.constant 0 : i32
        %dma_wait3A_71 = tpu.memref_slice %arg6[%dma_wait3A_69, %dma_wait3A_70] : memref<128x128xbf16, #tpu.memory_space<vmem>> -> memref<128x128xbf16, #tpu.memory_space<vmem>>
        tpu.wait_dma2 semaphore(%run_scoped3A_53 : memref<!tpu.dma_semaphore, #tpu.memory_space<semaphore_mem>>) src(%dma_wait3A_71 : memref<128x128xbf16, #tpu.memory_space<vmem>>) dst(%dma_wait3A_68 : memref<128x128xbf16, #tpu.memory_space<hbm>>)
        tpu.yield
      }) : () -> ()
      %add3A_40 = arith.constant 256 : i32
      %add3A_41 = arith.addi %mul3A_2, %add3A_40 : i32
      %run_scoped3A_42 = arith.constant 0 : i32
      "tpu.region"() ({
        %run_scoped3A_53 = tpu.sem_alloc : memref<!tpu.dma_semaphore, #tpu.memory_space<semaphore_mem>>
        %dma_start3A = arith.constant 0 : i32
        %dma_start3A_54 = arith.constant 0 : i32
        %dma_start3A_55 = tpu.memref_slice %arg6[%dma_start3A, %dma_start3A_54] : memref<128x128xbf16, #tpu.memory_space<vmem>> -> memref<64x128xbf16, #tpu.memory_space<vmem>>
        %dma_start3A_56 = arith.constant 0 : i32
        %dma_start3A_57 = tpu.memref_slice %arg2[%run_scoped3A_42, %add3A_41, %dma_start3A_56] : memref<2x10240x128xbf16, #tpu.memory_space<hbm>> -> memref<1x64x128xbf16, #tpu.memory_space<hbm>>
        %dma_start3A_58 = tpu.memref_squeeze %dma_start3A_57 : memref<1x64x128xbf16, #tpu.memory_space<hbm>> -> memref<64x128xbf16, #tpu.memory_space<hbm>>
        %dma_start3A_59 = arith.constant 0 : i32
        %dma_start3A_60 = arith.constant 0 : i32
        %dma_start3A_61 = tpu.memref_slice %arg6[%dma_start3A_59, %dma_start3A_60] : memref<128x128xbf16, #tpu.memory_space<vmem>> -> memref<64x128xbf16, #tpu.memory_space<vmem>>
        %dma_start3A_62 = arith.constant 0 : i32
        %dma_start3A_63 = tpu.memref_slice %arg2[%run_scoped3A_42, %add3A_41, %dma_start3A_62] : memref<2x10240x128xbf16, #tpu.memory_space<hbm>> -> memref<1x64x128xbf16, #tpu.memory_space<hbm>>
        %dma_start3A_64 = tpu.memref_squeeze %dma_start3A_63 : memref<1x64x128xbf16, #tpu.memory_space<hbm>> -> memref<64x128xbf16, #tpu.memory_space<hbm>>
        tpu.enqueue_dma source(%dma_start3A_64 : memref<64x128xbf16, #tpu.memory_space<hbm>>) target(%dma_start3A_61 : memref<64x128xbf16, #tpu.memory_space<vmem>>) target_semaphore(%run_scoped3A_53 : memref<!tpu.dma_semaphore, #tpu.memory_space<semaphore_mem>>)
        %dma_wait3A = arith.constant 0 : i32
        %dma_wait3A_65 = arith.constant 0 : i32
        %dma_wait3A_66 = tpu.memref_slice %arg6[%dma_wait3A, %dma_wait3A_65] : memref<128x128xbf16, #tpu.memory_space<vmem>> -> memref<64x128xbf16, #tpu.memory_space<vmem>>
        %dma_wait3A_67 = arith.constant 0 : i32
        %dma_wait3A_68 = tpu.memref_slice %arg2[%run_scoped3A_42, %add3A_41, %dma_wait3A_67] : memref<2x10240x128xbf16, #tpu.memory_space<hbm>> -> memref<1x64x128xbf16, #tpu.memory_space<hbm>>
        %dma_wait3A_69 = tpu.memref_squeeze %dma_wait3A_68 : memref<1x64x128xbf16, #tpu.memory_space<hbm>> -> memref<64x128xbf16, #tpu.memory_space<hbm>>
        %dma_wait3A_70 = arith.constant 0 : i32
        %dma_wait3A_71 = arith.constant 0 : i32
        %dma_wait3A_72 = tpu.memref_slice %arg6[%dma_wait3A_70, %dma_wait3A_71] : memref<128x128xbf16, #tpu.memory_space<vmem>> -> memref<64x128xbf16, #tpu.memory_space<vmem>>
        %dma_wait3A_73 = arith.constant 0 : i32
        %dma_wait3A_74 = tpu.memref_slice %arg2[%run_scoped3A_42, %add3A_41, %dma_wait3A_73] : memref<2x10240x128xbf16, #tpu.memory_space<hbm>> -> memref<1x64x128xbf16, #tpu.memory_space<hbm>>
        %dma_wait3A_75 = tpu.memref_squeeze %dma_wait3A_74 : memref<1x64x128xbf16, #tpu.memory_space<hbm>> -> memref<64x128xbf16, #tpu.memory_space<hbm>>
        tpu.wait_dma2 semaphore(%run_scoped3A_53 : memref<!tpu.dma_semaphore, #tpu.memory_space<semaphore_mem>>) src(%dma_wait3A_75 : memref<64x128xbf16, #tpu.memory_space<hbm>>) dst(%dma_wait3A_72 : memref<64x128xbf16, #tpu.memory_space<vmem>>)
        tpu.yield
      }) : () -> ()
      %add3A_43 = arith.constant 256 : i32
      %add3A_44 = arith.addi %mul3A_2, %add3A_43 : i32
      %run_scoped3A_45 = arith.constant 1 : i32
      "tpu.region"() ({
        %run_scoped3A_53 = tpu.sem_alloc : memref<!tpu.dma_semaphore, #tpu.memory_space<semaphore_mem>>
        %dma_start3A = arith.constant 0 : i32
        %dma_start3A_54 = arith.constant 0 : i32
        %dma_start3A_55 = tpu.memref_slice %arg7[%dma_start3A, %dma_start3A_54] : memref<128x128xbf16, #tpu.memory_space<vmem>> -> memref<64x128xbf16, #tpu.memory_space<vmem>>
        %dma_start3A_56 = arith.constant 0 : i32
        %dma_start3A_57 = tpu.memref_slice %arg2[%run_scoped3A_45, %add3A_44, %dma_start3A_56] : memref<2x10240x128xbf16, #tpu.memory_space<hbm>> -> memref<1x64x128xbf16, #tpu.memory_space<hbm>>
        %dma_start3A_58 = tpu.memref_squeeze %dma_start3A_57 : memref<1x64x128xbf16, #tpu.memory_space<hbm>> -> memref<64x128xbf16, #tpu.memory_space<hbm>>
        %dma_start3A_59 = arith.constant 0 : i32
        %dma_start3A_60 = arith.constant 0 : i32
        %dma_start3A_61 = tpu.memref_slice %arg7[%dma_start3A_59, %dma_start3A_60] : memref<128x128xbf16, #tpu.memory_space<vmem>> -> memref<64x128xbf16, #tpu.memory_space<vmem>>
        %dma_start3A_62 = arith.constant 0 : i32
        %dma_start3A_63 = tpu.memref_slice %arg2[%run_scoped3A_45, %add3A_44, %dma_start3A_62] : memref<2x10240x128xbf16, #tpu.memory_space<hbm>> -> memref<1x64x128xbf16, #tpu.memory_space<hbm>>
        %dma_start3A_64 = tpu.memref_squeeze %dma_start3A_63 : memref<1x64x128xbf16, #tpu.memory_space<hbm>> -> memref<64x128xbf16, #tpu.memory_space<hbm>>
        tpu.enqueue_dma source(%dma_start3A_64 : memref<64x128xbf16, #tpu.memory_space<hbm>>) target(%dma_start3A_61 : memref<64x128xbf16, #tpu.memory_space<vmem>>) target_semaphore(%run_scoped3A_53 : memref<!tpu.dma_semaphore, #tpu.memory_space<semaphore_mem>>)
        %dma_wait3A = arith.constant 0 : i32
        %dma_wait3A_65 = arith.constant 0 : i32
        %dma_wait3A_66 = tpu.memref_slice %arg7[%dma_wait3A, %dma_wait3A_65] : memref<128x128xbf16, #tpu.memory_space<vmem>> -> memref<64x128xbf16, #tpu.memory_space<vmem>>
        %dma_wait3A_67 = arith.constant 0 : i32
        %dma_wait3A_68 = tpu.memref_slice %arg2[%run_scoped3A_45, %add3A_44, %dma_wait3A_67] : memref<2x10240x128xbf16, #tpu.memory_space<hbm>> -> memref<1x64x128xbf16, #tpu.memory_space<hbm>>
        %dma_wait3A_69 = tpu.memref_squeeze %dma_wait3A_68 : memref<1x64x128xbf16, #tpu.memory_space<hbm>> -> memref<64x128xbf16, #tpu.memory_space<hbm>>
        %dma_wait3A_70 = arith.constant 0 : i32
        %dma_wait3A_71 = arith.constant 0 : i32
        %dma_wait3A_72 = tpu.memref_slice %arg7[%dma_wait3A_70, %dma_wait3A_71] : memref<128x128xbf16, #tpu.memory_space<vmem>> -> memref<64x128xbf16, #tpu.memory_space<vmem>>
        %dma_wait3A_73 = arith.constant 0 : i32
        %dma_wait3A_74 = tpu.memref_slice %arg2[%run_scoped3A_45, %add3A_44, %dma_wait3A_73] : memref<2x10240x128xbf16, #tpu.memory_space<hbm>> -> memref<1x64x128xbf16, #tpu.memory_space<hbm>>
        %dma_wait3A_75 = tpu.memref_squeeze %dma_wait3A_74 : memref<1x64x128xbf16, #tpu.memory_space<hbm>> -> memref<64x128xbf16, #tpu.memory_space<hbm>>
        tpu.wait_dma2 semaphore(%run_scoped3A_53 : memref<!tpu.dma_semaphore, #tpu.memory_space<semaphore_mem>>) src(%dma_wait3A_75 : memref<64x128xbf16, #tpu.memory_space<hbm>>) dst(%dma_wait3A_72 : memref<64x128xbf16, #tpu.memory_space<vmem>>)
        tpu.yield
      }) : () -> ()
      %scan3A_46 = arith.constant 0 : i32
      %scan3A_47 = arith.constant 64 : i32
      %scan3A_48 = arith.addi %scan3A_46, %scan3A_47 : i32
      %scan3A_49 = arith.constant 1 : i32
      scf.for %scan3A_53 = %scan3A_46 to %scan3A_48 step %scan3A_49  : i32 {
        %mul3A_54 = arith.constant 1 : i32
        %mul3A_55 = arith.muli %scan3A_53, %mul3A_54 : i32
        %add3A_56 = arith.constant 0 : i32
        %add3A_57 = arith.addi %add3A_56, %mul3A_55 : i32
        %add3A_58 = arith.constant 256 : i32
        %add3A_59 = arith.addi %add3A_58, %add3A_57 : i32
        %get3A_60 = arith.constant 0 : i32
        %get3A_61 = tpu.memref_slice %arg8[%add3A_59, %get3A_60] : memref<320x32xbf16, #tpu.memory_space<vmem>> -> memref<1x32xbf16, #tpu.memory_space<vmem>>
        %get3A_62 = tpu.memref_squeeze %get3A_61 : memref<1x32xbf16, #tpu.memory_space<vmem>> -> memref<32xbf16, #tpu.memory_space<vmem>>
        %get3A_63 = arith.constant 0 : index
        %get3A_64 = tpu.vector_load %get3A_62[%get3A_63] {strides = array<i32>} : memref<32xbf16, #tpu.memory_space<vmem>>, vector<32xbf16>,
        %get3A_65 = arith.constant 0 : i32
        %get3A_66 = tpu.memref_slice %arg6[%add3A_57, %get3A_65] : memref<128x128xbf16, #tpu.memory_space<vmem>> -> memref<1x128xbf16, #tpu.memory_space<vmem>>
        %get3A_67 = tpu.memref_squeeze %get3A_66 : memref<1x128xbf16, #tpu.memory_space<vmem>> -> memref<128xbf16, #tpu.memory_space<vmem>>
        %get3A_68 = arith.constant 0 : index
        %get3A_69 = tpu.vector_load %get3A_67[%get3A_68] {strides = array<i32>} : memref<128xbf16, #tpu.memory_space<vmem>>, vector<32xbf16>,
        %get3A_70 = arith.constant 0 : i32
        %get3A_71 = tpu.memref_slice %arg7[%add3A_57, %get3A_70] : memref<128x128xbf16, #tpu.memory_space<vmem>> -> memref<1x128xbf16, #tpu.memory_space<vmem>>
        %get3A_72 = tpu.memref_squeeze %get3A_71 : memref<1x128xbf16, #tpu.memory_space<vmem>> -> memref<128xbf16, #tpu.memory_space<vmem>>
        %get3A_73 = arith.constant 0 : index
        %get3A_74 = tpu.vector_load %get3A_72[%get3A_73] {strides = array<i32>} : memref<128xbf16, #tpu.memory_space<vmem>>, vector<32xbf16>,
        %add3A_75 = arith.addf %get3A_69, %get3A_74 : vector<32xbf16>
        %mul3A_76 = arith.mulf %add3A_75, %get3A_64 : vector<32xbf16>
        %add3A_77 = arith.addf %mul3A_76, %get3A_3 : vector<32xbf16>
        %max3A = arith.constant 0.000000e+00 : bf16
        %max3A_78 = vector.broadcast %max3A : bf16 to vector<32xbf16>
        %max3A_79 = arith.maximumf %add3A_77, %max3A_78 : vector<32xbf16>
        %swap3A = arith.constant 0 : i32
        %swap3A_80 = tpu.memref_slice %arg6[%add3A_57, %swap3A] : memref<128x128xbf16, #tpu.memory_space<vmem>> -> memref<1x128xbf16, #tpu.memory_space<vmem>>
        %swap3A_81 = tpu.memref_squeeze %swap3A_80 : memref<1x128xbf16, #tpu.memory_space<vmem>> -> memref<128xbf16, #tpu.memory_space<vmem>>
        %swap3A_82 = arith.constant 0 : index
        %swap3A_83 = tpu.vector_load %swap3A_81[%swap3A_82] {strides = array<i32>} : memref<128xbf16, #tpu.memory_space<vmem>>, vector<32xbf16>,
        tpu.vector_store %swap3A_81[%swap3A_82], %max3A_79 {strides = array<i32>} : memref<128xbf16, #tpu.memory_space<vmem>>, vector<32xbf16>,
        %get3A_84 = arith.constant 0 : i32
        %get3A_85 = tpu.memref_slice %arg6[%add3A_57, %get3A_84] : memref<128x128xbf16, #tpu.memory_space<vmem>> -> memref<1x128xbf16, #tpu.memory_space<vmem>>
        %get3A_86 = tpu.memref_squeeze %get3A_85 : memref<1x128xbf16, #tpu.memory_space<vmem>> -> memref<128xbf16, #tpu.memory_space<vmem>>
        %get3A_87 = arith.constant 32 : index
        %get3A_88 = tpu.vector_load %get3A_86[%get3A_87] {strides = array<i32>} : memref<128xbf16, #tpu.memory_space<vmem>>, vector<32xbf16>,
        %get3A_89 = arith.constant 0 : i32
        %get3A_90 = tpu.memref_slice %arg7[%add3A_57, %get3A_89] : memref<128x128xbf16, #tpu.memory_space<vmem>> -> memref<1x128xbf16, #tpu.memory_space<vmem>>
        %get3A_91 = tpu.memref_squeeze %get3A_90 : memref<1x128xbf16, #tpu.memory_space<vmem>> -> memref<128xbf16, #tpu.memory_space<vmem>>
        %get3A_92 = arith.constant 32 : index
        %get3A_93 = tpu.vector_load %get3A_91[%get3A_92] {strides = array<i32>} : memref<128xbf16, #tpu.memory_space<vmem>>, vector<32xbf16>,
        %add3A_94 = arith.addf %get3A_88, %get3A_93 : vector<32xbf16>
        %mul3A_95 = arith.mulf %add3A_94, %get3A_64 : vector<32xbf16>
        %add3A_96 = arith.addf %mul3A_95, %get3A_5 : vector<32xbf16>
        %max3A_97 = arith.constant 0.000000e+00 : bf16
        %max3A_98 = vector.broadcast %max3A_97 : bf16 to vector<32xbf16>
        %max3A_99 = arith.maximumf %add3A_96, %max3A_98 : vector<32xbf16>
        %swap3A_100 = arith.constant 0 : i32
        %swap3A_101 = tpu.memref_slice %arg6[%add3A_57, %swap3A_100] : memref<128x128xbf16, #tpu.memory_space<vmem>> -> memref<1x128xbf16, #tpu.memory_space<vmem>>
        %swap3A_102 = tpu.memref_squeeze %swap3A_101 : memref<1x128xbf16, #tpu.memory_space<vmem>> -> memref<128xbf16, #tpu.memory_space<vmem>>
        %swap3A_103 = arith.constant 32 : index
        %swap3A_104 = tpu.vector_load %swap3A_102[%swap3A_103] {strides = array<i32>} : memref<128xbf16, #tpu.memory_space<vmem>>, vector<32xbf16>,
        tpu.vector_store %swap3A_102[%swap3A_103], %max3A_99 {strides = array<i32>} : memref<128xbf16, #tpu.memory_space<vmem>>, vector<32xbf16>,
        %get3A_105 = arith.constant 0 : i32
        %get3A_106 = tpu.memref_slice %arg6[%add3A_57, %get3A_105] : memref<128x128xbf16, #tpu.memory_space<vmem>> -> memref<1x128xbf16, #tpu.memory_space<vmem>>
        %get3A_107 = tpu.memref_squeeze %get3A_106 : memref<1x128xbf16, #tpu.memory_space<vmem>> -> memref<128xbf16, #tpu.memory_space<vmem>>
        %get3A_108 = arith.constant 64 : index
        %get3A_109 = tpu.vector_load %get3A_107[%get3A_108] {strides = array<i32>} : memref<128xbf16, #tpu.memory_space<vmem>>, vector<32xbf16>,
        %get3A_110 = arith.constant 0 : i32
        %get3A_111 = tpu.memref_slice %arg7[%add3A_57, %get3A_110] : memref<128x128xbf16, #tpu.memory_space<vmem>> -> memref<1x128xbf16, #tpu.memory_space<vmem>>
        %get3A_112 = tpu.memref_squeeze %get3A_111 : memref<1x128xbf16, #tpu.memory_space<vmem>> -> memref<128xbf16, #tpu.memory_space<vmem>>
        %get3A_113 = arith.constant 64 : index
        %get3A_114 = tpu.vector_load %get3A_112[%get3A_113] {strides = array<i32>} : memref<128xbf16, #tpu.memory_space<vmem>>, vector<32xbf16>,
        %add3A_115 = arith.addf %get3A_109, %get3A_114 : vector<32xbf16>
        %mul3A_116 = arith.mulf %add3A_115, %get3A_64 : vector<32xbf16>
        %add3A_117 = arith.addf %mul3A_116, %get3A_7 : vector<32xbf16>
        %max3A_118 = arith.constant 0.000000e+00 : bf16
        %max3A_119 = vector.broadcast %max3A_118 : bf16 to vector<32xbf16>
        %max3A_120 = arith.maximumf %add3A_117, %max3A_119 : vector<32xbf16>
        %swap3A_121 = arith.constant 0 : i32
        %swap3A_122 = tpu.memref_slice %arg6[%add3A_57, %swap3A_121] : memref<128x128xbf16, #tpu.memory_space<vmem>> -> memref<1x128xbf16, #tpu.memory_space<vmem>>
        %swap3A_123 = tpu.memref_squeeze %swap3A_122 : memref<1x128xbf16, #tpu.memory_space<vmem>> -> memref<128xbf16, #tpu.memory_space<vmem>>
        %swap3A_124 = arith.constant 64 : index
        %swap3A_125 = tpu.vector_load %swap3A_123[%swap3A_124] {strides = array<i32>} : memref<128xbf16, #tpu.memory_space<vmem>>, vector<32xbf16>,
        tpu.vector_store %swap3A_123[%swap3A_124], %max3A_120 {strides = array<i32>} : memref<128xbf16, #tpu.memory_space<vmem>>, vector<32xbf16>,
        %get3A_126 = arith.constant 0 : i32
        %get3A_127 = tpu.memref_slice %arg6[%add3A_57, %get3A_126] : memref<128x128xbf16, #tpu.memory_space<vmem>> -> memref<1x128xbf16, #tpu.memory_space<vmem>>
        %get3A_128 = tpu.memref_squeeze %get3A_127 : memref<1x128xbf16, #tpu.memory_space<vmem>> -> memref<128xbf16, #tpu.memory_space<vmem>>
        %get3A_129 = arith.constant 96 : index
        %get3A_130 = tpu.vector_load %get3A_128[%get3A_129] {strides = array<i32>} : memref<128xbf16, #tpu.memory_space<vmem>>, vector<32xbf16>,
        %get3A_131 = arith.constant 0 : i32
        %get3A_132 = tpu.memref_slice %arg7[%add3A_57, %get3A_131] : memref<128x128xbf16, #tpu.memory_space<vmem>> -> memref<1x128xbf16, #tpu.memory_space<vmem>>
        %get3A_133 = tpu.memref_squeeze %get3A_132 : memref<1x128xbf16, #tpu.memory_space<vmem>> -> memref<128xbf16, #tpu.memory_space<vmem>>
        %get3A_134 = arith.constant 96 : index
        %get3A_135 = tpu.vector_load %get3A_133[%get3A_134] {strides = array<i32>} : memref<128xbf16, #tpu.memory_space<vmem>>, vector<32xbf16>,
        %add3A_136 = arith.addf %get3A_130, %get3A_135 : vector<32xbf16>
        %mul3A_137 = arith.mulf %add3A_136, %get3A_64 : vector<32xbf16>
        %add3A_138 = arith.addf %mul3A_137, %get3A_9 : vector<32xbf16>
        %max3A_139 = arith.constant 0.000000e+00 : bf16
        %max3A_140 = vector.broadcast %max3A_139 : bf16 to vector<32xbf16>
        %max3A_141 = arith.maximumf %add3A_138, %max3A_140 : vector<32xbf16>
        %swap3A_142 = arith.constant 0 : i32
        %swap3A_143 = tpu.memref_slice %arg6[%add3A_57, %swap3A_142] : memref<128x128xbf16, #tpu.memory_space<vmem>> -> memref<1x128xbf16, #tpu.memory_space<vmem>>
        %swap3A_144 = tpu.memref_squeeze %swap3A_143 : memref<1x128xbf16, #tpu.memory_space<vmem>> -> memref<128xbf16, #tpu.memory_space<vmem>>
        %swap3A_145 = arith.constant 96 : index
        %swap3A_146 = tpu.vector_load %swap3A_144[%swap3A_145] {strides = array<i32>} : memref<128xbf16, #tpu.memory_space<vmem>>, vector<32xbf16>,
        tpu.vector_store %swap3A_144[%swap3A_145], %max3A_141 {strides = array<i32>} : memref<128xbf16, #tpu.memory_space<vmem>>, vector<32xbf16>,
      }
      %scan3A_50 = arith.constant 64 : i32
      %add3A_51 = arith.constant 256 : i32
      %add3A_52 = arith.addi %mul3A_2, %add3A_51 : i32
      "tpu.region"() ({
        %run_scoped3A_53 = tpu.sem_alloc : memref<!tpu.dma_semaphore, #tpu.memory_space<semaphore_mem>>
        %dma_start3A = arith.constant 0 : i32
        %dma_start3A_54 = arith.constant 0 : i32
        %dma_start3A_55 = tpu.memref_slice %arg6[%dma_start3A, %dma_start3A_54] : memref<128x128xbf16, #tpu.memory_space<vmem>> -> memref<64x128xbf16, #tpu.memory_space<vmem>>
        %dma_start3A_56 = arith.constant 0 : i32
        %dma_start3A_57 = tpu.memref_slice %arg5[%add3A_52, %dma_start3A_56] : memref<10000x128xbf16, #tpu.memory_space<hbm>> -> memref<64x128xbf16, #tpu.memory_space<hbm>>
        %dma_start3A_58 = arith.constant 0 : i32
        %dma_start3A_59 = tpu.memref_slice %arg5[%add3A_52, %dma_start3A_58] : memref<10000x128xbf16, #tpu.memory_space<hbm>> -> memref<64x128xbf16, #tpu.memory_space<hbm>>
        %dma_start3A_60 = arith.constant 0 : i32
        %dma_start3A_61 = arith.constant 0 : i32
        %dma_start3A_62 = tpu.memref_slice %arg6[%dma_start3A_60, %dma_start3A_61] : memref<128x128xbf16, #tpu.memory_space<vmem>> -> memref<64x128xbf16, #tpu.memory_space<vmem>>
        tpu.enqueue_dma source(%dma_start3A_62 : memref<64x128xbf16, #tpu.memory_space<vmem>>) target(%dma_start3A_59 : memref<64x128xbf16, #tpu.memory_space<hbm>>) target_semaphore(%run_scoped3A_53 : memref<!tpu.dma_semaphore, #tpu.memory_space<semaphore_mem>>)
        %dma_wait3A = arith.constant 0 : i32
        %dma_wait3A_63 = arith.constant 0 : i32
        %dma_wait3A_64 = tpu.memref_slice %arg6[%dma_wait3A, %dma_wait3A_63] : memref<128x128xbf16, #tpu.memory_space<vmem>> -> memref<64x128xbf16, #tpu.memory_space<vmem>>
        %dma_wait3A_65 = arith.constant 0 : i32
        %dma_wait3A_66 = tpu.memref_slice %arg5[%add3A_52, %dma_wait3A_65] : memref<10000x128xbf16, #tpu.memory_space<hbm>> -> memref<64x128xbf16, #tpu.memory_space<hbm>>
        %dma_wait3A_67 = arith.constant 0 : i32
        %dma_wait3A_68 = tpu.memref_slice %arg5[%add3A_52, %dma_wait3A_67] : memref<10000x128xbf16, #tpu.memory_space<hbm>> -> memref<64x128xbf16, #tpu.memory_space<hbm>>
        %dma_wait3A_69 = arith.constant 0 : i32
        %dma_wait3A_70 = arith.constant 0 : i32
        %dma_wait3A_71 = tpu.memref_slice %arg6[%dma_wait3A_69, %dma_wait3A_70] : memref<128x128xbf16, #tpu.memory_space<vmem>> -> memref<64x128xbf16, #tpu.memory_space<vmem>>
        tpu.wait_dma2 semaphore(%run_scoped3A_53 : memref<!tpu.dma_semaphore, #tpu.memory_space<semaphore_mem>>) src(%dma_wait3A_71 : memref<64x128xbf16, #tpu.memory_space<vmem>>) dst(%dma_wait3A_68 : memref<64x128xbf16, #tpu.memory_space<hbm>>)
        tpu.yield
      }) : () -> ()
    } else {
    }
    %eq3A = arith.constant 31 : i32
    %eq3A_12 = arith.cmpi eq, %add3A, %eq3A : i32
    %convert_element_type3A_13 = arith.extui %eq3A_12 : i1 to i32
    %cond3A_14 = arith.constant 0 : i32
    %cond3A_15 = arith.cmpi ne, %convert_element_type3A_13, %cond3A_14 : i32
    scf.if %cond3A_15 {
      %add3A_16 = arith.constant 0 : i32
      %add3A_17 = arith.addi %mul3A_2, %add3A_16 : i32
      %run_scoped3A = arith.constant 0 : i32
      "tpu.region"() ({
        %run_scoped3A_27 = tpu.sem_alloc : memref<!tpu.dma_semaphore, #tpu.memory_space<semaphore_mem>>
        %dma_start3A = arith.constant 0 : i32
        %dma_start3A_28 = arith.constant 0 : i32
        %dma_start3A_29 = tpu.memref_slice %arg6[%dma_start3A, %dma_start3A_28] : memref<128x128xbf16, #tpu.memory_space<vmem>> -> memref<80x128xbf16, #tpu.memory_space<vmem>>
        %dma_start3A_30 = arith.constant 0 : i32
        %dma_start3A_31 = tpu.memref_slice %arg2[%run_scoped3A, %add3A_17, %dma_start3A_30] : memref<2x10240x128xbf16, #tpu.memory_space<hbm>> -> memref<1x80x128xbf16, #tpu.memory_space<hbm>>
        %dma_start3A_32 = tpu.memref_squeeze %dma_start3A_31 : memref<1x80x128xbf16, #tpu.memory_space<hbm>> -> memref<80x128xbf16, #tpu.memory_space<hbm>>
        %dma_start3A_33 = arith.constant 0 : i32
        %dma_start3A_34 = arith.constant 0 : i32
        %dma_start3A_35 = tpu.memref_slice %arg6[%dma_start3A_33, %dma_start3A_34] : memref<128x128xbf16, #tpu.memory_space<vmem>> -> memref<80x128xbf16, #tpu.memory_space<vmem>>
        %dma_start3A_36 = arith.constant 0 : i32
        %dma_start3A_37 = tpu.memref_slice %arg2[%run_scoped3A, %add3A_17, %dma_start3A_36] : memref<2x10240x128xbf16, #tpu.memory_space<hbm>> -> memref<1x80x128xbf16, #tpu.memory_space<hbm>>
        %dma_start3A_38 = tpu.memref_squeeze %dma_start3A_37 : memref<1x80x128xbf16, #tpu.memory_space<hbm>> -> memref<80x128xbf16, #tpu.memory_space<hbm>>
        tpu.enqueue_dma source(%dma_start3A_38 : memref<80x128xbf16, #tpu.memory_space<hbm>>) target(%dma_start3A_35 : memref<80x128xbf16, #tpu.memory_space<vmem>>) target_semaphore(%run_scoped3A_27 : memref<!tpu.dma_semaphore, #tpu.memory_space<semaphore_mem>>)
        %dma_wait3A = arith.constant 0 : i32
        %dma_wait3A_39 = arith.constant 0 : i32
        %dma_wait3A_40 = tpu.memref_slice %arg6[%dma_wait3A, %dma_wait3A_39] : memref<128x128xbf16, #tpu.memory_space<vmem>> -> memref<80x128xbf16, #tpu.memory_space<vmem>>
        %dma_wait3A_41 = arith.constant 0 : i32
        %dma_wait3A_42 = tpu.memref_slice %arg2[%run_scoped3A, %add3A_17, %dma_wait3A_41] : memref<2x10240x128xbf16, #tpu.memory_space<hbm>> -> memref<1x80x128xbf16, #tpu.memory_space<hbm>>
        %dma_wait3A_43 = tpu.memref_squeeze %dma_wait3A_42 : memref<1x80x128xbf16, #tpu.memory_space<hbm>> -> memref<80x128xbf16, #tpu.memory_space<hbm>>
        %dma_wait3A_44 = arith.constant 0 : i32
        %dma_wait3A_45 = arith.constant 0 : i32
        %dma_wait3A_46 = tpu.memref_slice %arg6[%dma_wait3A_44, %dma_wait3A_45] : memref<128x128xbf16, #tpu.memory_space<vmem>> -> memref<80x128xbf16, #tpu.memory_space<vmem>>
        %dma_wait3A_47 = arith.constant 0 : i32
        %dma_wait3A_48 = tpu.memref_slice %arg2[%run_scoped3A, %add3A_17, %dma_wait3A_47] : memref<2x10240x128xbf16, #tpu.memory_space<hbm>> -> memref<1x80x128xbf16, #tpu.memory_space<hbm>>
        %dma_wait3A_49 = tpu.memref_squeeze %dma_wait3A_48 : memref<1x80x128xbf16, #tpu.memory_space<hbm>> -> memref<80x128xbf16, #tpu.memory_space<hbm>>
        tpu.wait_dma2 semaphore(%run_scoped3A_27 : memref<!tpu.dma_semaphore, #tpu.memory_space<semaphore_mem>>) src(%dma_wait3A_49 : memref<80x128xbf16, #tpu.memory_space<hbm>>) dst(%dma_wait3A_46 : memref<80x128xbf16, #tpu.memory_space<vmem>>)
        tpu.yield
      }) : () -> ()
      %add3A_18 = arith.constant 0 : i32
      %add3A_19 = arith.addi %mul3A_2, %add3A_18 : i32
      %run_scoped3A_20 = arith.constant 1 : i32
      "tpu.region"() ({
        %run_scoped3A_27 = tpu.sem_alloc : memref<!tpu.dma_semaphore, #tpu.memory_space<semaphore_mem>>
        %dma_start3A = arith.constant 0 : i32
        %dma_start3A_28 = arith.constant 0 : i32
        %dma_start3A_29 = tpu.memref_slice %arg7[%dma_start3A, %dma_start3A_28] : memref<128x128xbf16, #tpu.memory_space<vmem>> -> memref<80x128xbf16, #tpu.memory_space<vmem>>
        %dma_start3A_30 = arith.constant 0 : i32
        %dma_start3A_31 = tpu.memref_slice %arg2[%run_scoped3A_20, %add3A_19, %dma_start3A_30] : memref<2x10240x128xbf16, #tpu.memory_space<hbm>> -> memref<1x80x128xbf16, #tpu.memory_space<hbm>>
        %dma_start3A_32 = tpu.memref_squeeze %dma_start3A_31 : memref<1x80x128xbf16, #tpu.memory_space<hbm>> -> memref<80x128xbf16, #tpu.memory_space<hbm>>
        %dma_start3A_33 = arith.constant 0 : i32
        %dma_start3A_34 = arith.constant 0 : i32
        %dma_start3A_35 = tpu.memref_slice %arg7[%dma_start3A_33, %dma_start3A_34] : memref<128x128xbf16, #tpu.memory_space<vmem>> -> memref<80x128xbf16, #tpu.memory_space<vmem>>
        %dma_start3A_36 = arith.constant 0 : i32
        %dma_start3A_37 = tpu.memref_slice %arg2[%run_scoped3A_20, %add3A_19, %dma_start3A_36] : memref<2x10240x128xbf16, #tpu.memory_space<hbm>> -> memref<1x80x128xbf16, #tpu.memory_space<hbm>>
        %dma_start3A_38 = tpu.memref_squeeze %dma_start3A_37 : memref<1x80x128xbf16, #tpu.memory_space<hbm>> -> memref<80x128xbf16, #tpu.memory_space<hbm>>
        tpu.enqueue_dma source(%dma_start3A_38 : memref<80x128xbf16, #tpu.memory_space<hbm>>) target(%dma_start3A_35 : memref<80x128xbf16, #tpu.memory_space<vmem>>) target_semaphore(%run_scoped3A_27 : memref<!tpu.dma_semaphore, #tpu.memory_space<semaphore_mem>>)
        %dma_wait3A = arith.constant 0 : i32
        %dma_wait3A_39 = arith.constant 0 : i32
        %dma_wait3A_40 = tpu.memref_slice %arg7[%dma_wait3A, %dma_wait3A_39] : memref<128x128xbf16, #tpu.memory_space<vmem>> -> memref<80x128xbf16, #tpu.memory_space<vmem>>
        %dma_wait3A_41 = arith.constant 0 : i32
        %dma_wait3A_42 = tpu.memref_slice %arg2[%run_scoped3A_20, %add3A_19, %dma_wait3A_41] : memref<2x10240x128xbf16, #tpu.memory_space<hbm>> -> memref<1x80x128xbf16, #tpu.memory_space<hbm>>
        %dma_wait3A_43 = tpu.memref_squeeze %dma_wait3A_42 : memref<1x80x128xbf16, #tpu.memory_space<hbm>> -> memref<80x128xbf16, #tpu.memory_space<hbm>>
        %dma_wait3A_44 = arith.constant 0 : i32
        %dma_wait3A_45 = arith.constant 0 : i32
        %dma_wait3A_46 = tpu.memref_slice %arg7[%dma_wait3A_44, %dma_wait3A_45] : memref<128x128xbf16, #tpu.memory_space<vmem>> -> memref<80x128xbf16, #tpu.memory_space<vmem>>
        %dma_wait3A_47 = arith.constant 0 : i32
        %dma_wait3A_48 = tpu.memref_slice %arg2[%run_scoped3A_20, %add3A_19, %dma_wait3A_47] : memref<2x10240x128xbf16, #tpu.memory_space<hbm>> -> memref<1x80x128xbf16, #tpu.memory_space<hbm>>
        %dma_wait3A_49 = tpu.memref_squeeze %dma_wait3A_48 : memref<1x80x128xbf16, #tpu.memory_space<hbm>> -> memref<80x128xbf16, #tpu.memory_space<hbm>>
        tpu.wait_dma2 semaphore(%run_scoped3A_27 : memref<!tpu.dma_semaphore, #tpu.memory_space<semaphore_mem>>) src(%dma_wait3A_49 : memref<80x128xbf16, #tpu.memory_space<hbm>>) dst(%dma_wait3A_46 : memref<80x128xbf16, #tpu.memory_space<vmem>>)
        tpu.yield
      }) : () -> ()
      %scan3A = arith.constant 0 : i32
      %scan3A_21 = arith.constant 80 : i32
      %scan3A_22 = arith.addi %scan3A, %scan3A_21 : i32
      %scan3A_23 = arith.constant 1 : i32
      scf.for %scan3A_27 = %scan3A to %scan3A_22 step %scan3A_23  : i32 {
        %mul3A_28 = arith.constant 1 : i32
        %mul3A_29 = arith.muli %scan3A_27, %mul3A_28 : i32
        %add3A_30 = arith.constant 0 : i32
        %add3A_31 = arith.addi %add3A_30, %mul3A_29 : i32
        %add3A_32 = arith.constant 0 : i32
        %add3A_33 = arith.addi %add3A_32, %add3A_31 : i32
        %get3A_34 = arith.constant 0 : i32
        %get3A_35 = tpu.memref_slice %arg8[%add3A_33, %get3A_34] : memref<320x32xbf16, #tpu.memory_space<vmem>> -> memref<1x32xbf16, #tpu.memory_space<vmem>>
        %get3A_36 = tpu.memref_squeeze %get3A_35 : memref<1x32xbf16, #tpu.memory_space<vmem>> -> memref<32xbf16, #tpu.memory_space<vmem>>
        %get3A_37 = arith.constant 0 : index
        %get3A_38 = tpu.vector_load %get3A_36[%get3A_37] {strides = array<i32>} : memref<32xbf16, #tpu.memory_space<vmem>>, vector<32xbf16>,
        %get3A_39 = arith.constant 0 : i32
        %get3A_40 = tpu.memref_slice %arg6[%add3A_31, %get3A_39] : memref<128x128xbf16, #tpu.memory_space<vmem>> -> memref<1x128xbf16, #tpu.memory_space<vmem>>
        %get3A_41 = tpu.memref_squeeze %get3A_40 : memref<1x128xbf16, #tpu.memory_space<vmem>> -> memref<128xbf16, #tpu.memory_space<vmem>>
        %get3A_42 = arith.constant 0 : index
        %get3A_43 = tpu.vector_load %get3A_41[%get3A_42] {strides = array<i32>} : memref<128xbf16, #tpu.memory_space<vmem>>, vector<32xbf16>,
        %get3A_44 = arith.constant 0 : i32
        %get3A_45 = tpu.memref_slice %arg7[%add3A_31, %get3A_44] : memref<128x128xbf16, #tpu.memory_space<vmem>> -> memref<1x128xbf16, #tpu.memory_space<vmem>>
        %get3A_46 = tpu.memref_squeeze %get3A_45 : memref<1x128xbf16, #tpu.memory_space<vmem>> -> memref<128xbf16, #tpu.memory_space<vmem>>
        %get3A_47 = arith.constant 0 : index
        %get3A_48 = tpu.vector_load %get3A_46[%get3A_47] {strides = array<i32>} : memref<128xbf16, #tpu.memory_space<vmem>>, vector<32xbf16>,
        %add3A_49 = arith.addf %get3A_43, %get3A_48 : vector<32xbf16>
        %mul3A_50 = arith.mulf %add3A_49, %get3A_38 : vector<32xbf16>
        %add3A_51 = arith.addf %mul3A_50, %get3A_3 : vector<32xbf16>
        %max3A = arith.constant 0.000000e+00 : bf16
        %max3A_52 = vector.broadcast %max3A : bf16 to vector<32xbf16>
        %max3A_53 = arith.maximumf %add3A_51, %max3A_52 : vector<32xbf16>
        %swap3A = arith.constant 0 : i32
        %swap3A_54 = tpu.memref_slice %arg6[%add3A_31, %swap3A] : memref<128x128xbf16, #tpu.memory_space<vmem>> -> memref<1x128xbf16, #tpu.memory_space<vmem>>
        %swap3A_55 = tpu.memref_squeeze %swap3A_54 : memref<1x128xbf16, #tpu.memory_space<vmem>> -> memref<128xbf16, #tpu.memory_space<vmem>>
        %swap3A_56 = arith.constant 0 : index
        %swap3A_57 = tpu.vector_load %swap3A_55[%swap3A_56] {strides = array<i32>} : memref<128xbf16, #tpu.memory_space<vmem>>, vector<32xbf16>,
        tpu.vector_store %swap3A_55[%swap3A_56], %max3A_53 {strides = array<i32>} : memref<128xbf16, #tpu.memory_space<vmem>>, vector<32xbf16>,
        %get3A_58 = arith.constant 0 : i32
        %get3A_59 = tpu.memref_slice %arg6[%add3A_31, %get3A_58] : memref<128x128xbf16, #tpu.memory_space<vmem>> -> memref<1x128xbf16, #tpu.memory_space<vmem>>
        %get3A_60 = tpu.memref_squeeze %get3A_59 : memref<1x128xbf16, #tpu.memory_space<vmem>> -> memref<128xbf16, #tpu.memory_space<vmem>>
        %get3A_61 = arith.constant 32 : index
        %get3A_62 = tpu.vector_load %get3A_60[%get3A_61] {strides = array<i32>} : memref<128xbf16, #tpu.memory_space<vmem>>, vector<32xbf16>,
        %get3A_63 = arith.constant 0 : i32
        %get3A_64 = tpu.memref_slice %arg7[%add3A_31, %get3A_63] : memref<128x128xbf16, #tpu.memory_space<vmem>> -> memref<1x128xbf16, #tpu.memory_space<vmem>>
        %get3A_65 = tpu.memref_squeeze %get3A_64 : memref<1x128xbf16, #tpu.memory_space<vmem>> -> memref<128xbf16, #tpu.memory_space<vmem>>
        %get3A_66 = arith.constant 32 : index
        %get3A_67 = tpu.vector_load %get3A_65[%get3A_66] {strides = array<i32>} : memref<128xbf16, #tpu.memory_space<vmem>>, vector<32xbf16>,
        %add3A_68 = arith.addf %get3A_62, %get3A_67 : vector<32xbf16>
        %mul3A_69 = arith.mulf %add3A_68, %get3A_38 : vector<32xbf16>
        %add3A_70 = arith.addf %mul3A_69, %get3A_5 : vector<32xbf16>
        %max3A_71 = arith.constant 0.000000e+00 : bf16
        %max3A_72 = vector.broadcast %max3A_71 : bf16 to vector<32xbf16>
        %max3A_73 = arith.maximumf %add3A_70, %max3A_72 : vector<32xbf16>
        %swap3A_74 = arith.constant 0 : i32
        %swap3A_75 = tpu.memref_slice %arg6[%add3A_31, %swap3A_74] : memref<128x128xbf16, #tpu.memory_space<vmem>> -> memref<1x128xbf16, #tpu.memory_space<vmem>>
        %swap3A_76 = tpu.memref_squeeze %swap3A_75 : memref<1x128xbf16, #tpu.memory_space<vmem>> -> memref<128xbf16, #tpu.memory_space<vmem>>
        %swap3A_77 = arith.constant 32 : index
        %swap3A_78 = tpu.vector_load %swap3A_76[%swap3A_77] {strides = array<i32>} : memref<128xbf16, #tpu.memory_space<vmem>>, vector<32xbf16>,
        tpu.vector_store %swap3A_76[%swap3A_77], %max3A_73 {strides = array<i32>} : memref<128xbf16, #tpu.memory_space<vmem>>, vector<32xbf16>,
        %get3A_79 = arith.constant 0 : i32
        %get3A_80 = tpu.memref_slice %arg6[%add3A_31, %get3A_79] : memref<128x128xbf16, #tpu.memory_space<vmem>> -> memref<1x128xbf16, #tpu.memory_space<vmem>>
        %get3A_81 = tpu.memref_squeeze %get3A_80 : memref<1x128xbf16, #tpu.memory_space<vmem>> -> memref<128xbf16, #tpu.memory_space<vmem>>
        %get3A_82 = arith.constant 64 : index
        %get3A_83 = tpu.vector_load %get3A_81[%get3A_82] {strides = array<i32>} : memref<128xbf16, #tpu.memory_space<vmem>>, vector<32xbf16>,
        %get3A_84 = arith.constant 0 : i32
        %get3A_85 = tpu.memref_slice %arg7[%add3A_31, %get3A_84] : memref<128x128xbf16, #tpu.memory_space<vmem>> -> memref<1x128xbf16, #tpu.memory_space<vmem>>
        %get3A_86 = tpu.memref_squeeze %get3A_85 : memref<1x128xbf16, #tpu.memory_space<vmem>> -> memref<128xbf16, #tpu.memory_space<vmem>>
        %get3A_87 = arith.constant 64 : index
        %get3A_88 = tpu.vector_load %get3A_86[%get3A_87] {strides = array<i32>} : memref<128xbf16, #tpu.memory_space<vmem>>, vector<32xbf16>,
        %add3A_89 = arith.addf %get3A_83, %get3A_88 : vector<32xbf16>
        %mul3A_90 = arith.mulf %add3A_89, %get3A_38 : vector<32xbf16>
        %add3A_91 = arith.addf %mul3A_90, %get3A_7 : vector<32xbf16>
        %max3A_92 = arith.constant 0.000000e+00 : bf16
        %max3A_93 = vector.broadcast %max3A_92 : bf16 to vector<32xbf16>
        %max3A_94 = arith.maximumf %add3A_91, %max3A_93 : vector<32xbf16>
        %swap3A_95 = arith.constant 0 : i32
        %swap3A_96 = tpu.memref_slice %arg6[%add3A_31, %swap3A_95] : memref<128x128xbf16, #tpu.memory_space<vmem>> -> memref<1x128xbf16, #tpu.memory_space<vmem>>
        %swap3A_97 = tpu.memref_squeeze %swap3A_96 : memref<1x128xbf16, #tpu.memory_space<vmem>> -> memref<128xbf16, #tpu.memory_space<vmem>>
        %swap3A_98 = arith.constant 64 : index
        %swap3A_99 = tpu.vector_load %swap3A_97[%swap3A_98] {strides = array<i32>} : memref<128xbf16, #tpu.memory_space<vmem>>, vector<32xbf16>,
        tpu.vector_store %swap3A_97[%swap3A_98], %max3A_94 {strides = array<i32>} : memref<128xbf16, #tpu.memory_space<vmem>>, vector<32xbf16>,
        %get3A_100 = arith.constant 0 : i32
        %get3A_101 = tpu.memref_slice %arg6[%add3A_31, %get3A_100] : memref<128x128xbf16, #tpu.memory_space<vmem>> -> memref<1x128xbf16, #tpu.memory_space<vmem>>
        %get3A_102 = tpu.memref_squeeze %get3A_101 : memref<1x128xbf16, #tpu.memory_space<vmem>> -> memref<128xbf16, #tpu.memory_space<vmem>>
        %get3A_103 = arith.constant 96 : index
        %get3A_104 = tpu.vector_load %get3A_102[%get3A_103] {strides = array<i32>} : memref<128xbf16, #tpu.memory_space<vmem>>, vector<32xbf16>,
        %get3A_105 = arith.constant 0 : i32
        %get3A_106 = tpu.memref_slice %arg7[%add3A_31, %get3A_105] : memref<128x128xbf16, #tpu.memory_space<vmem>> -> memref<1x128xbf16, #tpu.memory_space<vmem>>
        %get3A_107 = tpu.memref_squeeze %get3A_106 : memref<1x128xbf16, #tpu.memory_space<vmem>> -> memref<128xbf16, #tpu.memory_space<vmem>>
        %get3A_108 = arith.constant 96 : index
        %get3A_109 = tpu.vector_load %get3A_107[%get3A_108] {strides = array<i32>} : memref<128xbf16, #tpu.memory_space<vmem>>, vector<32xbf16>,
        %add3A_110 = arith.addf %get3A_104, %get3A_109 : vector<32xbf16>
        %mul3A_111 = arith.mulf %add3A_110, %get3A_38 : vector<32xbf16>
        %add3A_112 = arith.addf %mul3A_111, %get3A_9 : vector<32xbf16>
        %max3A_113 = arith.constant 0.000000e+00 : bf16
        %max3A_114 = vector.broadcast %max3A_113 : bf16 to vector<32xbf16>
        %max3A_115 = arith.maximumf %add3A_112, %max3A_114 : vector<32xbf16>
        %swap3A_116 = arith.constant 0 : i32
        %swap3A_117 = tpu.memref_slice %arg6[%add3A_31, %swap3A_116] : memref<128x128xbf16, #tpu.memory_space<vmem>> -> memref<1x128xbf16, #tpu.memory_space<vmem>>
        %swap3A_118 = tpu.memref_squeeze %swap3A_117 : memref<1x128xbf16, #tpu.memory_space<vmem>> -> memref<128xbf16, #tpu.memory_space<vmem>>
        %swap3A_119 = arith.constant 96 : index
        %swap3A_120 = tpu.vector_load %swap3A_118[%swap3A_119] {strides = array<i32>} : memref<128xbf16, #tpu.memory_space<vmem>>, vector<32xbf16>,
        tpu.vector_store %swap3A_118[%swap3A_119], %max3A_115 {strides = array<i32>} : memref<128xbf16, #tpu.memory_space<vmem>>, vector<32xbf16>,
      }
      %scan3A_24 = arith.constant 80 : i32
      %add3A_25 = arith.constant 0 : i32
      %add3A_26 = arith.addi %mul3A_2, %add3A_25 : i32
      "tpu.region"() ({
        %run_scoped3A_27 = tpu.sem_alloc : memref<!tpu.dma_semaphore, #tpu.memory_space<semaphore_mem>>
        %dma_start3A = arith.constant 0 : i32
        %dma_start3A_28 = arith.constant 0 : i32
        %dma_start3A_29 = tpu.memref_slice %arg6[%dma_start3A, %dma_start3A_28] : memref<128x128xbf16, #tpu.memory_space<vmem>> -> memref<80x128xbf16, #tpu.memory_space<vmem>>
        %dma_start3A_30 = arith.constant 0 : i32
        %dma_start3A_31 = tpu.memref_slice %arg5[%add3A_26, %dma_start3A_30] : memref<10000x128xbf16, #tpu.memory_space<hbm>> -> memref<80x128xbf16, #tpu.memory_space<hbm>>
        %dma_start3A_32 = arith.constant 0 : i32
        %dma_start3A_33 = tpu.memref_slice %arg5[%add3A_26, %dma_start3A_32] : memref<10000x128xbf16, #tpu.memory_space<hbm>> -> memref<80x128xbf16, #tpu.memory_space<hbm>>
        %dma_start3A_34 = arith.constant 0 : i32
        %dma_start3A_35 = arith.constant 0 : i32
        %dma_start3A_36 = tpu.memref_slice %arg6[%dma_start3A_34, %dma_start3A_35] : memref<128x128xbf16, #tpu.memory_space<vmem>> -> memref<80x128xbf16, #tpu.memory_space<vmem>>
        tpu.enqueue_dma source(%dma_start3A_36 : memref<80x128xbf16, #tpu.memory_space<vmem>>) target(%dma_start3A_33 : memref<80x128xbf16, #tpu.memory_space<hbm>>) target_semaphore(%run_scoped3A_27 : memref<!tpu.dma_semaphore, #tpu.memory_space<semaphore_mem>>)
        %dma_wait3A = arith.constant 0 : i32
        %dma_wait3A_37 = arith.constant 0 : i32
        %dma_wait3A_38 = tpu.memref_slice %arg6[%dma_wait3A, %dma_wait3A_37] : memref<128x128xbf16, #tpu.memory_space<vmem>> -> memref<80x128xbf16, #tpu.memory_space<vmem>>
        %dma_wait3A_39 = arith.constant 0 : i32
        %dma_wait3A_40 = tpu.memref_slice %arg5[%add3A_26, %dma_wait3A_39] : memref<10000x128xbf16, #tpu.memory_space<hbm>> -> memref<80x128xbf16, #tpu.memory_space<hbm>>
        %dma_wait3A_41 = arith.constant 0 : i32
        %dma_wait3A_42 = tpu.memref_slice %arg5[%add3A_26, %dma_wait3A_41] : memref<10000x128xbf16, #tpu.memory_space<hbm>> -> memref<80x128xbf16, #tpu.memory_space<hbm>>
        %dma_wait3A_43 = arith.constant 0 : i32
        %dma_wait3A_44 = arith.constant 0 : i32
        %dma_wait3A_45 = tpu.memref_slice %arg6[%dma_wait3A_43, %dma_wait3A_44] : memref<128x128xbf16, #tpu.memory_space<vmem>> -> memref<80x128xbf16, #tpu.memory_space<vmem>>
        tpu.wait_dma2 semaphore(%run_scoped3A_27 : memref<!tpu.dma_semaphore, #tpu.memory_space<semaphore_mem>>) src(%dma_wait3A_45 : memref<80x128xbf16, #tpu.memory_space<vmem>>) dst(%dma_wait3A_42 : memref<80x128xbf16, #tpu.memory_space<hbm>>)
        tpu.yield
      }) : () -> ()
    } else {
    }
    return
  }
}

module attributes {stable_mosaic.version = 14 : i64} {
  func.func @body(%arg0: i32, %arg1: memref<1280x128xf32, #tpu.memory_space<vmem>>, %arg2: memref<128x128xf32, #tpu.memory_space<vmem>>, %arg3: memref<32x1280xf32, #tpu.memory_space<vmem>>, %arg4: memref<1280x128xbf16, #tpu.memory_space<vmem>>, %arg5: memref<1280x32xbf16, #tpu.memory_space<vmem>>) attributes {dimension_semantics = [#tpu.dimension_semantics<arbitrary>], iteration_bounds = array<i64: 8>, scalar_prefetch = 0 : i64, scratch_operands = 0 : i64, tpu.core_type = #tpu.core_type<tc>, window_params = [{transform_indices = @transform_0, window_bounds = array<i64: 1280, 128>}, {pipeline_mode = #tpu.pipeline_mode<synchronous>, transform_indices = @transform_1, window_bounds = array<i64: 128, 128>}, {transform_indices = @transform_2, window_bounds = array<i64: 32, 1280>}, {transform_indices = @transform_3, window_bounds = array<i64: 1280, 128>}, {transform_indices = @transform_4, window_bounds = array<i64: 1280, 32>}]} {
    %get3A = arith.constant 0 : index
    %get3A_0 = arith.constant 0 : index
    %get3A_1 = vector.load %arg3[%get3A, %get3A_0] : memref<32x1280xf32, #tpu.memory_space<vmem>>, vector<32x1280xf32>
    %reduce_sum3A = arith.constant dense<0.000000e+00> : vector<1280xf32>
    %reduce_sum3A_2 = vector.multi_reduction <add>, %get3A_1, %reduce_sum3A [0] : vector<32x1280xf32> to vector<1280xf32>
    %add3A = arith.constant 1.000000e+00 : f32
    %add3A_3 = vector.broadcast %add3A : f32 to vector<1280xf32>
    %add3A_4 = arith.addf %reduce_sum3A_2, %add3A_3 : vector<1280xf32>
    %rsqrt3A = math.rsqrt %add3A_4 : vector<1280xf32>
    %get3A_5 = arith.constant 0 : index
    %get3A_6 = arith.constant 0 : index
    %get3A_7 = vector.load %arg1[%get3A_5, %get3A_6] : memref<1280x128xf32, #tpu.memory_space<vmem>>, vector<1280x128xf32>
    %get3A_8 = arith.constant 0 : index
    %get3A_9 = arith.constant 0 : index
    %get3A_10 = vector.load %arg2[%get3A_8, %get3A_9] : memref<128x128xf32, #tpu.memory_space<vmem>>, vector<128x128xf32>
    %dot_general3A = arith.constant dense<0.000000e+00> : vector<1280x128xf32>
    %dot_general3A_11 = tpu.matmul %get3A_7, %get3A_10, %dot_general3A {dimension_numbers = #tpu.dot_dimension_numbers<[1], [0], [0], [1], [0, 0, 1, 1], [], []>, transpose_lhs_hint = false} : vector<1280x128xf32>, vector<128x128xf32>, vector<1280x128xf32> -> vector<1280x128xf32>
    %broadcast_in_dim3A = vector.shape_cast %rsqrt3A : vector<1280xf32> to vector<1280x1xf32>
    %mul3A = vector.broadcast %broadcast_in_dim3A : vector<1280x1xf32> to vector<1280x128xf32>
    %mul3A_12 = arith.mulf %dot_general3A_11, %mul3A : vector<1280x128xf32>
    %convert_element_type3A = arith.truncf %mul3A_12 : vector<1280x128xf32> to vector<1280x128xbf16>
    %swap3A = arith.constant 0 : index
    %swap3A_13 = arith.constant 0 : index
    %swap3A_14 = vector.load %arg4[%swap3A, %swap3A_13] : memref<1280x128xbf16, #tpu.memory_space<vmem>>, vector<1280x128xbf16>
    tpu.vector_store %arg4[%swap3A, %swap3A_13], %convert_element_type3A {strides = array<i32>} : memref<1280x128xbf16, #tpu.memory_space<vmem>>, vector<1280x128xbf16>,
    %convert_element_type3A_15 = arith.truncf %rsqrt3A : vector<1280xf32> to vector<1280xbf16>
    %broadcast_in_dim3A_16 = vector.shape_cast %convert_element_type3A_15 : vector<1280xbf16> to vector<1280x1xbf16>
    %broadcast_in_dim3A_17 = vector.shape_cast %broadcast_in_dim3A_16 : vector<1280x1xbf16> to vector<1280x1xbf16>
    %broadcast_in_dim3A_18 = vector.broadcast %broadcast_in_dim3A_17 : vector<1280x1xbf16> to vector<1280x32xbf16>
    %swap3A_19 = arith.constant 0 : index
    %swap3A_20 = arith.constant 0 : index
    %swap3A_21 = vector.load %arg5[%swap3A_19, %swap3A_20] : memref<1280x32xbf16, #tpu.memory_space<vmem>>, vector<1280x32xbf16>
    tpu.vector_store %arg5[%swap3A_19, %swap3A_20], %broadcast_in_dim3A_18 {strides = array<i32>} : memref<1280x32xbf16, #tpu.memory_space<vmem>>, vector<1280x32xbf16>,
    return
  }
  func.func @transform_0(%arg0: i32) -> (i32, i32) {
    %c0_i32 = arith.constant 0 : i32
    %c0_i32_0 = arith.constant 0 : i32
    return %arg0, %c0_i32 : i32, i32
  }
  func.func @transform_1(%arg0: i32) -> (i32, i32) {
    %c0_i32 = arith.constant 0 : i32
    %c0_i32_0 = arith.constant 0 : i32
    %c0_i32_1 = arith.constant 0 : i32
    return %c0_i32, %c0_i32_0 : i32, i32
  }
  func.func @transform_2(%arg0: i32) -> (i32, i32) {
    %c0_i32 = arith.constant 0 : i32
    %c0_i32_0 = arith.constant 0 : i32
    return %c0_i32, %arg0 : i32, i32
  }
  func.func @transform_3(%arg0: i32) -> (i32, i32) {
    %c0_i32 = arith.constant 0 : i32
    %c0_i32_0 = arith.constant 0 : i32
    return %arg0, %c0_i32 : i32, i32
  }
  func.func @transform_4(%arg0: i32) -> (i32, i32) {
    %c0_i32 = arith.constant 0 : i32
    %c0_i32_0 = arith.constant 0 : i32
    return %arg0, %c0_i32 : i32, i32
  }
}

</mosaic_0001>

<sc_bundles>
// kernel: kernel.12.cloned.1.call-start
scs
__scs_entry_jumppad:
0x0: {  	(pc) =	sbr.rel $0x88, $3  }
0x1: {  	(tag) =	ssettag $0x0;
	lr =	simm.s32 $0x1  }
0x2: {  	[smem:$0x3F9D] =	sst lr;
	_ =	strace $0xD0000000  }
0x3: {  	_ = 	snop  }
0x4: {  	_ = 	snop  }
0x5: {  	_ = 	snop  }
0x6: {  	_ = 	snop  }
0x7: {  	_ = 	snop  }
__scs_overlays_trampoline_lowered:
0x8: {  	[smem:$0x3FAC] =	sst s0  }
0x9: {  	[smem:$0x3FAD] =	sst s1  }
0xa: {  	[smem:$0x3FAE] =	sst s2  }
0xb: {  	[smem:$0x3FAF] =	sst s3  }
0xc: {  	[smem:$0x3FB0] =	sst s4  }
0xd: {  	[smem:$0x3FB1] =	sst s5  }
0xe: {  	[smem:$0x3FB2] =	sst s6  }
0xf: {  	[smem:$0x3FB3] =	sst s7  }
0x10: {  	[smem:$0x3FB4] =	sst s8  }
0x11: {  	[smem:$0x3FB5] =	sst s9;
	s0 =	simm.s32 @!p0 $0x0  }
0x12: {  	s1 =	sld [smem:$0x3F9B];
	s0 =	simm.s32 @p0 $0x1  }
0x13: {  	[smem:$0x3FB6] =	sst s0;
	s0 =	simm.s32 @!p1 $0x0  }
0x14: {  	s2 =	sld [smem:$0x3F9A];
	s0 =	simm.s32 @p1 $0x1  }
0x15: {  	[smem:$0x3FB7] =	sst s0;
	s0 =	simm.s32 @!p2 $0x0  }
0x16: {  	s3 =	sld [smem:$0x3FDB];
	s0 =	simm.s32 @p2 $0x1  }
0x17: {  	s4 =	simm.s32 $0x1BF5;
	[smem:$0x3FB9] =	sst s0  }
0x18: {  	s0 =	sld [smem:$0x3F9C];
	_ =	swait.ge [sflag:s4], $0x0  }
0x19: {  	s7 =	sld [smem:$0x3F9D]  }
0x1a: {  	s8 =	sadd.s32 $0xFFFFE003, lr  }
0x1b: {  	s9 =	sadd.s32 $0xFFFFFEF7, lr;
	s5 =	simm.s32 $0xFFFFFFFF;
	p2 =	slt.u32 s8, $0xFFFFF086  }
0x1c: {  	p1 =	slt.u32 s9, $0xF7A;
	s5 =	simm.s32 @!p2 $0x0  }
0x1d: {  	s5 =	simm.s32 @p1 $0x1;
	p0 =	seq.s32 s7, s2  }
0x1e: {  	s7 =	smul.u32 @!p0 $0xF7A, s2;
	p2 =	seq.s32 @!p0 s5, $0x0  }
0x1f: {  	s9 =	smul.u32 $0xF7A, s1;
	s8 =	simm.s32 @!p0 $0x1BF5;
	p2 =	por !p2, p0  }
0x20: {  	[sflag:s8] =	ssyncset.s32 @!p0 $0xFFFFF086;
	s6 =	sadd.s32 @!p0 s3, s7;
	s7 =	simm.s32 @!p0 $0x108  }
0x21: {  	s3 =	sadd.s32 s3, s9;
	s6 =	sadd.s32 @!p0 $0x88, s6;
	s7 =	simm.s32 @p2 $0x1082  }
0x22: {  	[simem:s7], [sflag:s8] =	dma.local @!p0 [hbm:s6], $0xF7A  }
0x23: {  	s9 =	sor.u32 $0xD0000000, s2;
	s6 =	simm.s32 $0x108;
	_ =	swait.ge @!p0 [sflag:s8], $0x0  }
0x24: {  	s3 =	sadd.s32 $0x88, s3;
	s6 =	simm.s32 @!p1 $0x1082;
	[sflag:s4] =	ssyncset.s32 $0xFFFFF086  }
0x25: {  	[simem:s6], [sflag:s4] =	dma.local [hbm:s3], $0xF7A  }
0x26: {  	[smem:$0x3F9D] =	sst s1;
	(tag) =	ssettag s2;
	_ =	strace s9  }
0x27: {  	s1 =	sld [smem:$0x3FAD]  }
0x28: {  	s2 =	sld [smem:$0x3FAE]  }
0x29: {  	s4 =	sld [smem:$0x3FB0]  }
0x2a: {  	p0 =	seq.s32 s5, $0x0;
	s5 =	sld [smem:$0x3FB1]  }
0x2b: {  	s6 =	sld [smem:$0x3FB2]  }
0x2c: {  	s7 =	sld [smem:$0x3FB3]  }
0x2d: {  	s3 =	simm.s32 $0x108;
	s8 =	sld [smem:$0x3FB4]  }
0x2e: {  	s3 =	simm.s32 @!p0 $0x1082;
	s9 =	sld [smem:$0x3FB5]  }
0x2f: {  	lr =	sadd.s32 s0, s3;
	s0 =	sld [smem:$0x3FAC]  }
0x30: {  	s3 =	sld [smem:$0x3FAF]  }
0x31: {  	[smem:$0x3FB8] =	sst s10  }
0x32: {  	s10 =	sld [smem:$0x3FB6];
	_ =	sdelay $0x3  }
0x33: {  	p0 =	seq.s32 s10, $0x1;
	s10 =	sld [smem:$0x3FB8];
	_ =	sdelay $0x3  }
0x34: {  	[smem:$0x3FB8] =	sst s10  }
0x35: {  	s10 =	sld [smem:$0x3FB7];
	_ =	sdelay $0x3  }
0x36: {  	p1 =	seq.s32 s10, $0x1;
	s10 =	sld [smem:$0x3FB8];
	_ =	sdelay $0x3  }
0x37: {  	[smem:$0x3FB8] =	sst s10  }
0x38: {  	s10 =	sld [smem:$0x3FB9]  }
0x39: {  	_ = 	snop;
	(pc) =	sbr.ind lr, $3  }
0x3a: {  	_ = 	snop  }
0x3b: {  	_ = 	snop  }
0x3c: {  	p2 =	seq.s32 s10, $0x1;
	s10 =	sld [smem:$0x3FB8]  }
0x3d: {  	_ =	shalt  }
0x3e: {  	_ =	shalt  }
0x3f: {  	_ =	shalt  }
0x40: {  	_ =	shalt  }
0x41: {  	_ =	shalt  }
0x42: {  	_ =	shalt  }
0x43: {  	_ =	shalt  }
0x44: {  	_ =	shalt  }
0x45: {  	_ =	shalt  }
0x46: {  	_ =	shalt  }
0x47: {  	_ =	shalt  }
0x48: {  	_ =	shalt  }
0x49: {  	_ =	shalt  }
0x4a: {  	_ =	shalt  }
0x4b: {  	_ =	shalt  }
0x4c: {  	_ =	shalt  }
0x4d: {  	_ =	shalt  }
0x4e: {  	_ =	shalt  }
0x4f: {  	_ =	shalt  }
0x50: {  	_ =	shalt  }
0x51: {  	_ =	shalt  }
0x52: {  	_ =	shalt  }
0x53: {  	_ =	shalt  }
0x54: {  	_ =	shalt  }
0x55: {  	_ =	shalt  }
0x56: {  	_ =	shalt  }
0x57: {  	_ =	shalt  }
0x58: {  	_ =	shalt  }
0x59: {  	_ =	shalt  }
0x5a: {  	_ =	shalt  }
0x5b: {  	_ =	shalt  }
0x5c: {  	_ =	shalt  }
0x5d: {  	_ =	shalt  }
0x5e: {  	_ =	shalt  }
0x5f: {  	_ =	shalt  }
0x60: {  	_ =	shalt  }
0x61: {  	_ =	shalt  }
0x62: {  	_ =	shalt  }
0x63: {  	_ =	shalt  }
0x64: {  	_ =	shalt  }
0x65: {  	_ =	shalt  }
0x66: {  	_ =	shalt  }
0x67: {  	_ =	shalt  }
0x68: {  	_ =	shalt  }
0x69: {  	_ =	shalt  }
0x6a: {  	_ =	shalt  }
0x6b: {  	_ =	shalt  }
0x6c: {  	_ =	shalt  }
0x6d: {  	_ =	shalt  }
0x6e: {  	_ =	shalt  }
0x6f: {  	_ =	shalt  }
0x70: {  	_ =	shalt  }
0x71: {  	_ =	shalt  }
0x72: {  	_ =	shalt  }
0x73: {  	_ =	shalt  }
0x74: {  	_ =	shalt  }
0x75: {  	_ =	shalt  }
0x76: {  	_ =	shalt  }
0x77: {  	_ =	shalt  }
0x78: {  	_ =	shalt  }
0x79: {  	_ =	shalt  }
0x7a: {  	_ =	shalt  }
0x7b: {  	_ =	shalt  }
0x7c: {  	_ =	shalt  }
0x7d: {  	_ =	shalt  }
0x7e: {  	_ =	shalt  }
0x7f: {  	_ =	shalt  }
0x80: {  	_ =	shalt  }
0x81: {  	_ =	shalt  }
0x82: {  	_ =	shalt  }
0x83: {  	_ =	shalt  }
0x84: {  	_ =	shalt  }
0x85: {  	_ =	shalt  }
0x86: {  	_ =	shalt  }
0x87: {  	_ =	shalt  }
.Lfunc_end0:
.L_simem_size_0:
called_computation.2_lowered:
.L_overlay_start_0:
0x88: {  	s2 =	sld [smem:$0x3FD9]  }
0x89: {  	s3 =	sld [smem:$0x3FFE];
	_ =	sdelay $0x1  }
0x8a: {  	s1 =	srdreg.scid  }
0x8b: {  	s0 =	sand.u32 $0x1, s1  }
0x8c: {  	s17 =	sshll.u32 s0, $0xA;
	s2 =	sadd.s32 s3, s2  }
0x8d: {  	s2 =	sadd.s32 s2, s17  }
0x8e: {  	[smem:$0x3FC4] =	sst s2  }
0x8f: {  	_ = 	snop  }
0x90: {  	s2 =	sld [smem:$0x3FD0];
	(tm) =	ssettm $0x1  }
0x91: {  	s18 =	sld [smem:$0x3FFB];
	_ =	sdelay $0x3  }
0x92: {  	_ =	strace s18  }
0x93: {  	s3 =	sld [smem:$0x3FFC];
	_ =	sdelay $0x3  }
0x94: {  	_ =	strace s3  }
0x95: {  	s3 =	sld [smem:$0x3FFD];
	_ =	sdelay $0x3  }
0x96: {  	_ =	strace s3  }
0x97: {  	_ =	strace $0x8FFFFFFF  }
0x98: {  	s19 =	sld [smem:$0x3FDB];
	_ =	sdelay $0x1  }
0x99: {  	s4 =	simm.s32 $_scs_section_size  }
0x9a: {  	s5 =	simm.s32 $_size__tile_overlayer_lowered;
	s6 =	simm.s32 $_tile_overlayer_lowered  }
0x9b: {  	s22 =	simm.s32 $0x1BFF;
	s21 =	sshll.u32 s6, $0x1;
	s3 =	sadd.s32 s4, s19  }
0x9c: {  	s7 =	simm.s32 $0x0;
	s20 =	sshll.u32 s5, $0x1;
	s5 =	sadd.s32 s21, s3  }
0x9d: {  	[timem:s7], [sflag:s22] =	dma.local [hbm:s5], s20  }
0x9e: {  	_ =	swait.ge [sflag:s22], s20  }
0x9f: {  	s4 =	ssub.s32 $0x0, s20;
	[sflag:s22] =	ssyncset.done $0x0  }
0xa0: {  	[sflag:s22] =	ssyncadd.s32 s4;
	_ =	sdelay $0x1  }
0xa1: {  	s23 =	simm.s32 $0x1B8B  }
0xa2: {  	_ =	swait.ge [sflag:s23], $0x1  }
0xa3: {  	[sflag:s23] =	ssyncset.done $0x0  }
0xa4: {  	s25 =	simm.s32 $0x1B8E;
	s24 =	sld [smem:$0x3FFE];
	[sflag:s23] =	ssyncadd.s32 $0xFFFFFFFF  }
0xa5: {  	s26 =	simm.s32 $execute0_lowered;
	[smem:$0x3FD2] =	sst s25  }
0xa6: {  	s5 =	sshll.u32 s26, $0x1;
	_ =	strace $0x8000004C;
	[dreg:$0x1] =	wrdreg $0xFFFFFFFF  }
0xa7: {  	s28 =	simm.s32 $_size_execute0_lowered;
	s3 =	sadd.s32 s3, s5;
	[dreg:$0x0] =	wrdreg $0x0  }
0xa8: {  	s5 =	sshll.u32 s28, $0x1;
	[dreg:$0x2] =	wrdreg s3  }
0xa9: {  	[dreg:$0x3] =	wrdreg s5  }
0xaa: {  	[dreg:$0x4] =	wrdreg $0xC0  }
0xab: {  	_ =	task [dreg:s7], $0x5FFFF  }
0xac: {  	[dreg:$0x1] =	wrdreg $0xFFFFFFFF  }
0xad: {  	[dreg:$0x0] =	wrdreg $0x60  }
0xae: {  	[dreg:$0x2] =	wrdreg s24  }
0xaf: {  	[dreg:$0x3] =	wrdreg s2  }
0xb0: {  	[dreg:$0x4] =	wrdreg $0x9  }
0xb1: {  	_ =	task.clear_ibuf [dreg:s7], $0x5FFFF;
	_ =	strace $0x9000004C  }
0xb2: {  	s29 =	simm.s32 $0x9;
	_ =	strace $0x8000004E  }
0xb3: {  	_ =	swait.ge [sflag:s29], $0x1  }
0xb4: {  	[sflag:s29] =	ssyncadd.s32 $0xFFFFFFFF  }
0xb5: {  	_ =	strace $0x9000004E  }
0xb6: {  	_ =	sfence  }
0xb7: {  	s30 =	sld [smem:$0x0];
	_ =	sdelay $0x2  }
0xb8: {  	s31 =	sshll.u32 s1, $0xD;
	s1 =	sshrl.u32 s1, $0x2  }
0xb9: {  	s3 =	sand.u32 $0x4000, s31;
	s1 =	sadd.s32 s1, s30  }
0xba: {  	s0 =	sor.u32 s3, s0;
	s1 =	sshll.u32 s1, $0x11  }
0xbb: {  	s0 =	sor.u32 s1, s0  }
0xbc: {  	s0 =	sadd.s32 $0x8F2B, s0  }
0xbd: {  	[sflag:s0] =	ssyncadd.remote.s32 $0x1  }
0xbe: {  	_ =	sfence.sel $0xFFFF  }
0xbf: {  	[dreg:$0x0] =	wrdreg $0xFFFFFFFF;
	(pc) =	sbr.abs _section_cstart, $3  }
0xc0: {  	[dreg:$0x1] =	wrdreg $0xFFFFFFFF  }
0xc1: {  	_ =	task.clear_ibuf [dreg:s7], $0x2FFFF;
	_ =	strace $0x9FFFFFFF  }
0xc2: {  	(tm) =	ssettm $0x7FFFFFFF  }
0xc3: {  	_ =	shalt  }
tec
execute0_lowered:
.L_overlay_start_1:
0x0: {  	(tag) =	ssettag $0x1  }
0x1: {  	s15 =	rddreg [dreg:$0x0]  }
0x2: {  	s0 =	srdreg.scid;
	s16 =	rddreg [dreg:$0x1];
	s2 =	simm.s32 $0x0  }
0x3: {  	s19 =	simm.s32 $0x1;
	s20 =	simm.s32 $0x5400;
	s21 =	simm.s32 $0x2000  }
0x4: {  	s22 =	simm.s32 $0x0;
	s3 =	sand.u32 $0x1, s0;
	s0 =	stileid.u32  }
0x5: {  	[smem:$0x7FF] =	sst s2;
	s11 =	sadd.s32 $0x20800, s15;
	s1 =	sshll.u32 s3, $0x4  }
0x6: {  	s14 =	sadd.s32 $0x33E00, s15;
	s6 =	ssub.s32 $0x2, s3;
	s18 =	sor.u32 s0, s1  }
0x7: {  	s3 =	sadd.s32 $0x15A00, s15;
	s1 =	rddreg [dreg:$0x2];
	s4 =	smul.u32 $0x280, s18  }
0x8: {  	_ =	strace $0x8000004D;
	s31 =	sshrl.u32 s6, $0x1;
	s5 =	smul.u32 $0xA000, s18  }
0x9: {  	s17 =	ssub.s32 s6, s31;
	p0 =	seq.s32 s18, $0x1F;
	s18 =	simm.s32 $0x4000  }
0xa: {  	s17 =	smax.u32 s17, $0x1;
	s7 =	sadd.s32 s4, s15;
	s9 =	sshrl.u32 s5, $0x4  }
.Ltmp0:
0xb: {  	s15 =	sadd.s32 $0x47E00, s15;
	s4 =	sadd.s32 s11, s9;
	(pc) =	sbr.rel .LBB2_1-.Ltmp0, $4  }
0xc: {  	s5 =	sadd.s32 $0x15C00, s7;
	s10 =	sadd.s32 $0x400, s9;
	s7 =	sadd.s32 s16, s9  }
0xd: {  	s13 =	sadd.s32 $0x800, s9;
	s6 =	sadd.s32 $0x14000, s4;
	s8 =	sadd.s32 s11, s10  }
0xe: {  	s9 =	sadd.s32 $0x14400, s4;
	s10 =	sadd.s32 s16, s10;
	s11 =	sadd.s32 s11, s13  }
0xf: {  	v0 =	vimm.bf16 $0.0e+00;
	s12 =	sadd.s32 $0x14800, s4;
	s13 =	sadd.s32 s16, s13;
	s16 =	sadd.s32 $0x13600, s16  }
.LBB2_11:
0x10: {  	v10 =	vmul.bf16 v10, v6  }
0x11: {  	v5 =	vadd.bf16 v5, v7;
	v62 =	vmul.bf16 v8, v6  }
0x12: {  	v63 =	vmul.bf16 v9, v6;
	v4 =	vadd.bf16 v10, v4  }
0x13: {  	v5 =	vmul.bf16 v5, v6;
	v3 =	vadd.bf16 v62, v3  }
0x14: {  	v2 =	vadd.bf16 v63, v2;
	v4 =	vmax.bf16 v4, v0  }
0x15: {  	v1 =	vadd.bf16 v5, v1;
	v3 =	vmax.bf16 v3, v0;
	[tilespmem:s23+$0x30] =	vst v4  }
0x16: {  	v2 =	vmax.bf16 v2, v0;
	[tilespmem:s23+$0x20] =	vst v3  }
0x17: {  	[tilespmem:s23+$0x0] =	vst v2;
	v1 =	vmax.bf16 v1, v0  }
0x18: {  	[tilespmem:s23+$0x10] =	vst v1  }
0x19: {  	[hbm4b:s16+s2] =	stream.linear.scatter [tilespmem:s2], [sflag:$0x1], $0x1400, $0x38;
	[tilespmem:$0x5440] =	vst v63  }
0x1a: {  	_ =	swait.ge [sflag:s19], $0x1400  }
0x1b: {  	[sflag:s19] =	ssyncset.done $0x0  }
0x1c: {  	[sflag:s19] =	ssyncadd.s32 $0xFFFFEC00  }
.LBB2_12:
0x1d: {  	s22 =	sadd.s32 $0x1, s22  }
0x1e: {  	p1 =	sne.s32 s22, s17  }
.Ltmp1:
0x1f: {  	_ = 	snop;
	(pc) =	sbr.rel @!p1 .LBB2_13-.Ltmp1, $1  }
0x20: {  	_ =	sdelay $0x3  }
.LBB2_1:
0x21: {  	[tilespmem:s18], [sflag:$0x1] =	stream.linear.gather [hbm4b:s5+s2], $0x1400, $0x38;
	[tilespmem:$0x5440] =	vst v63  }
0x22: {  	_ =	swait.ge [sflag:s19], $0x1400  }
0x23: {  	[sflag:s19] =	ssyncset.done $0x0  }
0x24: {  	[sflag:s19] =	ssyncadd.s32 $0xFFFFEC00  }
0x25: {  	[tilespmem:s20], [sflag:$0x1] =	stream.linear.gather [hbm4b:s3+s2], $0x40, $0x38;
	[tilespmem:$0x5440] =	vst v63  }
0x26: {  	_ =	swait.ge [sflag:s19], $0x40  }
0x27: {  	[sflag:s19] =	ssyncset.done $0x0  }
.Ltmp2:
0x28: {  	[sflag:s19] =	ssyncadd.s32 $0xFFFFFFC0;
	(pc) =	sbr.rel @!p0 .LBB2_2-.Ltmp2, $4  }
0x29: {  	v2 =	vld [tilespmem:$0x5400]  }
0x2a: {  	v1 =	vld [tilespmem:$0x5410]  }
0x2b: {  	v4 =	vld [tilespmem:$0x5430]  }
0x2c: {  	s23 =	simm.s32 $0x0;
	v3 =	vld [tilespmem:$0x5420]  }
0x2d: {  	[tilespmem:s23], [sflag:$0x1] =	stream.linear.gather [hbm4b:s14+s23], $0x1400, $0x38;
	[tilespmem:$0x5440] =	vst v63  }
0x2e: {  	_ =	swait.ge [sflag:s19], $0x1400  }
0x2f: {  	[sflag:s19] =	ssyncset.done $0x0  }
0x30: {  	[sflag:s19] =	ssyncadd.s32 $0xFFFFEC00  }
0x31: {  	[tilespmem:s21], [sflag:$0x1] =	stream.linear.gather [hbm4b:s15+s23], $0x1400, $0x38;
	[tilespmem:$0x5440] =	vst v63  }
0x32: {  	_ =	swait.ge [sflag:s19], $0x1400  }
0x33: {  	[sflag:s19] =	ssyncset.done $0x0  }
0x34: {  	s23 =	simm.s32 $0x0;
	[sflag:s19] =	ssyncadd.s32 $0xFFFFEC00  }
0x35: {  	v7 =	vld [tilespmem:s23+$0x2030]  }
0x36: {  	v8 =	vld [tilespmem:s23+$0x2020]  }
0x37: {  	v9 =	vld [tilespmem:s23+$0x2000]  }
0x38: {  	v10 =	vld [tilespmem:s23+$0x30]  }
0x39: {  	v11 =	vld [tilespmem:s23+$0x20]  }
0x3a: {  	v12 =	vld [tilespmem:s23+$0x0]  }
0x3b: {  	s24 =	simm.s32 $0x4000;
	v5 =	vld [tilespmem:s23+$0x2010]  }
0x3c: {  	v6 =	vld [tilespmem:s24+$0x0]  }
0x3d: {  	v10 =	vadd.bf16 v7, v10;
	v7 =	vld [tilespmem:s23+$0x10];
	_ =	sdelay $0x1  }
0x3e: {  	s25 =	simm.s32 $0x100;
	v8 =	vadd.bf16 v8, v11;
	v9 =	vadd.bf16 v9, v12  }
.LBB2_10:
0x3f: {  	p1 =	sne.s32 s25, $0x4F00  }
0x40: {  	v10 =	vmul.bf16 v10, v6;
	s24 =	sadd.s32 $0x10, s24;
	s26 =	smov.u32 s25;
	s25 =	sadd.s32 $0x100, s25  }
0x41: {  	v9 =	vmul.bf16 v9, v6;
	v5 =	vadd.bf16 v5, v7;
	v7 =	vmul.bf16 v8, v6;
	s26 =	sshra.s32 s26, $0x2  }
0x42: {  	v8 =	vld [tilespmem:s26+$0x2030];
	v10 =	vadd.bf16 v10, v4  }
0x43: {  	v9 =	vadd.bf16 v9, v2;
	v6 =	vmul.bf16 v5, v6;
	v7 =	vadd.bf16 v7, v3;
	v11 =	vld [tilespmem:s26+$0x2020]  }
0x44: {  	v5 =	vld [tilespmem:s26+$0x2010];
	v10 =	vmax.bf16 v10, v0  }
0x45: {  	v9 =	vmax.bf16 v9, v0;
	v6 =	vadd.bf16 v6, v1;
	v7 =	vmax.bf16 v7, v0;
	v12 =	vld [tilespmem:s26+$0x2000];
	[tilespmem:s23+$0x30] =	vst v10  }
0x46: {  	v10 =	vld [tilespmem:s26+$0x30];
	[tilespmem:s23+$0x20] =	vst v7  }
0x47: {  	v6 =	vmax.bf16 v6, v0;
	v13 =	vld [tilespmem:s26+$0x20];
	[tilespmem:s23+$0x0] =	vst v9  }
0x48: {  	v9 =	vld [tilespmem:s26+$0x0];
	[tilespmem:s23+$0x10] =	vst v6;
	s23 =	smov.u32 s26  }
.Ltmp3:
0x49: {  	v6 =	vld [tilespmem:s24+$0x0];
	(pc) =	sbr.rel @p1 .LBB2_10-.Ltmp3, $4  }
0x4a: {  	v7 =	vld [tilespmem:s23+$0x10]  }
0x4b: {  	v10 =	vadd.bf16 v8, v10  }
0x4c: {  	v8 =	vadd.bf16 v11, v13  }
0x4d: {  	v9 =	vadd.bf16 v12, v9  }
.Ltmp4:
0x4e: {  	_ = 	snop;
	(pc) =	sbr.rel .LBB2_11-.Ltmp4, $1  }
0x4f: {  	_ =	sdelay $0x3  }
.LBB2_2:
0x50: {  	[tilespmem:s23], [sflag:$0x1] =	stream.linear.gather [hbm4b:s4+s23], $0x2000, $0x38;
	[tilespmem:$0x5440] =	vst v63  }
0x51: {  	_ =	swait.ge [sflag:s19], $0x2000  }
0x52: {  	[sflag:s19] =	ssyncset.done $0x0  }
0x53: {  	[sflag:s19] =	ssyncadd.s32 $0xFFFFE000  }
0x54: {  	[tilespmem:s21], [sflag:$0x1] =	stream.linear.gather [hbm4b:s6+s23], $0x2000, $0x38;
	[tilespmem:$0x5440] =	vst v63  }
0x55: {  	_ =	swait.ge [sflag:s19], $0x2000  }
0x56: {  	[sflag:s19] =	ssyncset.done $0x0  }
0x57: {  	s23 =	simm.s32 $0x0;
	[sflag:s19] =	ssyncadd.s32 $0xFFFFE000  }
0x58: {  	v7 =	vld [tilespmem:s23+$0x2030]  }
0x59: {  	v8 =	vld [tilespmem:s23+$0x2020]  }
0x5a: {  	v9 =	vld [tilespmem:s23+$0x2000]  }
0x5b: {  	v10 =	vld [tilespmem:s23+$0x30]  }
0x5c: {  	v11 =	vld [tilespmem:s23+$0x20]  }
0x5d: {  	v12 =	vld [tilespmem:s23+$0x0]  }
0x5e: {  	s24 =	simm.s32 $0x4000;
	v5 =	vld [tilespmem:s23+$0x2010]  }
0x5f: {  	v6 =	vld [tilespmem:s24+$0x0]  }
0x60: {  	v10 =	vadd.bf16 v7, v10;
	v7 =	vld [tilespmem:s23+$0x10];
	_ =	sdelay $0x1  }
0x61: {  	s25 =	simm.s32 $0x100;
	v8 =	vadd.bf16 v8, v11;
	v9 =	vadd.bf16 v9, v12  }
.LBB2_3:
0x62: {  	p1 =	sne.s32 s25, $0x7F00  }
0x63: {  	v10 =	vmul.bf16 v10, v6;
	s24 =	sadd.s32 $0x10, s24;
	s26 =	smov.u32 s25;
	s25 =	sadd.s32 $0x100, s25  }
0x64: {  	s26 =	sshra.s32 s26, $0x2;
	v9 =	vmul.bf16 v9, v6;
	v5 =	vadd.bf16 v5, v7;
	v7 =	vmul.bf16 v8, v6  }
0x65: {  	v8 =	vld [tilespmem:s26+$0x2030];
	v10 =	vadd.bf16 v10, v4  }
0x66: {  	v11 =	vld [tilespmem:s26+$0x2020];
	v9 =	vadd.bf16 v9, v2;
	v6 =	vmul.bf16 v5, v6;
	v7 =	vadd.bf16 v7, v3  }
0x67: {  	v5 =	vld [tilespmem:s26+$0x2010];
	v10 =	vmax.bf16 v10, v0  }
0x68: {  	v12 =	vld [tilespmem:s26+$0x2000];
	v9 =	vmax.bf16 v9, v0;
	v6 =	vadd.bf16 v6, v1;
	v7 =	vmax.bf16 v7, v0;
	[tilespmem:s23+$0x30] =	vst v10  }
0x69: {  	v10 =	vld [tilespmem:s26+$0x30];
	[tilespmem:s23+$0x20] =	vst v7  }
0x6a: {  	v13 =	vld [tilespmem:s26+$0x20];
	[tilespmem:s23+$0x0] =	vst v9;
	v6 =	vmax.bf16 v6, v0  }
0x6b: {  	v9 =	vld [tilespmem:s26+$0x0];
	[tilespmem:s23+$0x10] =	vst v6;
	s23 =	smov.u32 s26  }
.Ltmp5:
0x6c: {  	v6 =	vld [tilespmem:s24+$0x0];
	(pc) =	sbr.rel @p1 .LBB2_3-.Ltmp5, $4  }
0x6d: {  	v7 =	vld [tilespmem:s23+$0x10]  }
0x6e: {  	v10 =	vadd.bf16 v8, v10  }
0x6f: {  	v8 =	vadd.bf16 v11, v13  }
0x70: {  	v9 =	vadd.bf16 v12, v9  }
0x71: {  	v10 =	vmul.bf16 v10, v6  }
0x72: {  	v5 =	vadd.bf16 v5, v7;
	v7 =	vmul.bf16 v8, v6  }
0x73: {  	v8 =	vmul.bf16 v9, v6;
	v9 =	vadd.bf16 v10, v4  }
0x74: {  	v5 =	vmul.bf16 v5, v6;
	v6 =	vadd.bf16 v7, v3  }
0x75: {  	v7 =	vadd.bf16 v8, v2;
	v8 =	vmax.bf16 v9, v0  }
0x76: {  	v5 =	vadd.bf16 v5, v1;
	v6 =	vmax.bf16 v6, v0;
	[tilespmem:s23+$0x30] =	vst v8  }
0x77: {  	v7 =	vmax.bf16 v7, v0;
	[tilespmem:s23+$0x20] =	vst v6  }
0x78: {  	[tilespmem:s23+$0x0] =	vst v7;
	v5 =	vmax.bf16 v5, v0  }
0x79: {  	s31 =	simm.s32 $0x0;
	[tilespmem:s23+$0x10] =	vst v5  }
0x7a: {  	[hbm4b:s7+s31] =	stream.linear.scatter [tilespmem:s31], [sflag:$0x1], $0x2000, $0x38;
	[tilespmem:$0x5440] =	vst v63  }
0x7b: {  	_ =	swait.ge [sflag:s19], $0x2000  }
0x7c: {  	[sflag:s19] =	ssyncset.done $0x0  }
0x7d: {  	[sflag:s19] =	ssyncadd.s32 $0xFFFFE000  }
0x7e: {  	[tilespmem:s31], [sflag:$0x1] =	stream.linear.gather [hbm4b:s8+s31], $0x2000, $0x38;
	[tilespmem:$0x5440] =	vst v63  }
0x7f: {  	_ =	swait.ge [sflag:s19], $0x2000  }
0x80: {  	[sflag:s19] =	ssyncset.done $0x0  }
0x81: {  	[sflag:s19] =	ssyncadd.s32 $0xFFFFE000  }
0x82: {  	[tilespmem:s21], [sflag:$0x1] =	stream.linear.gather [hbm4b:s9+s31], $0x2000, $0x38;
	[tilespmem:$0x5440] =	vst v63  }
0x83: {  	_ =	swait.ge [sflag:s19], $0x2000  }
0x84: {  	[sflag:s19] =	ssyncset.done $0x0  }
0x85: {  	s23 =	simm.s32 $0x0;
	[sflag:s19] =	ssyncadd.s32 $0xFFFFE000  }
0x86: {  	v7 =	vld [tilespmem:s23+$0x2030]  }
0x87: {  	v8 =	vld [tilespmem:s23+$0x2020]  }
0x88: {  	v9 =	vld [tilespmem:s23+$0x2000]  }
0x89: {  	v10 =	vld [tilespmem:s23+$0x30]  }
0x8a: {  	v11 =	vld [tilespmem:s23+$0x20]  }
0x8b: {  	v12 =	vld [tilespmem:s23+$0x0]  }
0x8c: {  	s24 =	simm.s32 $0x4800;
	v5 =	vld [tilespmem:s23+$0x2010]  }
0x8d: {  	v6 =	vld [tilespmem:s24+$0x0]  }
0x8e: {  	v10 =	vadd.bf16 v7, v10;
	v7 =	vld [tilespmem:s23+$0x10];
	_ =	sdelay $0x1  }
0x8f: {  	s25 =	simm.s32 $0x100;
	v8 =	vadd.bf16 v8, v11;
	v9 =	vadd.bf16 v9, v12  }
.LBB2_5:
0x90: {  	p1 =	sne.s32 s25, $0x7F00  }
0x91: {  	v10 =	vmul.bf16 v10, v6;
	s24 =	sadd.s32 $0x10, s24;
	s26 =	smov.u32 s25;
	s25 =	sadd.s32 $0x100, s25  }
0x92: {  	s26 =	sshra.s32 s26, $0x2;
	v9 =	vmul.bf16 v9, v6;
	v5 =	vadd.bf16 v5, v7;
	v7 =	vmul.bf16 v8, v6  }
0x93: {  	v8 =	vld [tilespmem:s26+$0x2030];
	v10 =	vadd.bf16 v10, v4  }
0x94: {  	v11 =	vld [tilespmem:s26+$0x2020];
	v9 =	vadd.bf16 v9, v2;
	v6 =	vmul.bf16 v5, v6;
	v7 =	vadd.bf16 v7, v3  }
0x95: {  	v5 =	vld [tilespmem:s26+$0x2010];
	v10 =	vmax.bf16 v10, v0  }
0x96: {  	v12 =	vld [tilespmem:s26+$0x2000];
	v9 =	vmax.bf16 v9, v0;
	v6 =	vadd.bf16 v6, v1;
	v7 =	vmax.bf16 v7, v0;
	[tilespmem:s23+$0x30] =	vst v10  }
0x97: {  	v10 =	vld [tilespmem:s26+$0x30];
	[tilespmem:s23+$0x20] =	vst v7  }
0x98: {  	v13 =	vld [tilespmem:s26+$0x20];
	[tilespmem:s23+$0x0] =	vst v9;
	v6 =	vmax.bf16 v6, v0  }
0x99: {  	v9 =	vld [tilespmem:s26+$0x0];
	[tilespmem:s23+$0x10] =	vst v6;
	s23 =	smov.u32 s26  }
.Ltmp6:
0x9a: {  	v6 =	vld [tilespmem:s24+$0x0];
	(pc) =	sbr.rel @p1 .LBB2_5-.Ltmp6, $4  }
0x9b: {  	v7 =	vld [tilespmem:s23+$0x10]  }
0x9c: {  	v10 =	vadd.bf16 v8, v10  }
0x9d: {  	v8 =	vadd.bf16 v11, v13  }
0x9e: {  	v9 =	vadd.bf16 v12, v9  }
0x9f: {  	v10 =	vmul.bf16 v10, v6  }
0xa0: {  	v5 =	vadd.bf16 v5, v7;
	v7 =	vmul.bf16 v8, v6  }
0xa1: {  	v8 =	vmul.bf16 v9, v6;
	v9 =	vadd.bf16 v10, v4  }
0xa2: {  	v5 =	vmul.bf16 v5, v6;
	v6 =	vadd.bf16 v7, v3  }
0xa3: {  	v7 =	vadd.bf16 v8, v2;
	v8 =	vmax.bf16 v9, v0  }
0xa4: {  	v5 =	vadd.bf16 v5, v1;
	v6 =	vmax.bf16 v6, v0;
	[tilespmem:s23+$0x30] =	vst v8  }
0xa5: {  	v7 =	vmax.bf16 v7, v0;
	[tilespmem:s23+$0x20] =	vst v6  }
0xa6: {  	[tilespmem:s23+$0x0] =	vst v7;
	v5 =	vmax.bf16 v5, v0  }
0xa7: {  	s31 =	simm.s32 $0x0;
	[tilespmem:s23+$0x10] =	vst v5  }
0xa8: {  	[hbm4b:s10+s31] =	stream.linear.scatter [tilespmem:s31], [sflag:$0x1], $0x2000, $0x38;
	[tilespmem:$0x5440] =	vst v63  }
0xa9: {  	_ =	swait.ge [sflag:s19], $0x2000  }
0xaa: {  	[sflag:s19] =	ssyncset.done $0x0  }
0xab: {  	[sflag:s19] =	ssyncadd.s32 $0xFFFFE000  }
0xac: {  	[tilespmem:s31], [sflag:$0x1] =	stream.linear.gather [hbm4b:s11+s31], $0x1000, $0x38;
	[tilespmem:$0x5440] =	vst v63  }
0xad: {  	_ =	swait.ge [sflag:s19], $0x1000  }
0xae: {  	[sflag:s19] =	ssyncset.done $0x0  }
0xaf: {  	[sflag:s19] =	ssyncadd.s32 $0xFFFFF000  }
0xb0: {  	[tilespmem:s21], [sflag:$0x1] =	stream.linear.gather [hbm4b:s12+s31], $0x1000, $0x38;
	[tilespmem:$0x5440] =	vst v63  }
0xb1: {  	_ =	swait.ge [sflag:s19], $0x1000  }
0xb2: {  	[sflag:s19] =	ssyncset.done $0x0  }
0xb3: {  	s23 =	simm.s32 $0x0;
	[sflag:s19] =	ssyncadd.s32 $0xFFFFF000  }
0xb4: {  	v7 =	vld [tilespmem:s23+$0x2030]  }
0xb5: {  	v8 =	vld [tilespmem:s23+$0x2020]  }
0xb6: {  	v9 =	vld [tilespmem:s23+$0x2000]  }
0xb7: {  	v10 =	vld [tilespmem:s23+$0x30]  }
0xb8: {  	v11 =	vld [tilespmem:s23+$0x20]  }
0xb9: {  	v12 =	vld [tilespmem:s23+$0x0]  }
0xba: {  	s24 =	simm.s32 $0x5000;
	v5 =	vld [tilespmem:s23+$0x2010]  }
0xbb: {  	v6 =	vld [tilespmem:s24+$0x0]  }
0xbc: {  	v10 =	vadd.bf16 v7, v10;
	v7 =	vld [tilespmem:s23+$0x10];
	_ =	sdelay $0x1  }
0xbd: {  	s25 =	simm.s32 $0x100;
	v8 =	vadd.bf16 v8, v11;
	v9 =	vadd.bf16 v9, v12  }
.LBB2_7:
0xbe: {  	p1 =	sne.s32 s25, $0x3F00  }
0xbf: {  	v10 =	vmul.bf16 v10, v6;
	s24 =	sadd.s32 $0x10, s24;
	s26 =	smov.u32 s25;
	s25 =	sadd.s32 $0x100, s25  }
0xc0: {  	s26 =	sshra.s32 s26, $0x2;
	v9 =	vmul.bf16 v9, v6;
	v5 =	vadd.bf16 v5, v7;
	v7 =	vmul.bf16 v8, v6  }
0xc1: {  	v8 =	vld [tilespmem:s26+$0x2030];
	v10 =	vadd.bf16 v10, v4  }
0xc2: {  	v11 =	vld [tilespmem:s26+$0x2020];
	v9 =	vadd.bf16 v9, v2;
	v6 =	vmul.bf16 v5, v6;
	v7 =	vadd.bf16 v7, v3  }
0xc3: {  	v5 =	vld [tilespmem:s26+$0x2010];
	v10 =	vmax.bf16 v10, v0  }
0xc4: {  	v12 =	vld [tilespmem:s26+$0x2000];
	v9 =	vmax.bf16 v9, v0;
	v6 =	vadd.bf16 v6, v1;
	v7 =	vmax.bf16 v7, v0;
	[tilespmem:s23+$0x30] =	vst v10  }
0xc5: {  	v10 =	vld [tilespmem:s26+$0x30];
	[tilespmem:s23+$0x20] =	vst v7  }
0xc6: {  	v13 =	vld [tilespmem:s26+$0x20];
	[tilespmem:s23+$0x0] =	vst v9;
	v6 =	vmax.bf16 v6, v0  }
0xc7: {  	v9 =	vld [tilespmem:s26+$0x0];
	[tilespmem:s23+$0x10] =	vst v6;
	s23 =	smov.u32 s26  }
.Ltmp7:
0xc8: {  	v6 =	vld [tilespmem:s24+$0x0];
	(pc) =	sbr.rel @p1 .LBB2_7-.Ltmp7, $4  }
0xc9: {  	v7 =	vld [tilespmem:s23+$0x10]  }
0xca: {  	v10 =	vadd.bf16 v8, v10  }
0xcb: {  	v8 =	vadd.bf16 v11, v13  }
0xcc: {  	v9 =	vadd.bf16 v12, v9  }
0xcd: {  	v10 =	vmul.bf16 v10, v6  }
0xce: {  	v62 =	vmul.bf16 v8, v6;
	v5 =	vadd.bf16 v5, v7  }
0xcf: {  	v63 =	vmul.bf16 v9, v6;
	v4 =	vadd.bf16 v10, v4  }
0xd0: {  	v3 =	vadd.bf16 v62, v3;
	v5 =	vmul.bf16 v5, v6  }
0xd1: {  	v2 =	vadd.bf16 v63, v2;
	v4 =	vmax.bf16 v4, v0  }
0xd2: {  	v3 =	vmax.bf16 v3, v0;
	v1 =	vadd.bf16 v5, v1;
	[tilespmem:s23+$0x30] =	vst v4  }
0xd3: {  	v2 =	vmax.bf16 v2, v0;
	[tilespmem:s23+$0x20] =	vst v3  }
0xd4: {  	[tilespmem:s23+$0x0] =	vst v2;
	v1 =	vmax.bf16 v1, v0  }
.Ltmp8:
0xd5: {  	[tilespmem:s23+$0x10] =	vst v1;
	(pc) =	sbr.rel .LBB2_12-.Ltmp8, $4  }
0xd6: {  	[hbm4b:s13+s2] =	stream.linear.scatter [tilespmem:s2], [sflag:$0x1], $0x1000, $0x38;
	[tilespmem:$0x5440] =	vst v63  }
0xd7: {  	_ =	swait.ge [sflag:s19], $0x1000  }
0xd8: {  	[sflag:s19] =	ssyncset.done $0x0  }
0xd9: {  	[sflag:s19] =	ssyncadd.s32 $0xFFFFF000  }
.LBB2_13:
0xda: {  	_ =	sfence.sel $0x180000  }
0xdb: {  	[bflag:$0x0] =	sbarrier.arrive $0xFFFF  }
0xdc: {  	p0 =	sne.s32 s0, $0x0;
	_ =	strace $0x9000004D  }
0xdd: {  	s0 =	sadd.s32 @!p0 $0x100000, s1;
	[bflag:$0x2] =	sbarrier.arrive $0xFFFF  }
0xde: {  	[sflag:s0] =	ssyncadd.tile.s32 @!p0 $0x1;
	_ =	shalt  }
.Lfunc_end2:
_tile_overlayer_lowered:
.L_overlay_start_2:
0xdf: {  	(tag) =	ssettag $0x2  }
0xe0: {  	s0 =	rddreg [dreg:$0x0];
	s2 =	stileid.u32  }
0xe1: {  	s1 =	rddreg [dreg:$0x1];
	p0 =	sne.s32 s2, $0x0  }
0xe2: {  	s3 =	rddreg [dreg:$0x2];
	[bflag:$0x3] =	sbarrier.arrive $0xFFFF;
	s2 =	simm.s32 @!p0 $0x1C01  }
0xe3: {  	[timem:s3], [sflag:s2] =	dma.local @!p0 [hbm:s0], s1  }
0xe4: {  	s0 =	simm.s32 @!p0 $0x1  }
0xe5: {  	_ =	swait.ge @!p0 [sflag:s0], s1  }
0xe6: {  	s1 =	ssub.s32 @!p0 $0x0, s1;
	[sflag:s0] =	ssyncset.done @!p0 $0x0  }
0xe7: {  	[sflag:s0] =	ssyncadd.s32 @!p0 s1  }
0xe8: {  	[bflag:$0x3] =	sbarrier.arrive $0xFFFF  }
0xe9: {  	_ =	shalt  }

// kernel: kernel.6.cloned.1.call-start
scs
__scs_entry_jumppad:
0x0: {  	(pc) =	sbr.rel $0x88, $3  }
0x1: {  	(tag) =	ssettag $0x0;
	lr =	simm.s32 $0x1  }
0x2: {  	[smem:$0x3F9D] =	sst lr;
	_ =	strace $0xD0000000  }
0x3: {  	_ = 	snop  }
0x4: {  	_ = 	snop  }
0x5: {  	_ = 	snop  }
0x6: {  	_ = 	snop  }
0x7: {  	_ = 	snop  }
__scs_overlays_trampoline_lowered:
0x8: {  	[smem:$0x3FAC] =	sst s0  }
0x9: {  	[smem:$0x3FAD] =	sst s1  }
0xa: {  	[smem:$0x3FAE] =	sst s2  }
0xb: {  	[smem:$0x3FAF] =	sst s3  }
0xc: {  	[smem:$0x3FB0] =	sst s4  }
0xd: {  	[smem:$0x3FB1] =	sst s5  }
0xe: {  	[smem:$0x3FB2] =	sst s6  }
0xf: {  	[smem:$0x3FB3] =	sst s7  }
0x10: {  	[smem:$0x3FB4] =	sst s8  }
0x11: {  	[smem:$0x3FB5] =	sst s9;
	s0 =	simm.s32 @!p0 $0x0  }
0x12: {  	s1 =	sld [smem:$0x3F9B];
	s0 =	simm.s32 @p0 $0x1  }
0x13: {  	[smem:$0x3FB6] =	sst s0;
	s0 =	simm.s32 @!p1 $0x0  }
0x14: {  	s2 =	sld [smem:$0x3F9A];
	s0 =	simm.s32 @p1 $0x1  }
0x15: {  	[smem:$0x3FB7] =	sst s0;
	s0 =	simm.s32 @!p2 $0x0  }
0x16: {  	s3 =	sld [smem:$0x3FDB];
	s0 =	simm.s32 @p2 $0x1  }
0x17: {  	s4 =	simm.s32 $0x1BF5;
	[smem:$0x3FB9] =	sst s0  }
0x18: {  	s0 =	sld [smem:$0x3F9C];
	_ =	swait.ge [sflag:s4], $0x0  }
0x19: {  	s7 =	sld [smem:$0x3F9D]  }
0x1a: {  	s8 =	sadd.s32 $0xFFFFE003, lr  }
0x1b: {  	s9 =	sadd.s32 $0xFFFFFEF7, lr;
	s5 =	simm.s32 $0xFFFFFFFF;
	p2 =	slt.u32 s8, $0xFFFFF086  }
0x1c: {  	p1 =	slt.u32 s9, $0xF7A;
	s5 =	simm.s32 @!p2 $0x0  }
0x1d: {  	s5 =	simm.s32 @p1 $0x1;
	p0 =	seq.s32 s7, s2  }
0x1e: {  	s7 =	smul.u32 @!p0 $0xF7A, s2;
	p2 =	seq.s32 @!p0 s5, $0x0  }
0x1f: {  	s9 =	smul.u32 $0xF7A, s1;
	s8 =	simm.s32 @!p0 $0x1BF5;
	p2 =	por !p2, p0  }
0x20: {  	[sflag:s8] =	ssyncset.s32 @!p0 $0xFFFFF086;
	s6 =	sadd.s32 @!p0 s3, s7;
	s7 =	simm.s32 @!p0 $0x108  }
0x21: {  	s3 =	sadd.s32 s3, s9;
	s6 =	sadd.s32 @!p0 $0x88, s6;
	s7 =	simm.s32 @p2 $0x1082  }
0x22: {  	[simem:s7], [sflag:s8] =	dma.local @!p0 [hbm:s6], $0xF7A  }
0x23: {  	s9 =	sor.u32 $0xD0000000, s2;
	s6 =	simm.s32 $0x108;
	_ =	swait.ge @!p0 [sflag:s8], $0x0  }
0x24: {  	s3 =	sadd.s32 $0x88, s3;
	s6 =	simm.s32 @!p1 $0x1082;
	[sflag:s4] =	ssyncset.s32 $0xFFFFF086  }
0x25: {  	[simem:s6], [sflag:s4] =	dma.local [hbm:s3], $0xF7A  }
0x26: {  	[smem:$0x3F9D] =	sst s1;
	(tag) =	ssettag s2;
	_ =	strace s9  }
0x27: {  	s1 =	sld [smem:$0x3FAD]  }
0x28: {  	s2 =	sld [smem:$0x3FAE]  }
0x29: {  	s4 =	sld [smem:$0x3FB0]  }
0x2a: {  	p0 =	seq.s32 s5, $0x0;
	s5 =	sld [smem:$0x3FB1]  }
0x2b: {  	s6 =	sld [smem:$0x3FB2]  }
0x2c: {  	s7 =	sld [smem:$0x3FB3]  }
0x2d: {  	s3 =	simm.s32 $0x108;
	s8 =	sld [smem:$0x3FB4]  }
0x2e: {  	s3 =	simm.s32 @!p0 $0x1082;
	s9 =	sld [smem:$0x3FB5]  }
0x2f: {  	lr =	sadd.s32 s0, s3;
	s0 =	sld [smem:$0x3FAC]  }
0x30: {  	s3 =	sld [smem:$0x3FAF]  }
0x31: {  	[smem:$0x3FB8] =	sst s10  }
0x32: {  	s10 =	sld [smem:$0x3FB6];
	_ =	sdelay $0x3  }
0x33: {  	p0 =	seq.s32 s10, $0x1;
	s10 =	sld [smem:$0x3FB8];
	_ =	sdelay $0x3  }
0x34: {  	[smem:$0x3FB8] =	sst s10  }
0x35: {  	s10 =	sld [smem:$0x3FB7];
	_ =	sdelay $0x3  }
0x36: {  	p1 =	seq.s32 s10, $0x1;
	s10 =	sld [smem:$0x3FB8];
	_ =	sdelay $0x3  }
0x37: {  	[smem:$0x3FB8] =	sst s10  }
0x38: {  	s10 =	sld [smem:$0x3FB9]  }
0x39: {  	_ = 	snop;
	(pc) =	sbr.ind lr, $3  }
0x3a: {  	_ = 	snop  }
0x3b: {  	_ = 	snop  }
0x3c: {  	p2 =	seq.s32 s10, $0x1;
	s10 =	sld [smem:$0x3FB8]  }
0x3d: {  	_ =	shalt  }
0x3e: {  	_ =	shalt  }
0x3f: {  	_ =	shalt  }
0x40: {  	_ =	shalt  }
0x41: {  	_ =	shalt  }
0x42: {  	_ =	shalt  }
0x43: {  	_ =	shalt  }
0x44: {  	_ =	shalt  }
0x45: {  	_ =	shalt  }
0x46: {  	_ =	shalt  }
0x47: {  	_ =	shalt  }
0x48: {  	_ =	shalt  }
0x49: {  	_ =	shalt  }
0x4a: {  	_ =	shalt  }
0x4b: {  	_ =	shalt  }
0x4c: {  	_ =	shalt  }
0x4d: {  	_ =	shalt  }
0x4e: {  	_ =	shalt  }
0x4f: {  	_ =	shalt  }
0x50: {  	_ =	shalt  }
0x51: {  	_ =	shalt  }
0x52: {  	_ =	shalt  }
0x53: {  	_ =	shalt  }
0x54: {  	_ =	shalt  }
0x55: {  	_ =	shalt  }
0x56: {  	_ =	shalt  }
0x57: {  	_ =	shalt  }
0x58: {  	_ =	shalt  }
0x59: {  	_ =	shalt  }
0x5a: {  	_ =	shalt  }
0x5b: {  	_ =	shalt  }
0x5c: {  	_ =	shalt  }
0x5d: {  	_ =	shalt  }
0x5e: {  	_ =	shalt  }
0x5f: {  	_ =	shalt  }
0x60: {  	_ =	shalt  }
0x61: {  	_ =	shalt  }
0x62: {  	_ =	shalt  }
0x63: {  	_ =	shalt  }
0x64: {  	_ =	shalt  }
0x65: {  	_ =	shalt  }
0x66: {  	_ =	shalt  }
0x67: {  	_ =	shalt  }
0x68: {  	_ =	shalt  }
0x69: {  	_ =	shalt  }
0x6a: {  	_ =	shalt  }
0x6b: {  	_ =	shalt  }
0x6c: {  	_ =	shalt  }
0x6d: {  	_ =	shalt  }
0x6e: {  	_ =	shalt  }
0x6f: {  	_ =	shalt  }
0x70: {  	_ =	shalt  }
0x71: {  	_ =	shalt  }
0x72: {  	_ =	shalt  }
0x73: {  	_ =	shalt  }
0x74: {  	_ =	shalt  }
0x75: {  	_ =	shalt  }
0x76: {  	_ =	shalt  }
0x77: {  	_ =	shalt  }
0x78: {  	_ =	shalt  }
0x79: {  	_ =	shalt  }
0x7a: {  	_ =	shalt  }
0x7b: {  	_ =	shalt  }
0x7c: {  	_ =	shalt  }
0x7d: {  	_ =	shalt  }
0x7e: {  	_ =	shalt  }
0x7f: {  	_ =	shalt  }
0x80: {  	_ =	shalt  }
0x81: {  	_ =	shalt  }
0x82: {  	_ =	shalt  }
0x83: {  	_ =	shalt  }
0x84: {  	_ =	shalt  }
0x85: {  	_ =	shalt  }
0x86: {  	_ =	shalt  }
0x87: {  	_ =	shalt  }
.Lfunc_end0:
.L_simem_size_0:
called_computation_lowered:
.L_overlay_start_0:
0x88: {  	s2 =	sld [smem:$0x3FD9]  }
0x89: {  	s3 =	sld [smem:$0x3FFE];
	_ =	sdelay $0x1  }
0x8a: {  	s1 =	srdreg.scid  }
0x8b: {  	s0 =	sand.u32 $0x1, s1  }
0x8c: {  	s16 =	sshll.u32 s0, $0xA;
	s2 =	sadd.s32 s3, s2  }
0x8d: {  	s2 =	sadd.s32 s2, s16  }
0x8e: {  	[smem:$0x3FC4] =	sst s2  }
0x8f: {  	_ = 	snop  }
0x90: {  	(tm) =	ssettm $0x1  }
0x91: {  	s17 =	sld [smem:$0x3FFB];
	_ =	sdelay $0x3  }
0x92: {  	_ =	strace s17  }
0x93: {  	s2 =	sld [smem:$0x3FFC];
	_ =	sdelay $0x3  }
0x94: {  	_ =	strace s2  }
0x95: {  	s2 =	sld [smem:$0x3FFD];
	_ =	sdelay $0x3  }
0x96: {  	_ =	strace s2  }
0x97: {  	_ =	strace $0x8FFFFFFF  }
0x98: {  	s18 =	sld [smem:$0x3FDB];
	_ =	sdelay $0x1  }
0x99: {  	s19 =	simm.s32 $_scs_section_size  }
0x9a: {  	s4 =	simm.s32 $_size__tile_overlayer_lowered;
	s5 =	simm.s32 $_tile_overlayer_lowered  }
0x9b: {  	s22 =	simm.s32 $0x1BFF;
	s21 =	sshll.u32 s5, $0x1;
	s2 =	sadd.s32 s19, s18  }
0x9c: {  	s6 =	simm.s32 $0x0;
	s20 =	sshll.u32 s4, $0x1;
	s4 =	sadd.s32 s21, s2  }
0x9d: {  	[timem:s6], [sflag:s22] =	dma.local [hbm:s4], s20  }
0x9e: {  	_ =	swait.ge [sflag:s22], s20  }
0x9f: {  	s3 =	ssub.s32 $0x0, s20;
	[sflag:s22] =	ssyncset.done $0x0  }
0xa0: {  	[sflag:s22] =	ssyncadd.s32 s3;
	_ =	sdelay $0x1  }
0xa1: {  	s23 =	simm.s32 $0x1B8B  }
0xa2: {  	_ =	swait.ge [sflag:s23], $0x1  }
0xa3: {  	[sflag:s23] =	ssyncset.done $0x0  }
0xa4: {  	s25 =	simm.s32 $0x1B8E;
	s24 =	sld [smem:$0x3FFE];
	[sflag:s23] =	ssyncadd.s32 $0xFFFFFFFF  }
0xa5: {  	s26 =	simm.s32 $execute0_lowered;
	[smem:$0x3FD2] =	sst s25  }
0xa6: {  	s4 =	sshll.u32 s26, $0x1;
	_ =	strace $0x80000046;
	[dreg:$0x1] =	wrdreg $0xFFFFFFFF  }
0xa7: {  	s28 =	simm.s32 $_size_execute0_lowered;
	s2 =	sadd.s32 s2, s4;
	[dreg:$0x0] =	wrdreg $0x0  }
0xa8: {  	s4 =	sshll.u32 s28, $0x1;
	[dreg:$0x2] =	wrdreg s2  }
0xa9: {  	[dreg:$0x3] =	wrdreg s4  }
0xaa: {  	[dreg:$0x4] =	wrdreg $0xC0  }
0xab: {  	_ =	task [dreg:s6], $0x5FFFF  }
0xac: {  	[dreg:$0x1] =	wrdreg $0xFFFFFFFF  }
0xad: {  	[dreg:$0x0] =	wrdreg $0x60  }
0xae: {  	[dreg:$0x2] =	wrdreg s24  }
0xaf: {  	[dreg:$0x3] =	wrdreg $0x9  }
0xb0: {  	_ =	task.clear_ibuf [dreg:s6], $0x4FFFF;
	_ =	strace $0x90000046  }
0xb1: {  	s29 =	simm.s32 $0x9;
	_ =	strace $0x80000048  }
0xb2: {  	_ =	swait.ge [sflag:s29], $0x1  }
0xb3: {  	[sflag:s29] =	ssyncadd.s32 $0xFFFFFFFF  }
0xb4: {  	_ =	strace $0x90000048  }
0xb5: {  	_ =	sfence  }
0xb6: {  	s30 =	sld [smem:$0x0];
	_ =	sdelay $0x2  }
0xb7: {  	s31 =	sshll.u32 s1, $0xD;
	s1 =	sshrl.u32 s1, $0x2  }
0xb8: {  	s3 =	sand.u32 $0x4000, s31;
	s1 =	sadd.s32 s1, s30  }
0xb9: {  	s0 =	sor.u32 s3, s0;
	s1 =	sshll.u32 s1, $0x11  }
0xba: {  	s0 =	sor.u32 s1, s0  }
0xbb: {  	s0 =	sadd.s32 $0x8F2B, s0  }
0xbc: {  	[sflag:s0] =	ssyncadd.remote.s32 $0x1  }
0xbd: {  	_ =	sfence.sel $0xFFFF  }
0xbe: {  	[dreg:$0x0] =	wrdreg $0xFFFFFFFF;
	(pc) =	sbr.abs _section_cstart, $3  }
0xbf: {  	[dreg:$0x1] =	wrdreg $0xFFFFFFFF  }
0xc0: {  	_ =	task.clear_ibuf [dreg:s6], $0x2FFFF;
	_ =	strace $0x9FFFFFFF  }
0xc1: {  	(tm) =	ssettm $0x7FFFFFFF  }
tec
execute0_lowered:
.L_overlay_start_1:
0x0: {  	(tag) =	ssettag $0x1  }
0x1: {  	s0 =	srdreg.scid  }
0x2: {  	s3 =	sand.u32 $0x1, s0  }
0x3: {  	s0 =	stileid.u32;
	s1 =	sshll.u32 s3, $0x4  }
0x4: {  	s5 =	rddreg [dreg:$0x0];
	s8 =	simm.s32 $0x400;
	s1 =	sor.u32 s0, s1  }
0x5: {  	s9 =	simm.s32 $0x1;
	s10 =	simm.s32 $0x2880;
	s4 =	sshrl.u32 s1, $0x3  }
0x6: {  	s11 =	simm.s32 $0x0;
	s2 =	sshll.u32 s0, $0x7;
	s6 =	smul.u32 $0x14400, s4  }
0x7: {  	s30 =	ssub.s32 $0x2, s3;
	s3 =	sadd.s32 $0x15E00, s5;
	s7 =	sand.u32 $0x380, s2  }
0x8: {  	s2 =	simm.s32 $0x0;
	s4 =	smul.u32 $0x14000, s4;
	s6 =	sor.u32 s7, s6  }
0x9: {  	s31 =	sshrl.u32 s30, $0x1;
	s1 =	rddreg [dreg:$0x1];
	s6 =	sadd.s32 $0x51000, s6  }
0xa: {  	[smem:$0x7FF] =	sst s2;
	s4 =	sor.u32 s7, s4;
	s6 =	sshrl.u32 s6, $0x3  }
0xb: {  	_ =	strace $0x80000047;
	s4 =	sshrl.u32 s4, $0x3;
	s6 =	sadd.s32 s6, s5  }
0xc: {  	s7 =	ssub.s32 s30, s31;
	s5 =	sadd.s32 s4, s5;
	s4 =	sadd.s32 $0x1A00, s6  }
0xd: {  	v0 =	vimm.f32 $1.000000000e+00;
	s5 =	sadd.s32 $0x16400, s5;
	s6 =	smax.u32 s7, $0x1;
	s7 =	simm.s32 $0x80  }
.LBB2_1:
0xe: {  	[tilespmem:s2], [sflag:$0x1] =	stream.strided.gather [hbm4b:s4+s7], $0x2880, s8, s7, $0x38;
	[tilespmem:$0x5080] =	vst v63  }
0xf: {  	_ =	swait.ge [sflag:s9], $0x2880  }
0x10: {  	[sflag:s9] =	ssyncset.done $0x0  }
0x11: {  	[sflag:s9] =	ssyncadd.s32 $0xFFFFD780  }
0x12: {  	[tilespmem:s10], [sflag:$0x1] =	stream.linear.gather [hbm4b:s3+s2], $0x2800, $0x38;
	[tilespmem:$0x5080] =	vst v63  }
0x13: {  	_ =	swait.ge [sflag:s9], $0x2800  }
0x14: {  	[sflag:s9] =	ssyncset.done $0x0  }
0x15: {  	s13 =	simm.s32 $0x0;
	s12 =	simm.s32 $0x40;
	[sflag:s9] =	ssyncadd.s32 $0xFFFFD800  }
.LBB2_2:
0x16: {  	p0 =	sne.s32 s12, $0xA1C0;
	v1 =	vld [tilespmem:s13+$0x0];
	_ =	sdelay $0x3  }
.Ltmp0:
0x17: {  	(pc) =	sbr.rel @p0 .LBB2_2-.Ltmp0, $2  }
0x18: {  	_ =	sdelay $0x2  }
0x19: {  	s13 =	sshra.s32 s12, $0x2;
	s12 =	sadd.s32 $0x40, s12;
	[tilespmem:v1+s10+$0x0] =	vst.idx.add.f32.msk $0xffff, v0  }
0x1a: {  	v1 =	vld [tilespmem:s13+$0x0];
	_ =	sdelay $0x5  }
0x1b: {  	s11 =	sadd.s32 $0x1, s11  }
0x1c: {  	p0 =	sne.s32 s11, s6  }
.Ltmp1:
0x1d: {  	[tilespmem:v1+s10+$0x0] =	vst.idx.add.f32.msk $0xffff, v0;
	(pc) =	sbr.rel @p0 .LBB2_1-.Ltmp1, $4  }
0x1e: {  	[hbm4b:s5+s7] =	stream.strided.scatter [tilespmem:s10], [sflag:$0x1], $0x2800, s8, s7, $0x38;
	[tilespmem:$0x5080] =	vst v63  }
0x1f: {  	_ =	swait.ge [sflag:s9], $0x2800  }
0x20: {  	[sflag:s9] =	ssyncset.done $0x0  }
0x21: {  	[sflag:s9] =	ssyncadd.s32 $0xFFFFD800  }
0x22: {  	_ =	sfence.sel $0x180000  }
0x23: {  	[bflag:$0x0] =	sbarrier.arrive $0xFFFF  }
0x24: {  	p0 =	sne.s32 s0, $0x0;
	_ =	strace $0x90000047  }
0x25: {  	s0 =	sadd.s32 @!p0 $0x100000, s1;
	[bflag:$0x2] =	sbarrier.arrive $0xFFFF  }
0x26: {  	[sflag:s0] =	ssyncadd.tile.s32 @!p0 $0x1;
	_ =	shalt  }
.Lfunc_end2:
_tile_overlayer_lowered:
.L_overlay_start_2:
0x27: {  	(tag) =	ssettag $0x2  }
0x28: {  	s0 =	rddreg [dreg:$0x0];
	s2 =	stileid.u32  }
0x29: {  	s1 =	rddreg [dreg:$0x1];
	p0 =	sne.s32 s2, $0x0  }
0x2a: {  	s3 =	rddreg [dreg:$0x2];
	[bflag:$0x3] =	sbarrier.arrive $0xFFFF;
	s2 =	simm.s32 @!p0 $0x1C01  }
0x2b: {  	[timem:s3], [sflag:s2] =	dma.local @!p0 [hbm:s0], s1  }
0x2c: {  	s0 =	simm.s32 @!p0 $0x1  }
0x2d: {  	_ =	swait.ge @!p0 [sflag:s0], s1  }
0x2e: {  	s1 =	ssub.s32 @!p0 $0x0, s1;
	[sflag:s0] =	ssyncset.done @!p0 $0x0  }
0x2f: {  	[sflag:s0] =	ssyncadd.s32 @!p0 s1  }
0x30: {  	[bflag:$0x3] =	sbarrier.arrive $0xFFFF  }
0x31: {  	_ =	shalt  }

// kernel: kernel.9.cloned.1.call-start
scs
__scs_entry_jumppad:
0x0: {  	(pc) =	sbr.rel $0x88, $3  }
0x1: {  	(tag) =	ssettag $0x0;
	lr =	simm.s32 $0x1  }
0x2: {  	[smem:$0x3F9D] =	sst lr;
	_ =	strace $0xD0000000  }
0x3: {  	_ = 	snop  }
0x4: {  	_ = 	snop  }
0x5: {  	_ = 	snop  }
0x6: {  	_ = 	snop  }
0x7: {  	_ = 	snop  }
__scs_overlays_trampoline_lowered:
0x8: {  	[smem:$0x3FAC] =	sst s0  }
0x9: {  	[smem:$0x3FAD] =	sst s1  }
0xa: {  	[smem:$0x3FAE] =	sst s2  }
0xb: {  	[smem:$0x3FAF] =	sst s3  }
0xc: {  	[smem:$0x3FB0] =	sst s4  }
0xd: {  	[smem:$0x3FB1] =	sst s5  }
0xe: {  	[smem:$0x3FB2] =	sst s6  }
0xf: {  	[smem:$0x3FB3] =	sst s7  }
0x10: {  	[smem:$0x3FB4] =	sst s8  }
0x11: {  	[smem:$0x3FB5] =	sst s9;
	s0 =	simm.s32 @!p0 $0x0  }
0x12: {  	s1 =	sld [smem:$0x3F9B];
	s0 =	simm.s32 @p0 $0x1  }
0x13: {  	[smem:$0x3FB6] =	sst s0;
	s0 =	simm.s32 @!p1 $0x0  }
0x14: {  	s2 =	sld [smem:$0x3F9A];
	s0 =	simm.s32 @p1 $0x1  }
0x15: {  	[smem:$0x3FB7] =	sst s0;
	s0 =	simm.s32 @!p2 $0x0  }
0x16: {  	s3 =	sld [smem:$0x3FDB];
	s0 =	simm.s32 @p2 $0x1  }
0x17: {  	s4 =	simm.s32 $0x1BF5;
	[smem:$0x3FB9] =	sst s0  }
0x18: {  	s0 =	sld [smem:$0x3F9C];
	_ =	swait.ge [sflag:s4], $0x0  }
0x19: {  	s7 =	sld [smem:$0x3F9D]  }
0x1a: {  	s8 =	sadd.s32 $0xFFFFE003, lr  }
0x1b: {  	s9 =	sadd.s32 $0xFFFFFEF7, lr;
	s5 =	simm.s32 $0xFFFFFFFF;
	p2 =	slt.u32 s8, $0xFFFFF086  }
0x1c: {  	p1 =	slt.u32 s9, $0xF7A;
	s5 =	simm.s32 @!p2 $0x0  }
0x1d: {  	s5 =	simm.s32 @p1 $0x1;
	p0 =	seq.s32 s7, s2  }
0x1e: {  	s7 =	smul.u32 @!p0 $0xF7A, s2;
	p2 =	seq.s32 @!p0 s5, $0x0  }
0x1f: {  	s9 =	smul.u32 $0xF7A, s1;
	s8 =	simm.s32 @!p0 $0x1BF5;
	p2 =	por !p2, p0  }
0x20: {  	[sflag:s8] =	ssyncset.s32 @!p0 $0xFFFFF086;
	s6 =	sadd.s32 @!p0 s3, s7;
	s7 =	simm.s32 @!p0 $0x108  }
0x21: {  	s3 =	sadd.s32 s3, s9;
	s6 =	sadd.s32 @!p0 $0x88, s6;
	s7 =	simm.s32 @p2 $0x1082  }
0x22: {  	[simem:s7], [sflag:s8] =	dma.local @!p0 [hbm:s6], $0xF7A  }
0x23: {  	s9 =	sor.u32 $0xD0000000, s2;
	s6 =	simm.s32 $0x108;
	_ =	swait.ge @!p0 [sflag:s8], $0x0  }
0x24: {  	s3 =	sadd.s32 $0x88, s3;
	s6 =	simm.s32 @!p1 $0x1082;
	[sflag:s4] =	ssyncset.s32 $0xFFFFF086  }
0x25: {  	[simem:s6], [sflag:s4] =	dma.local [hbm:s3], $0xF7A  }
0x26: {  	[smem:$0x3F9D] =	sst s1;
	(tag) =	ssettag s2;
	_ =	strace s9  }
0x27: {  	s1 =	sld [smem:$0x3FAD]  }
0x28: {  	s2 =	sld [smem:$0x3FAE]  }
0x29: {  	s4 =	sld [smem:$0x3FB0]  }
0x2a: {  	p0 =	seq.s32 s5, $0x0;
	s5 =	sld [smem:$0x3FB1]  }
0x2b: {  	s6 =	sld [smem:$0x3FB2]  }
0x2c: {  	s7 =	sld [smem:$0x3FB3]  }
0x2d: {  	s3 =	simm.s32 $0x108;
	s8 =	sld [smem:$0x3FB4]  }
0x2e: {  	s3 =	simm.s32 @!p0 $0x1082;
	s9 =	sld [smem:$0x3FB5]  }
0x2f: {  	lr =	sadd.s32 s0, s3;
	s0 =	sld [smem:$0x3FAC]  }
0x30: {  	s3 =	sld [smem:$0x3FAF]  }
0x31: {  	[smem:$0x3FB8] =	sst s10  }
0x32: {  	s10 =	sld [smem:$0x3FB6];
	_ =	sdelay $0x3  }
0x33: {  	p0 =	seq.s32 s10, $0x1;
	s10 =	sld [smem:$0x3FB8];
	_ =	sdelay $0x3  }
0x34: {  	[smem:$0x3FB8] =	sst s10  }
0x35: {  	s10 =	sld [smem:$0x3FB7];
	_ =	sdelay $0x3  }
0x36: {  	p1 =	seq.s32 s10, $0x1;
	s10 =	sld [smem:$0x3FB8];
	_ =	sdelay $0x3  }
0x37: {  	[smem:$0x3FB8] =	sst s10  }
0x38: {  	s10 =	sld [smem:$0x3FB9]  }
0x39: {  	_ = 	snop;
	(pc) =	sbr.ind lr, $3  }
0x3a: {  	_ = 	snop  }
0x3b: {  	_ = 	snop  }
0x3c: {  	p2 =	seq.s32 s10, $0x1;
	s10 =	sld [smem:$0x3FB8]  }
0x3d: {  	_ =	shalt  }
0x3e: {  	_ =	shalt  }
0x3f: {  	_ =	shalt  }
0x40: {  	_ =	shalt  }
0x41: {  	_ =	shalt  }
0x42: {  	_ =	shalt  }
0x43: {  	_ =	shalt  }
0x44: {  	_ =	shalt  }
0x45: {  	_ =	shalt  }
0x46: {  	_ =	shalt  }
0x47: {  	_ =	shalt  }
0x48: {  	_ =	shalt  }
0x49: {  	_ =	shalt  }
0x4a: {  	_ =	shalt  }
0x4b: {  	_ =	shalt  }
0x4c: {  	_ =	shalt  }
0x4d: {  	_ =	shalt  }
0x4e: {  	_ =	shalt  }
0x4f: {  	_ =	shalt  }
0x50: {  	_ =	shalt  }
0x51: {  	_ =	shalt  }
0x52: {  	_ =	shalt  }
0x53: {  	_ =	shalt  }
0x54: {  	_ =	shalt  }
0x55: {  	_ =	shalt  }
0x56: {  	_ =	shalt  }
0x57: {  	_ =	shalt  }
0x58: {  	_ =	shalt  }
0x59: {  	_ =	shalt  }
0x5a: {  	_ =	shalt  }
0x5b: {  	_ =	shalt  }
0x5c: {  	_ =	shalt  }
0x5d: {  	_ =	shalt  }
0x5e: {  	_ =	shalt  }
0x5f: {  	_ =	shalt  }
0x60: {  	_ =	shalt  }
0x61: {  	_ =	shalt  }
0x62: {  	_ =	shalt  }
0x63: {  	_ =	shalt  }
0x64: {  	_ =	shalt  }
0x65: {  	_ =	shalt  }
0x66: {  	_ =	shalt  }
0x67: {  	_ =	shalt  }
0x68: {  	_ =	shalt  }
0x69: {  	_ =	shalt  }
0x6a: {  	_ =	shalt  }
0x6b: {  	_ =	shalt  }
0x6c: {  	_ =	shalt  }
0x6d: {  	_ =	shalt  }
0x6e: {  	_ =	shalt  }
0x6f: {  	_ =	shalt  }
0x70: {  	_ =	shalt  }
0x71: {  	_ =	shalt  }
0x72: {  	_ =	shalt  }
0x73: {  	_ =	shalt  }
0x74: {  	_ =	shalt  }
0x75: {  	_ =	shalt  }
0x76: {  	_ =	shalt  }
0x77: {  	_ =	shalt  }
0x78: {  	_ =	shalt  }
0x79: {  	_ =	shalt  }
0x7a: {  	_ =	shalt  }
0x7b: {  	_ =	shalt  }
0x7c: {  	_ =	shalt  }
0x7d: {  	_ =	shalt  }
0x7e: {  	_ =	shalt  }
0x7f: {  	_ =	shalt  }
0x80: {  	_ =	shalt  }
0x81: {  	_ =	shalt  }
0x82: {  	_ =	shalt  }
0x83: {  	_ =	shalt  }
0x84: {  	_ =	shalt  }
0x85: {  	_ =	shalt  }
0x86: {  	_ =	shalt  }
0x87: {  	_ =	shalt  }
.Lfunc_end0:
.L_simem_size_0:
called_computation.1_lowered:
.L_overlay_start_0:
0x88: {  	s2 =	sld [smem:$0x3FD9]  }
0x89: {  	s3 =	sld [smem:$0x3FFE];
	_ =	sdelay $0x1  }
0x8a: {  	s1 =	srdreg.scid  }
0x8b: {  	s0 =	sand.u32 $0x1, s1  }
0x8c: {  	s17 =	sshll.u32 s0, $0xA;
	s2 =	sadd.s32 s3, s2  }
0x8d: {  	s2 =	sadd.s32 s2, s17  }
0x8e: {  	[smem:$0x3FC4] =	sst s2  }
0x8f: {  	_ = 	snop  }
0x90: {  	s2 =	sld [smem:$0x3FD0];
	(tm) =	ssettm $0x1  }
0x91: {  	s18 =	sld [smem:$0x3FFB];
	_ =	sdelay $0x3  }
0x92: {  	_ =	strace s18  }
0x93: {  	s3 =	sld [smem:$0x3FFC];
	_ =	sdelay $0x3  }
0x94: {  	_ =	strace s3  }
0x95: {  	s3 =	sld [smem:$0x3FFD];
	_ =	sdelay $0x3  }
0x96: {  	_ =	strace s3  }
0x97: {  	_ =	strace $0x8FFFFFFF  }
0x98: {  	s19 =	sld [smem:$0x3FDB];
	_ =	sdelay $0x1  }
0x99: {  	s4 =	simm.s32 $_scs_section_size  }
0x9a: {  	s5 =	simm.s32 $_size__tile_overlayer_lowered;
	s6 =	simm.s32 $_tile_overlayer_lowered  }
0x9b: {  	s22 =	simm.s32 $0x1BFF;
	s21 =	sshll.u32 s6, $0x1;
	s3 =	sadd.s32 s4, s19  }
0x9c: {  	s7 =	simm.s32 $0x0;
	s20 =	sshll.u32 s5, $0x1;
	s5 =	sadd.s32 s21, s3  }
0x9d: {  	[timem:s7], [sflag:s22] =	dma.local [hbm:s5], s20  }
0x9e: {  	_ =	swait.ge [sflag:s22], s20  }
0x9f: {  	s4 =	ssub.s32 $0x0, s20;
	[sflag:s22] =	ssyncset.done $0x0  }
0xa0: {  	[sflag:s22] =	ssyncadd.s32 s4;
	_ =	sdelay $0x1  }
0xa1: {  	s23 =	simm.s32 $0x1B8B  }
0xa2: {  	_ =	swait.ge [sflag:s23], $0x1  }
0xa3: {  	[sflag:s23] =	ssyncset.done $0x0  }
0xa4: {  	s25 =	simm.s32 $0x1B8E;
	s24 =	sld [smem:$0x3FFE];
	[sflag:s23] =	ssyncadd.s32 $0xFFFFFFFF  }
0xa5: {  	s26 =	simm.s32 $execute0_lowered;
	[smem:$0x3FD2] =	sst s25  }
0xa6: {  	s5 =	sshll.u32 s26, $0x1;
	_ =	strace $0x80000049;
	[dreg:$0x1] =	wrdreg $0xFFFFFFFF  }
0xa7: {  	s28 =	simm.s32 $_size_execute0_lowered;
	s3 =	sadd.s32 s3, s5;
	[dreg:$0x0] =	wrdreg $0x0  }
0xa8: {  	s5 =	sshll.u32 s28, $0x1;
	[dreg:$0x2] =	wrdreg s3  }
0xa9: {  	[dreg:$0x3] =	wrdreg s5  }
0xaa: {  	[dreg:$0x4] =	wrdreg $0xC0  }
0xab: {  	_ =	task [dreg:s7], $0x5FFFF  }
0xac: {  	[dreg:$0x1] =	wrdreg $0xFFFFFFFF  }
0xad: {  	[dreg:$0x0] =	wrdreg $0x60  }
0xae: {  	[dreg:$0x2] =	wrdreg s2  }
0xaf: {  	[dreg:$0x3] =	wrdreg s24  }
0xb0: {  	[dreg:$0x4] =	wrdreg $0xF1000  }
0xb1: {  	[dreg:$0x5] =	wrdreg $0x51000  }
0xb2: {  	[dreg:$0x6] =	wrdreg $0x9  }
0xb3: {  	_ =	task.clear_ibuf [dreg:s7], $0x7FFFF;
	_ =	strace $0x90000049  }
0xb4: {  	s29 =	simm.s32 $0x9;
	_ =	strace $0x8000004B  }
0xb5: {  	_ =	swait.ge [sflag:s29], $0x1  }
0xb6: {  	[sflag:s29] =	ssyncadd.s32 $0xFFFFFFFF  }
0xb7: {  	_ =	strace $0x9000004B  }
0xb8: {  	_ =	sfence  }
0xb9: {  	s30 =	sld [smem:$0x0];
	_ =	sdelay $0x2  }
0xba: {  	s31 =	sshll.u32 s1, $0xD;
	s1 =	sshrl.u32 s1, $0x2  }
0xbb: {  	s3 =	sand.u32 $0x4000, s31;
	s1 =	sadd.s32 s1, s30  }
0xbc: {  	s0 =	sor.u32 s3, s0;
	s1 =	sshll.u32 s1, $0x11  }
0xbd: {  	s0 =	sor.u32 s1, s0  }
0xbe: {  	s0 =	sadd.s32 $0x8F2B, s0  }
0xbf: {  	[sflag:s0] =	ssyncadd.remote.s32 $0x1  }
0xc0: {  	_ =	sfence.sel $0xFFFF  }
0xc1: {  	[dreg:$0x0] =	wrdreg $0xFFFFFFFF;
	(pc) =	sbr.abs _section_cstart, $3  }
0xc2: {  	[dreg:$0x1] =	wrdreg $0xFFFFFFFF  }
0xc3: {  	_ =	task.clear_ibuf [dreg:s7], $0x2FFFF;
	_ =	strace $0x9FFFFFFF  }
0xc4: {  	(tm) =	ssettm $0x7FFFFFFF  }
0xc5: {  	_ =	shalt  }
tec
execute0_lowered:
.L_overlay_start_1:
0x0: {  	(tag) =	ssettag $0x1  }
0x1: {  	s0 =	rddreg [dreg:$0x0]  }
0x2: {  	s2 =	rddreg [dreg:$0x1]  }
0x3: {  	s1 =	rddreg [dreg:$0x2]  }
0x4: {  	s3 =	rddreg [dreg:$0x3]  }
0x5: {  	s4 =	simm.s32 $0x0;
	s18 =	stileid.u32;
	s5 =	srdreg.scid  }
0x6: {  	s28 =	simm.s32 $0x2;
	s29 =	simm.s32 $0x3;
	s30 =	simm.s32 $0x4  }
0x7: {  	s31 =	simm.s32 $0x5;
	[smem:$0x7FF] =	sst s4;
	s7 =	smul.u32 $0x14000, s18  }
0x8: {  	s16 =	sand.u32 $0x1, s5;
	s22 =	sadd.s32 $0x20400, s2;
	s12 =	smul.u32 $0x28000, s18  }
0x9: {  	s26 =	sshll.u32 s18, $0x6;
	_ =	strace $0x8000004A;
	s6 =	smul.u32 $0x140000, s16  }
0xa: {  	s8 =	sshll.u32 s16, $0x4;
	[dreg:$0x5] =	wrdreg s22;
	s10 =	ssub.s32 $0x2, s16  }
0xb: {  	p0 =	sne.s32 s16, $0x0;
	s16 =	simm.s32 $0x7;
	s22 =	simm.s32 $0x19100  }
0xc: {  	s21 =	sshrl.u32 s7, $0x4;
	s8 =	sor.u32 s18, s8;
	s11 =	sshrl.u32 s10, $0x1  }
0xd: {  	s24 =	sshrl.u32 s7, $0x1;
	s25 =	sshrl.u32 s12, $0x2;
	s18 =	sor.u32 $0x1C07, s26  }
0xe: {  	s26 =	simm.s32 $0x1;
	s9 =	sadd.s32 s21, s2;
	s6 =	sadd.s32 s7, s6  }
0xf: {  	s8 =	smul.u32 $0x2880, s8;
	s15 =	ssub.s32 s10, s11;
	s17 =	sadd.s32 s24, s1  }
0x10: {  	s13 =	sadd.s32 s25, s3;
	s21 =	simm.s32 $0x80;
	s25 =	simm.s32 $0x1D100  }
0x11: {  	s6 =	sshrl.u32 s6, $0x4;
	s10 =	sadd.s32 $0x2000, s13;
	s11 =	sadd.s32 $0x4000, s13  }
0x12: {  	s12 =	sadd.s32 $0x6000, s13;
	s13 =	sadd.s32 $0x8000, s13;
	s15 =	smax.u32 s15, $0x1  }
0x13: {  	s19 =	sshrl.u32 s17, $0x3;
	s2 =	sadd.s32 s6, s2;
	s23 =	sshrl.u32 s8, $0x3  }
0x14: {  	s8 =	sadd.s32 $0x1A00, s9;
	s9 =	sadd.s32 s24, s3;
	s6 =	sadd.s32 s0, s23  }
0x15: {  	s14 =	sadd.s32 $0x20800, s2;
	s20 =	sshrl.u32 @!p0 s9, $0x3;
	s23 =	simm.s32 $0x1B100  }
0x16: {  	s0 =	simm.s32 $0x6;
	s2 =	simm.s32 $0x0;
	s7 =	sadd.s32 $0xA200, s6  }
.LBB2_1:
0x17: {  	[tilespmem:s4], [sflag:$0x7] =	stream.linear.gather [hbm4b:s6+s4], $0x2880, $0x38;
	[tilespmem:$0x1F100] =	vst v63  }
0x18: {  	_ =	swait.ge [sflag:s16], $0x2880  }
0x19: {  	[sflag:s16] =	ssyncset.done $0x0  }
0x1a: {  	s5 =	simm.s32 $0x2880;
	[sflag:s16] =	ssyncadd.s32 $0xFFFFD780  }
0x1b: {  	[tilespmem:s5], [sflag:$0x7] =	stream.linear.gather [hbm4b:s7+s4], $0x2880, $0x38;
	[tilespmem:$0x1F100] =	vst v63  }
0x1c: {  	_ =	swait.ge [sflag:s16], $0x2880  }
0x1d: {  	[sflag:s16] =	ssyncset.done $0x0  }
0x1e: {  	[sflag:s16] =	ssyncadd.s32 $0xFFFFD780  }
0x1f: {  	[spmem:s19], [sflag:s18] =	dma.local [hbm:s8], $0x1400  }
0x20: {  	_ =	swait.ge [sflag:s16], $0x1400  }
0x21: {  	s17 =	simm.s32 @p0 $0x0;
	[sflag:s16] =	ssyncset.done $0x0  }
0x22: {  	s24 =	simm.s32 @p0 $0x19100;
	s5 =	rddreg [dreg:$0x5];
	[sflag:s16] =	ssyncadd.s32 $0xFFFFEC00  }
0x23: {  	[tilespmem:s24], [sflag:$0x7] =	stream.linear.gather @p0 [hbm4b:s5+s17], $0x2000, $0x38;
	[tilespmem:$0x1F100] =	vst v63  }
0x24: {  	s17 =	simm.s32 @p0 $0x7  }
0x25: {  	_ =	swait.ge @p0 [sflag:s17], $0x2000  }
0x26: {  	[sflag:s17] =	ssyncset.done @p0 $0x0  }
0x27: {  	[sflag:s17] =	ssyncadd.s32 @p0 $0xFFFFE000  }
0x28: {  	[spmem:s9] =	stream.linear.scatter @p0 [tilespmem:s24], [sflag:$0x7], $0x2000, $0x38;
	[tilespmem:$0x1F100] =	vst v63  }
0x29: {  	_ =	swait.ge @p0 [sflag:s17], $0x2000  }
0x2a: {  	[sflag:s17] =	ssyncset.done @p0 $0x0  }
0x2b: {  	[sflag:s17] =	ssyncadd.s32 @p0 $0xFFFFE000  }
0x2c: {  	[spmem:s10] =	stream.linear.scatter @p0 [tilespmem:s24], [sflag:$0x7], $0x2000, $0x38;
	[tilespmem:$0x1F100] =	vst v63  }
0x2d: {  	_ =	swait.ge @p0 [sflag:s17], $0x2000  }
0x2e: {  	[sflag:s17] =	ssyncset.done @p0 $0x0  }
0x2f: {  	[sflag:s17] =	ssyncadd.s32 @p0 $0xFFFFE000  }
0x30: {  	[spmem:s11] =	stream.linear.scatter @p0 [tilespmem:s24], [sflag:$0x7], $0x2000, $0x38;
	[tilespmem:$0x1F100] =	vst v63  }
0x31: {  	_ =	swait.ge @p0 [sflag:s17], $0x2000  }
0x32: {  	[sflag:s17] =	ssyncset.done @p0 $0x0  }
0x33: {  	[sflag:s17] =	ssyncadd.s32 @p0 $0xFFFFE000  }
0x34: {  	[spmem:s12] =	stream.linear.scatter @p0 [tilespmem:s24], [sflag:$0x7], $0x2000, $0x38;
	[tilespmem:$0x1F100] =	vst v63  }
0x35: {  	_ =	swait.ge @p0 [sflag:s17], $0x2000  }
0x36: {  	[sflag:s17] =	ssyncset.done @p0 $0x0  }
0x37: {  	[sflag:s17] =	ssyncadd.s32 @p0 $0xFFFFE000  }
0x38: {  	[spmem:s13] =	stream.linear.scatter @p0 [tilespmem:s24], [sflag:$0x7], $0x2000, $0x38;
	[tilespmem:$0x1F100] =	vst v63  }
0x39: {  	_ =	swait.ge @p0 [sflag:s17], $0x2000  }
0x3a: {  	[sflag:s17] =	ssyncset.done @p0 $0x0  }
0x3b: {  	[sflag:s17] =	ssyncadd.s32 @p0 $0xFFFFE000;
	s17 =	simm.s32 @!p0 $0x7  }
0x3c: {  	[spmem:s20], [sflag:s18] =	dma.local @!p0 [hbm:s8], $0x1400  }
0x3d: {  	_ =	swait.ge @!p0 [sflag:s17], $0x1400  }
0x3e: {  	[sflag:s17] =	ssyncset.done @!p0 $0x0  }
0x3f: {  	[sflag:s17] =	ssyncadd.s32 @!p0 $0xFFFFEC00  }
0x40: {  	[bflag:$0x0] =	sbarrier.arrive $0xFFFF  }
0x41: {  	[tilespmem:s22], [sflag:$0x1] =	stream.indirect.gather [spmem:s1], $0x40, s4, s21, $0xb8;
	[tilespmem:$0x1F100] =	vst v63  }
0x42: {  	_ = 	snop  }
0x43: {  	[tilespmem:s23], [sflag:$0x2] =	stream.indirect.gather [spmem:s1], $0x40, s21, s21, $0xb8;
	[tilespmem:$0x1F100] =	vst v63  }
0x44: {  	s17 =	simm.s32 $0x100  }
0x45: {  	[tilespmem:s25], [sflag:$0x3] =	stream.indirect.gather [spmem:s1], $0x40, s17, s21, $0xb8;
	[tilespmem:$0x1F100] =	vst v63  }
0x46: {  	_ =	swait.ge [sflag:s26], $0x2000  }
0x47: {  	[sflag:s26] =	ssyncset.done $0x0  }
0x48: {  	s24 =	simm.s32 $0x2880;
	[sflag:s26] =	ssyncadd.s32 $0xFFFFE000  }
0x49: {  	[spmem:s3] =	stream.indirect.scatter.add.bf16 [tilespmem:s22], [sflag:$0x4], $0x40, s24, s21, $0xb8;
	[tilespmem:$0x1F100] =	vst v63  }
0x4a: {  	_ =	swait.ge [sflag:s28], $0x2000  }
0x4b: {  	[sflag:s28] =	ssyncset.done $0x0  }
0x4c: {  	s5 =	simm.s32 $0x2900;
	[sflag:s28] =	ssyncadd.s32 $0xFFFFE000  }
0x4d: {  	[spmem:s3] =	stream.indirect.scatter.add.bf16 [tilespmem:s23], [sflag:$0x5], $0x40, s5, s21, $0xb8;
	[tilespmem:$0x1F100] =	vst v63  }
0x4e: {  	_ =	swait.ge [sflag:s29], $0x2000  }
0x4f: {  	[sflag:s29] =	ssyncset.done $0x0  }
0x50: {  	s24 =	simm.s32 $0x2980;
	[sflag:s29] =	ssyncadd.s32 $0xFFFFE000  }
0x51: {  	[spmem:s3] =	stream.indirect.scatter.add.bf16 [tilespmem:s25], [sflag:$0x6], $0x40, s24, s21, $0xb8;
	[tilespmem:$0x1F100] =	vst v63  }
0x52: {  	_ =	swait.ge [sflag:s30], $0x2000  }
0x53: {  	[sflag:s30] =	ssyncset.done $0x0  }
0x54: {  	s5 =	simm.s32 $0x180;
	[sflag:s30] =	ssyncadd.s32 $0xFFFFE000  }
0x55: {  	[tilespmem:s22], [sflag:$0x1] =	stream.indirect.gather [spmem:s1], $0x40, s5, s21, $0xb8;
	[tilespmem:$0x1F100] =	vst v63  }
0x56: {  	_ =	swait.ge [sflag:s31], $0x2000  }
0x57: {  	[sflag:s31] =	ssyncset.done $0x0  }
0x58: {  	s24 =	simm.s32 $0x200;
	[sflag:s31] =	ssyncadd.s32 $0xFFFFE000  }
0x59: {  	[tilespmem:s23], [sflag:$0x2] =	stream.indirect.gather [spmem:s1], $0x40, s24, s21, $0xb8;
	[tilespmem:$0x1F100] =	vst v63  }
0x5a: {  	_ =	swait.ge [sflag:s0], $0x2000  }
0x5b: {  	[sflag:s0] =	ssyncset.done $0x0  }
0x5c: {  	s17 =	simm.s32 $0x600;
	s24 =	simm.s32 $0x280;
	[sflag:s0] =	ssyncadd.s32 $0xFFFFE000  }
.LBB2_2:
0x5d: {  	[tilespmem:s25], [sflag:$0x3] =	stream.indirect.gather [spmem:s1], $0x40, s24, s21, $0xb8;
	[tilespmem:$0x1F100] =	vst v63  }
0x5e: {  	s24 =	smov.u32 s17  }
0x5f: {  	p1 =	sne.s32 s17, $0x9600;
	s17 =	sadd.s32 $0x600, s17;
	_ =	swait.ge [sflag:s26], $0x2000  }
0x60: {  	s24 =	sshra.s32 s24, $0x2;
	[sflag:s26] =	ssyncset.done $0x0  }
0x61: {  	s5 =	sadd.s32 $0x2880, s24;
	[sflag:s26] =	ssyncadd.s32 $0xFFFFE000  }
0x62: {  	[spmem:s3] =	stream.indirect.scatter.add.bf16 [tilespmem:s22], [sflag:$0x4], $0x40, s5, s21, $0xb8;
	[tilespmem:$0x1F100] =	vst v63  }
0x63: {  	_ =	swait.ge [sflag:s28], $0x2000  }
0x64: {  	[sflag:s28] =	ssyncset.done $0x0  }
0x65: {  	s5 =	sadd.s32 $0x2900, s24;
	[sflag:s28] =	ssyncadd.s32 $0xFFFFE000  }
0x66: {  	[spmem:s3] =	stream.indirect.scatter.add.bf16 [tilespmem:s23], [sflag:$0x5], $0x40, s5, s21, $0xb8;
	[tilespmem:$0x1F100] =	vst v63  }
0x67: {  	_ =	swait.ge [sflag:s29], $0x2000  }
0x68: {  	[sflag:s29] =	ssyncset.done $0x0  }
0x69: {  	s5 =	sadd.s32 $0x2980, s24;
	[sflag:s29] =	ssyncadd.s32 $0xFFFFE000  }
0x6a: {  	[spmem:s3] =	stream.indirect.scatter.add.bf16 [tilespmem:s25], [sflag:$0x6], $0x40, s5, s21, $0xb8;
	[tilespmem:$0x1F100] =	vst v63  }
0x6b: {  	_ =	swait.ge [sflag:s30], $0x2000  }
0x6c: {  	[sflag:s30] =	ssyncset.done $0x0  }
0x6d: {  	s5 =	sadd.s32 $0x180, s24;
	[sflag:s30] =	ssyncadd.s32 $0xFFFFE000  }
0x6e: {  	[tilespmem:s22], [sflag:$0x1] =	stream.indirect.gather [spmem:s1], $0x40, s5, s21, $0xb8;
	[tilespmem:$0x1F100] =	vst v63  }
0x6f: {  	_ =	swait.ge [sflag:s31], $0x2000  }
0x70: {  	[sflag:s31] =	ssyncset.done $0x0  }
.Ltmp0:
0x71: {  	s5 =	sadd.s32 $0x200, s24;
	[sflag:s31] =	ssyncadd.s32 $0xFFFFE000;
	(pc) =	sbr.rel @p1 .LBB2_2-.Ltmp0, $4  }
0x72: {  	[tilespmem:s23], [sflag:$0x2] =	stream.indirect.gather [spmem:s1], $0x40, s5, s21, $0xb8;
	[tilespmem:$0x1F100] =	vst v63  }
0x73: {  	_ =	swait.ge [sflag:s0], $0x2000  }
0x74: {  	[sflag:s0] =	ssyncset.done $0x0  }
0x75: {  	s24 =	sadd.s32 $0x280, s24;
	[sflag:s0] =	ssyncadd.s32 $0xFFFFE000  }
0x76: {  	[tilespmem:s25], [sflag:$0x3] =	stream.indirect.gather [spmem:s1], $0x40, s24, s21, $0xb8;
	[tilespmem:$0x1F100] =	vst v63  }
0x77: {  	_ =	swait.ge [sflag:s26], $0x2000  }
0x78: {  	[sflag:s26] =	ssyncset.done $0x0  }
0x79: {  	s5 =	simm.s32 $0x4F80;
	[sflag:s26] =	ssyncadd.s32 $0xFFFFE000  }
0x7a: {  	[spmem:s3] =	stream.indirect.scatter.add.bf16 [tilespmem:s22], [sflag:$0x4], $0x40, s5, s21, $0xb8;
	[tilespmem:$0x1F100] =	vst v63  }
0x7b: {  	_ =	swait.ge [sflag:s28], $0x2000  }
0x7c: {  	[sflag:s28] =	ssyncset.done $0x0  }
0x7d: {  	s24 =	simm.s32 $0x5000;
	[sflag:s28] =	ssyncadd.s32 $0xFFFFE000  }
0x7e: {  	[spmem:s3] =	stream.indirect.scatter.add.bf16 [tilespmem:s23], [sflag:$0x5], $0x40, s24, s21, $0xb8;
	[tilespmem:$0x1F100] =	vst v63  }
0x7f: {  	_ =	swait.ge [sflag:s29], $0x2000  }
0x80: {  	[sflag:s29] =	ssyncset.done $0x0  }
0x81: {  	s17 =	simm.s32 $0x5080;
	[sflag:s29] =	ssyncadd.s32 $0xFFFFE000  }
0x82: {  	[spmem:s3] =	stream.indirect.scatter.add.bf16 [tilespmem:s25], [sflag:$0x6], $0x40, s17, s21, $0xb8;
	[tilespmem:$0x1F100] =	vst v63  }
0x83: {  	_ =	swait.ge [sflag:s30], $0x2000  }
0x84: {  	[sflag:s30] =	ssyncset.done $0x0  }
0x85: {  	[sflag:s30] =	ssyncadd.s32 $0xFFFFE000  }
0x86: {  	_ =	swait.ge [sflag:s31], $0x2000  }
0x87: {  	[sflag:s31] =	ssyncset.done $0x0  }
0x88: {  	[sflag:s31] =	ssyncadd.s32 $0xFFFFE000  }
0x89: {  	_ =	swait.ge [sflag:s0], $0x2000  }
0x8a: {  	s2 =	sadd.s32 $0x1, s2;
	[sflag:s0] =	ssyncset.done $0x0  }
0x8b: {  	p1 =	sne.s32 s2, s15;
	[sflag:s0] =	ssyncadd.s32 $0xFFFFE000  }
.Ltmp1:
0x8c: {  	s24 =	sshrl.u32 s9, $0x3;
	[bflag:$0x0] =	sbarrier.arrive $0xFFFF;
	(pc) =	sbr.rel @p1 .LBB2_1-.Ltmp1, $4  }
0x8d: {  	[hbm:s14], [sflag:s18] =	dma.local [spmem:s24], $0x1400  }
0x8e: {  	_ =	swait.ge [sflag:s16], $0x1400  }
0x8f: {  	[sflag:s16] =	ssyncset.done $0x0  }
0x90: {  	[sflag:s16] =	ssyncadd.s32 $0xFFFFEC00  }
0x91: {  	_ =	sfence.sel $0x180000  }
0x92: {  	[bflag:$0x0] =	sbarrier.arrive $0xFFFF  }
0x93: {  	_ =	strace $0x9000004A  }
0x94: {  	s0 =	stileid.u32;
	[bflag:$0x2] =	sbarrier.arrive $0xFFFF  }
0x95: {  	p0 =	sne.s32 s0, $0x0;
	s0 =	rddreg [dreg:$0x4]  }
0x96: {  	s0 =	sadd.s32 @!p0 $0x100000, s0  }
0x97: {  	[sflag:s0] =	ssyncadd.tile.s32 @!p0 $0x1;
	_ =	shalt  }
.Lfunc_end2:
_tile_overlayer_lowered:
.L_overlay_start_2:
0x98: {  	(tag) =	ssettag $0x2  }
0x99: {  	s0 =	rddreg [dreg:$0x0];
	s2 =	stileid.u32  }
0x9a: {  	s1 =	rddreg [dreg:$0x1];
	p0 =	sne.s32 s2, $0x0  }
0x9b: {  	s3 =	rddreg [dreg:$0x2];
	[bflag:$0x3] =	sbarrier.arrive $0xFFFF;
	s2 =	simm.s32 @!p0 $0x1C07  }
0x9c: {  	[timem:s3], [sflag:s2] =	dma.local @!p0 [hbm:s0], s1  }
0x9d: {  	s0 =	simm.s32 @!p0 $0x7  }
0x9e: {  	_ =	swait.ge @!p0 [sflag:s0], s1  }
0x9f: {  	s1 =	ssub.s32 @!p0 $0x0, s1;
	[sflag:s0] =	ssyncset.done @!p0 $0x0  }
0xa0: {  	[sflag:s0] =	ssyncadd.s32 @!p0 s1  }
0xa1: {  	[bflag:$0x3] =	sbarrier.arrive $0xFFFF  }
0xa2: {  	_ =	shalt  }

</sc_bundles>
